<compile_context>
chip_gen: v7x
topology: tpu7x:2x2x1
jax: 0.10.2.dev20260603
libtpu: 0.0.44.dev20260713+nightly
codegen_flags: <defaults>
</compile_context>

<pallas_src>
import jax
import jax.numpy as jnp
from jax import lax
from jax.experimental import pallas as pl
from jax.experimental.pallas import tpu as pltpu
from jax.experimental.pallas import tpu_sc as plsc

_D = 128
_W = _D // 2
_C = 128
_G = _C // 16
_NW = 32
_NS = 16
_ZB = 32


def _distmult_body(src_hbm, dst_hbm, et_hbm, z_hbm, relp_hbm, out_hbm,
                   relp_v, src_v, dst_v, et_v,
                   srows0, drows0, srows1, drows1, outv0, outv1, zstage0,
                   zstage1, zpack, z_sh, sem_s0, sem_d0, sem_s1, sem_d1,
                   sem_o0, sem_o1):
    sid = lax.axis_index("s")
    wid = sid * 2 + lax.axis_index("c")
    e_per = src_hbm.shape[0] // _NW
    n_chunks = -(-e_per // _C) + (-(-e_per // _C)) % 2
    last_base = e_per - _C
    e_base = wid * e_per
    n_nodes = z_hbm.shape[0]

    lane = lax.iota(jnp.int32, 16)
    row_idx = [lane + (g * 16) for g in range(_G)]
    himask = jnp.full((16,), -65536, jnp.int32)

    stripe = 8 * (-(-n_nodes // (8 * _NS)))
    n_blk = -(-stripe // _ZB)
    zbase = jnp.minimum(sid * stripe, n_nodes - stripe)

    pltpu.async_copy(relp_hbm, relp_v, sem_d0)
    pltpu.async_copy(src_hbm.at[pl.ds(e_base, e_per)], src_v, sem_d1)
    pltpu.async_copy(dst_hbm.at[pl.ds(e_base, e_per)], dst_v, sem_o0)
    pltpu.async_copy(et_hbm.at[pl.ds(e_base, e_per)], et_v, sem_o1)

    def zin_base(b):
        return zbase + jnp.minimum(b * _ZB, stripe - _ZB)

    def zin_issue(b, zstage, sem):
        pltpu.async_copy(z_hbm.at[pl.ds(zin_base(b), _ZB)], zstage, sem)

    def pack_block(b, zstage, sem):
        rbase = zin_base(b)
        pltpu.make_async_copy(z_hbm.at[pl.ds(rbase, _ZB)],
                              zstage, sem).wait()

        def pack_row(r, carry2):
            for j in range(_D // 32):
                lo = zstage[r, pl.ds(j * 32, 16)]
                hi = zstage[r, pl.ds(j * 32 + 16, 16)]
                pair = plsc.pack(lo, hi, format=plsc.PackFormat.INTERLEAVED)
                zpack[r, pl.ds(j * 16, 16)] = plsc.bitcast(pair, jnp.int32)
            return carry2

        lax.fori_loop(0, _ZB, pack_row, 0, unroll=4)
        pltpu.sync_copy(zpack, z_sh.at[pl.ds(rbase, _ZB)])

    zin_issue(0, zstage0, sem_s0)

    def pack_pair(i, carry):
        b = i * 2
        zin_issue(b + 1, zstage1, sem_s1)
        pack_block(b, zstage0, sem_s0)

        @pl.when(b + 2 < n_blk)
        def _():
            zin_issue(b + 2, zstage0, sem_s0)

        pack_block(b + 1, zstage1, sem_s1)
        return carry

    lax.fori_loop(0, n_blk // 2, pack_pair, 0)

    pltpu.make_async_copy(relp_hbm, relp_v, sem_d0).wait()
    pltpu.make_async_copy(src_hbm.at[pl.ds(e_base, e_per)], src_v,
                          sem_d1).wait()
    pltpu.make_async_copy(dst_hbm.at[pl.ds(e_base, e_per)], dst_v,
                          sem_o0).wait()
    pltpu.make_async_copy(et_hbm.at[pl.ds(e_base, e_per)], et_v,
                          sem_o1).wait()
    plsc.subcore_barrier()

    def lbase_of(c):
        return jnp.minimum(c * _C, last_base)

    def issue(c, srows, drows, sem_s, sem_d):
        lbase = lbase_of(c)
        pltpu.async_copy(z_sh.at[src_v.at[pl.ds(lbase, _C)]], srows, sem_s)
        pltpu.async_copy(z_sh.at[dst_v.at[pl.ds(lbase, _C)]], drows, sem_d)

    def compute(c, srows, drows, sem_s, sem_d, outv, sem_o):
        lbase = lbase_of(c)
        pltpu.make_async_copy(z_sh.at[src_v.at[pl.ds(lbase, _C)]],
                              srows, sem_s).wait()
        pltpu.make_async_copy(z_sh.at[dst_v.at[pl.ds(lbase, _C)]],
                              drows, sem_d).wait()

        @pl.when(c >= 2)
        def _():
            pltpu.make_async_copy(
                outv, out_hbm.at[pl.ds(e_base + lbase, _C)], sem_o).wait()
        for half in range(2):
            gs = range(half * (_G // 2), (half + 1) * (_G // 2))
            tvs = {g: et_v[pl.ds(lbase + g * 16, 16)] for g in gs}

            def p_body(p, accs):
                acc_e, acc_o = accs
                col = (jnp.full((16,), p, jnp.int32) + lane) & (_W - 1)
                new_e, new_o = [], []
                for k, g in enumerate(gs):
                    sw = plsc.load_gather(srows, [row_idx[g], col])
                    tw = plsc.load_gather(drows, [row_idx[g], col])
                    rw = plsc.load_gather(relp_v, [tvs[g], col])
                    st = (plsc.bitcast(sw, jnp.bfloat16)
                          * plsc.bitcast(tw, jnp.bfloat16))
                    pr = st * plsc.bitcast(rw, jnp.bfloat16)
                    pw = plsc.bitcast(pr, jnp.int32)
                    new_e.append(acc_e[k]
                                 + plsc.bitcast(pw << 16, jnp.float32))
                    new_o.append(acc_o[k]
                                 + plsc.bitcast(pw & himask, jnp.float32))
                return tuple(new_e), tuple(new_o)

            zero = tuple(jnp.zeros((16,), jnp.float32) for _ in range(_G // 2))
            acc_e, acc_o = lax.fori_loop(0, _W, p_body, (zero, zero),
                                         unroll=2)
            for k, g in enumerate(gs):
                outv[pl.ds(g * 16, 16)] = acc_e[k] + acc_o[k]
        pltpu.async_copy(outv, out_hbm.at[pl.ds(e_base + lbase, _C)], sem_o)

    issue(0, srows0, drows0, sem_s0, sem_d0)

    def pair_body(i, carry):
        c = i * 2
        issue(c + 1, srows1, drows1, sem_s1, sem_d1)
        compute(c, srows0, drows0, sem_s0, sem_d0, outv0, sem_o0)

        @pl.when(c + 2 < n_chunks)
        def _():
            issue(c + 2, srows0, drows0, sem_s0, sem_d0)

        compute(c + 1, srows1, drows1, sem_s1, sem_d1, outv1, sem_o1)
        return carry

    lax.fori_loop(0, n_chunks // 2, pair_body, 0)
    pltpu.make_async_copy(outv0, out_hbm.at[pl.ds(e_base, _C)],
                          sem_o0).wait()
    pltpu.make_async_copy(outv1, out_hbm.at[pl.ds(e_base, _C)],
                          sem_o1).wait()


def _pack_rel(rel_emb):
    r = rel_emb.astype(jnp.bfloat16).reshape(rel_emb.shape[0], _D // 32, 32)
    lo = lax.bitcast_convert_type(r[:, :, :16], jnp.uint16).astype(jnp.int32)
    hi = lax.bitcast_convert_type(r[:, :, 16:], jnp.uint16).astype(jnp.int32)
    return (lo | (hi << 16)).reshape(rel_emb.shape[0], _W)


def kernel(z, edge_index, edge_type, rel_emb):
    src = edge_index[0].astype(jnp.int32)
    dst = edge_index[1].astype(jnp.int32)
    et = edge_type.astype(jnp.int32)
    e = src.shape[0]
    relp = _pack_rel(rel_emb)
    mesh = plsc.VectorSubcoreMesh(core_axis_name="c", subcore_axis_name="s")
    f = pl.kernel(
        _distmult_body,
        out_type=jax.ShapeDtypeStruct((e,), jnp.float32),
        mesh=mesh,
        compiler_params=pltpu.CompilerParams(needs_layout_passes=False,
                                             use_tc_tiling_on_sc=False),
        scratch_types=[
            pltpu.VMEM(relp.shape, jnp.int32),
            pltpu.VMEM((e // _NW,), jnp.int32),
            pltpu.VMEM((e // _NW,), jnp.int32),
            pltpu.VMEM((e // _NW,), jnp.int32),
            pltpu.VMEM((_C, _W), jnp.int32),
            pltpu.VMEM((_C, _W), jnp.int32),
            pltpu.VMEM((_C, _W), jnp.int32),
            pltpu.VMEM((_C, _W), jnp.int32),
            pltpu.VMEM((_C,), jnp.float32),
            pltpu.VMEM((_C,), jnp.float32),
            pltpu.VMEM((_ZB, _D), jnp.float32),
            pltpu.VMEM((_ZB, _D), jnp.float32),
            pltpu.VMEM((_ZB, _W), jnp.int32),
            pltpu.VMEM_SHARED((z.shape[0], _W), jnp.int32),
            pltpu.SemaphoreType.DMA,
            pltpu.SemaphoreType.DMA,
            pltpu.SemaphoreType.DMA,
            pltpu.SemaphoreType.DMA,
            pltpu.SemaphoreType.DMA,
            pltpu.SemaphoreType.DMA,
        ],
    )
    return f(src, dst, et, z, relp)

# --- scband reference (transcript-rebuilt; emitter-appended) ---
"""Pipeline reference for scband-dist-mult-decoder-60103772340547 (READ-ONLY COPY).

The authoritative reference and input builder live on the scoring server;
editing this copy changes nothing except your own understanding.
"""

import jax, jax.numpy as jnp
import numpy as np

N_NODES = 10000
N_EDGES = 320000
D = 128
NUM_REL = 237


def setup_inputs(seed: int = 0) -> dict:
    key = jax.random.key(seed)
    k1, k2, k3, k4 = jax.random.split(key, 4)
    z = jax.random.normal(k1, (N_NODES, D), dtype=jnp.float32)
    edge_index = jax.random.randint(k2, (2, N_EDGES), 0, N_NODES, dtype=jnp.int64)
    edge_type = jax.random.randint(k3, (N_EDGES,), 0, NUM_REL, dtype=jnp.int64)
    # xavier_uniform for rel_emb: gain=1, bound = sqrt(6/(fan_in+fan_out))
    bound = float(np.sqrt(6.0 / (NUM_REL + D)))
    rel_emb = jax.random.uniform(k4, (NUM_REL, D), dtype=jnp.float32, minval=-bound, maxval=bound)
    return {"z": z, "edge_index": edge_index, "edge_type": edge_type, "rel_emb": rel_emb}


def reference(z, edge_index, edge_type, rel_emb):
    # DistMult decoder: score(s, r, o) = sum_d z_s[d] * rel_r[d] * z_o[d]
    z_src = jnp.take(z, edge_index[0], axis=0)
    z_dst = jnp.take(z, edge_index[1], axis=0)
    rel = jnp.take(rel_emb, edge_type, axis=0)
    return jnp.sum(z_src * rel * z_dst, axis=1)

if __name__ == "__main__":
    import jax
    _d = setup_inputs()
    print(jax.jit(kernel)(*tuple(_d.values())))

</pallas_src>

<mosaic_0001>
#map = affine_map<(d0, d1) -> (0)>
#map1 = affine_map<(d0, d1) -> (0, 0)>
module attributes {stable_mosaic.version = 14 : i64} {
  func.func @_distmult_body(%arg0: i32, %arg1: i32, %arg2: memref<320000xi32, #tpu.memory_space<hbm>>, %arg3: memref<320000xi32, #tpu.memory_space<hbm>>, %arg4: memref<320000xi32, #tpu.memory_space<hbm>>, %arg5: memref<10000x128xf32, #tpu.memory_space<hbm>>, %arg6: memref<237x64xi32, #tpu.memory_space<hbm>>, %arg7: memref<320000xf32, #tpu.memory_space<hbm>>, %arg8: memref<237x64xi32, #tpu.memory_space<vmem>>, %arg9: memref<10000xi32, #tpu.memory_space<vmem>>, %arg10: memref<10000xi32, #tpu.memory_space<vmem>>, %arg11: memref<10000xi32, #tpu.memory_space<vmem>>, %arg12: memref<128x64xi32, #tpu.memory_space<vmem>>, %arg13: memref<128x64xi32, #tpu.memory_space<vmem>>, %arg14: memref<128x64xi32, #tpu.memory_space<vmem>>, %arg15: memref<128x64xi32, #tpu.memory_space<vmem>>, %arg16: memref<128xf32, #tpu.memory_space<vmem>>, %arg17: memref<128xf32, #tpu.memory_space<vmem>>, %arg18: memref<32x128xf32, #tpu.memory_space<vmem>>, %arg19: memref<32x128xf32, #tpu.memory_space<vmem>>, %arg20: memref<32x64xi32, #tpu.memory_space<vmem>>, %arg21: memref<10000x64xi32, #tpu.memory_space<vmem_shared>>, %arg22: memref<!tpu.dma_semaphore, #tpu.memory_space<semaphore_mem>>, %arg23: memref<!tpu.dma_semaphore, #tpu.memory_space<semaphore_mem>>, %arg24: memref<!tpu.dma_semaphore, #tpu.memory_space<semaphore_mem>>, %arg25: memref<!tpu.dma_semaphore, #tpu.memory_space<semaphore_mem>>, %arg26: memref<!tpu.dma_semaphore, #tpu.memory_space<semaphore_mem>>, %arg27: memref<!tpu.dma_semaphore, #tpu.memory_space<semaphore_mem>>) attributes {dimension_semantics = [#tpu.dimension_semantics<core_parallel>, #tpu.dimension_semantics<subcore_parallel>], iteration_bounds = array<i64: 2, 16>, scalar_prefetch = 0 : i64, scratch_operands = 20 : i64, tpu.core_type = #tpu.core_type<sc_vector_subcore>, window_params = [{transform_indices = #map}, {transform_indices = #map}, {transform_indices = #map}, {transform_indices = #map1}, {transform_indices = #map1}, {transform_indices = #map}]} {
    %mul3A = arith.constant 2 : i32
    %mul3A_0 = arith.muli %arg1, %mul3A : i32
    %add3A = arith.addi %mul3A_0, %arg0 : i32
    %mul3A_1 = arith.constant 10000 : i32
    %mul3A_2 = arith.muli %add3A, %mul3A_1 : i32
    %iota3A = tpu.iota {dimensions = array<i32: 0>} : vector<16xi32>
    %add3A_3 = arith.constant 0 : i32
    %add3A_4 = vector.broadcast %add3A_3 : i32 to vector<16xi32>
    %add3A_5 = arith.addi %iota3A, %add3A_4 : vector<16xi32>
    %add3A_6 = arith.constant 16 : i32
    %add3A_7 = vector.broadcast %add3A_6 : i32 to vector<16xi32>
    %add3A_8 = arith.addi %iota3A, %add3A_7 : vector<16xi32>
    %add3A_9 = arith.constant 32 : i32
    %add3A_10 = vector.broadcast %add3A_9 : i32 to vector<16xi32>
    %add3A_11 = arith.addi %iota3A, %add3A_10 : vector<16xi32>
    %add3A_12 = arith.constant 48 : i32
    %add3A_13 = vector.broadcast %add3A_12 : i32 to vector<16xi32>
    %add3A_14 = arith.addi %iota3A, %add3A_13 : vector<16xi32>
    %add3A_15 = arith.constant 64 : i32
    %add3A_16 = vector.broadcast %add3A_15 : i32 to vector<16xi32>
    %add3A_17 = arith.addi %iota3A, %add3A_16 : vector<16xi32>
    %add3A_18 = arith.constant 80 : i32
    %add3A_19 = vector.broadcast %add3A_18 : i32 to vector<16xi32>
    %add3A_20 = arith.addi %iota3A, %add3A_19 : vector<16xi32>
    %add3A_21 = arith.constant 96 : i32
    %add3A_22 = vector.broadcast %add3A_21 : i32 to vector<16xi32>
    %add3A_23 = arith.addi %iota3A, %add3A_22 : vector<16xi32>
    %add3A_24 = arith.constant 112 : i32
    %add3A_25 = vector.broadcast %add3A_24 : i32 to vector<16xi32>
    %add3A_26 = arith.addi %iota3A, %add3A_25 : vector<16xi32>
    %broadcast_in_dim3A = arith.constant -65536 : i32
    %broadcast_in_dim3A_27 = vector.broadcast %broadcast_in_dim3A : i32 to vector<16xi32>
    %mul3A_28 = arith.constant 632 : i32
    %mul3A_29 = arith.muli %arg1, %mul3A_28 : i32
    %min3A = arith.constant 9368 : i32
    %min3A_30 = arith.minsi %mul3A_29, %min3A : i32
    tpu.enqueue_dma source(%arg6 : memref<237x64xi32, #tpu.memory_space<hbm>>) target(%arg8 : memref<237x64xi32, #tpu.memory_space<vmem>>) target_semaphore(%arg23 : memref<!tpu.dma_semaphore, #tpu.memory_space<semaphore_mem>>)
    %dma_start3A = tpu.memref_slice %arg2[%mul3A_2] : memref<320000xi32, #tpu.memory_space<hbm>> -> memref<10000xi32, #tpu.memory_space<hbm>>
    %dma_start3A_31 = tpu.memref_slice %arg2[%mul3A_2] : memref<320000xi32, #tpu.memory_space<hbm>> -> memref<10000xi32, #tpu.memory_space<hbm>>
    tpu.enqueue_dma source(%dma_start3A_31 : memref<10000xi32, #tpu.memory_space<hbm>>) target(%arg9 : memref<10000xi32, #tpu.memory_space<vmem>>) target_semaphore(%arg25 : memref<!tpu.dma_semaphore, #tpu.memory_space<semaphore_mem>>)
    %dma_start3A_32 = tpu.memref_slice %arg3[%mul3A_2] : memref<320000xi32, #tpu.memory_space<hbm>> -> memref<10000xi32, #tpu.memory_space<hbm>>
    %dma_start3A_33 = tpu.memref_slice %arg3[%mul3A_2] : memref<320000xi32, #tpu.memory_space<hbm>> -> memref<10000xi32, #tpu.memory_space<hbm>>
    tpu.enqueue_dma source(%dma_start3A_33 : memref<10000xi32, #tpu.memory_space<hbm>>) target(%arg10 : memref<10000xi32, #tpu.memory_space<vmem>>) target_semaphore(%arg26 : memref<!tpu.dma_semaphore, #tpu.memory_space<semaphore_mem>>)
    %dma_start3A_34 = tpu.memref_slice %arg4[%mul3A_2] : memref<320000xi32, #tpu.memory_space<hbm>> -> memref<10000xi32, #tpu.memory_space<hbm>>
    %dma_start3A_35 = tpu.memref_slice %arg4[%mul3A_2] : memref<320000xi32, #tpu.memory_space<hbm>> -> memref<10000xi32, #tpu.memory_space<hbm>>
    tpu.enqueue_dma source(%dma_start3A_35 : memref<10000xi32, #tpu.memory_space<hbm>>) target(%arg11 : memref<10000xi32, #tpu.memory_space<vmem>>) target_semaphore(%arg27 : memref<!tpu.dma_semaphore, #tpu.memory_space<semaphore_mem>>)
    %min3A_36 = arith.constant 0 : i32
    %min3A_37 = arith.constant 600 : i32
    %min3A_38 = arith.minsi %min3A_36, %min3A_37 : i32
    %add3A_39 = arith.addi %min3A_30, %min3A_38 : i32
    %dma_start3A_40 = arith.constant 0 : i32
    %dma_start3A_41 = tpu.memref_slice %arg5[%add3A_39, %dma_start3A_40] : memref<10000x128xf32, #tpu.memory_space<hbm>> -> memref<32x128xf32, #tpu.memory_space<hbm>>
    %dma_start3A_42 = arith.constant 0 : i32
    %dma_start3A_43 = tpu.memref_slice %arg5[%add3A_39, %dma_start3A_42] : memref<10000x128xf32, #tpu.memory_space<hbm>> -> memref<32x128xf32, #tpu.memory_space<hbm>>
    tpu.enqueue_dma source(%dma_start3A_43 : memref<32x128xf32, #tpu.memory_space<hbm>>) target(%arg18 : memref<32x128xf32, #tpu.memory_space<vmem>>) target_semaphore(%arg22 : memref<!tpu.dma_semaphore, #tpu.memory_space<semaphore_mem>>)
    %scan3A = arith.constant 0 : i32
    %scan3A_44 = arith.constant 0 : i32
    %scan3A_45 = arith.constant 10 : i32
    %scan3A_46 = arith.addi %scan3A_44, %scan3A_45 : i32
    %scan3A_47 = arith.constant 1 : i32
    scf.for %scan3A_75 = %scan3A_44 to %scan3A_46 step %scan3A_47  : i32 {
      %mul3A_76 = arith.constant 2 : i32
      %mul3A_77 = arith.muli %scan3A_75, %mul3A_76 : i32
      %add3A_78 = arith.constant 1 : i32
      %add3A_79 = arith.addi %mul3A_77, %add3A_78 : i32
      %mul3A_80 = arith.constant 32 : i32
      %mul3A_81 = arith.muli %add3A_79, %mul3A_80 : i32
      %min3A_82 = arith.constant 600 : i32
      %min3A_83 = arith.minsi %mul3A_81, %min3A_82 : i32
      %add3A_84 = arith.addi %min3A_30, %min3A_83 : i32
      %dma_start3A_85 = arith.constant 0 : i32
      %dma_start3A_86 = tpu.memref_slice %arg5[%add3A_84, %dma_start3A_85] : memref<10000x128xf32, #tpu.memory_space<hbm>> -> memref<32x128xf32, #tpu.memory_space<hbm>>
      %dma_start3A_87 = arith.constant 0 : i32
      %dma_start3A_88 = tpu.memref_slice %arg5[%add3A_84, %dma_start3A_87] : memref<10000x128xf32, #tpu.memory_space<hbm>> -> memref<32x128xf32, #tpu.memory_space<hbm>>
      tpu.enqueue_dma source(%dma_start3A_88 : memref<32x128xf32, #tpu.memory_space<hbm>>) target(%arg19 : memref<32x128xf32, #tpu.memory_space<vmem>>) target_semaphore(%arg24 : memref<!tpu.dma_semaphore, #tpu.memory_space<semaphore_mem>>)
      %mul3A_89 = arith.constant 32 : i32
      %mul3A_90 = arith.muli %mul3A_77, %mul3A_89 : i32
      %min3A_91 = arith.constant 600 : i32
      %min3A_92 = arith.minsi %mul3A_90, %min3A_91 : i32
      %add3A_93 = arith.addi %min3A_30, %min3A_92 : i32
      %dma_wait3A_94 = arith.constant 0 : i32
      %dma_wait3A_95 = tpu.memref_slice %arg5[%add3A_93, %dma_wait3A_94] : memref<10000x128xf32, #tpu.memory_space<hbm>> -> memref<32x128xf32, #tpu.memory_space<hbm>>
      %dma_wait3A_96 = arith.constant 0 : i32
      %dma_wait3A_97 = tpu.memref_slice %arg5[%add3A_93, %dma_wait3A_96] : memref<10000x128xf32, #tpu.memory_space<hbm>> -> memref<32x128xf32, #tpu.memory_space<hbm>>
      tpu.wait_dma2 semaphore(%arg22 : memref<!tpu.dma_semaphore, #tpu.memory_space<semaphore_mem>>) src(%dma_wait3A_97 : memref<32x128xf32, #tpu.memory_space<hbm>>) dst(%arg18 : memref<32x128xf32, #tpu.memory_space<vmem>>)
      %scan3A_98 = arith.constant 0 : i32
      %scan3A_99 = arith.constant 0 : i32
      %scan3A_100 = arith.constant 32 : i32
      %scan3A_101 = arith.addi %scan3A_99, %scan3A_100 : i32
      %scan3A_102 = arith.constant 4 : i32
      scf.for %scan3A_125 = %scan3A_99 to %scan3A_101 step %scan3A_102  : i32 {
        %get3A = arith.index_cast %scan3A_125 : i32 to index
        %get3A_126 = arith.constant 0 : index
        %get3A_127 = tpu.vector_load %arg18[%get3A, %get3A_126] {strides = array<i32>} : memref<32x128xf32, #tpu.memory_space<vmem>>, vector<16xf32>,
        %get3A_128 = arith.index_cast %scan3A_125 : i32 to index
        %get3A_129 = arith.constant 16 : index
        %get3A_130 = tpu.vector_load %arg18[%get3A_128, %get3A_129] {strides = array<i32>} : memref<32x128xf32, #tpu.memory_space<vmem>>, vector<16xf32>,
        %pack3A = tpu.pack_subelements %get3A_127, %get3A_130 {pack_format = #tpu.pack_format<interleaved>, positions = array<i32: 0, 1>} : vector<16xf32>, vector<16xf32> -> vector<32xbf16>
        %bitcast3A = vector.bitcast %pack3A : vector<32xbf16> to vector<16xi32>
        %swap3A = arith.index_cast %scan3A_125 : i32 to index
        %swap3A_131 = arith.constant 0 : index
        %swap3A_132 = tpu.vector_load %arg20[%swap3A, %swap3A_131] {strides = array<i32>} : memref<32x64xi32, #tpu.memory_space<vmem>>, vector<16xi32>,
        tpu.vector_store %arg20[%swap3A, %swap3A_131], %bitcast3A {strides = array<i32>} : memref<32x64xi32, #tpu.memory_space<vmem>>, vector<16xi32>,
        %get3A_133 = arith.index_cast %scan3A_125 : i32 to index
        %get3A_134 = arith.constant 32 : index
        %get3A_135 = tpu.vector_load %arg18[%get3A_133, %get3A_134] {strides = array<i32>} : memref<32x128xf32, #tpu.memory_space<vmem>>, vector<16xf32>,
        %get3A_136 = arith.index_cast %scan3A_125 : i32 to index
        %get3A_137 = arith.constant 48 : index
        %get3A_138 = tpu.vector_load %arg18[%get3A_136, %get3A_137] {strides = array<i32>} : memref<32x128xf32, #tpu.memory_space<vmem>>, vector<16xf32>,
        %pack3A_139 = tpu.pack_subelements %get3A_135, %get3A_138 {pack_format = #tpu.pack_format<interleaved>, positions = array<i32: 0, 1>} : vector<16xf32>, vector<16xf32> -> vector<32xbf16>
        %bitcast3A_140 = vector.bitcast %pack3A_139 : vector<32xbf16> to vector<16xi32>
        %swap3A_141 = arith.index_cast %scan3A_125 : i32 to index
        %swap3A_142 = arith.constant 16 : index
        %swap3A_143 = tpu.vector_load %arg20[%swap3A_141, %swap3A_142] {strides = array<i32>} : memref<32x64xi32, #tpu.memory_space<vmem>>, vector<16xi32>,
        tpu.vector_store %arg20[%swap3A_141, %swap3A_142], %bitcast3A_140 {strides = array<i32>} : memref<32x64xi32, #tpu.memory_space<vmem>>, vector<16xi32>,
        %get3A_144 = arith.index_cast %scan3A_125 : i32 to index
        %get3A_145 = arith.constant 64 : index
        %get3A_146 = tpu.vector_load %arg18[%get3A_144, %get3A_145] {strides = array<i32>} : memref<32x128xf32, #tpu.memory_space<vmem>>, vector<16xf32>,
        %get3A_147 = arith.index_cast %scan3A_125 : i32 to index
        %get3A_148 = arith.constant 80 : index
        %get3A_149 = tpu.vector_load %arg18[%get3A_147, %get3A_148] {strides = array<i32>} : memref<32x128xf32, #tpu.memory_space<vmem>>, vector<16xf32>,
        %pack3A_150 = tpu.pack_subelements %get3A_146, %get3A_149 {pack_format = #tpu.pack_format<interleaved>, positions = array<i32: 0, 1>} : vector<16xf32>, vector<16xf32> -> vector<32xbf16>
        %bitcast3A_151 = vector.bitcast %pack3A_150 : vector<32xbf16> to vector<16xi32>
        %swap3A_152 = arith.index_cast %scan3A_125 : i32 to index
        %swap3A_153 = arith.constant 32 : index
        %swap3A_154 = tpu.vector_load %arg20[%swap3A_152, %swap3A_153] {strides = array<i32>} : memref<32x64xi32, #tpu.memory_space<vmem>>, vector<16xi32>,
        tpu.vector_store %arg20[%swap3A_152, %swap3A_153], %bitcast3A_151 {strides = array<i32>} : memref<32x64xi32, #tpu.memory_space<vmem>>, vector<16xi32>,
        %get3A_155 = arith.index_cast %scan3A_125 : i32 to index
        %get3A_156 = arith.constant 96 : index
        %get3A_157 = tpu.vector_load %arg18[%get3A_155, %get3A_156] {strides = array<i32>} : memref<32x128xf32, #tpu.memory_space<vmem>>, vector<16xf32>,
        %get3A_158 = arith.index_cast %scan3A_125 : i32 to index
        %get3A_159 = arith.constant 112 : index
        %get3A_160 = tpu.vector_load %arg18[%get3A_158, %get3A_159] {strides = array<i32>} : memref<32x128xf32, #tpu.memory_space<vmem>>, vector<16xf32>,
        %pack3A_161 = tpu.pack_subelements %get3A_157, %get3A_160 {pack_format = #tpu.pack_format<interleaved>, positions = array<i32: 0, 1>} : vector<16xf32>, vector<16xf32> -> vector<32xbf16>
        %bitcast3A_162 = vector.bitcast %pack3A_161 : vector<32xbf16> to vector<16xi32>
        %swap3A_163 = arith.index_cast %scan3A_125 : i32 to index
        %swap3A_164 = arith.constant 48 : index
        %swap3A_165 = tpu.vector_load %arg20[%swap3A_163, %swap3A_164] {strides = array<i32>} : memref<32x64xi32, #tpu.memory_space<vmem>>, vector<16xi32>,
        tpu.vector_store %arg20[%swap3A_163, %swap3A_164], %bitcast3A_162 {strides = array<i32>} : memref<32x64xi32, #tpu.memory_space<vmem>>, vector<16xi32>,
        %scan3A_166 = arith.constant 1 : i32
        %scan3A_167 = arith.addi %scan3A_125, %scan3A_166 : i32
        %get3A_168 = arith.index_cast %scan3A_167 : i32 to index
        %get3A_169 = arith.constant 0 : index
        %get3A_170 = tpu.vector_load %arg18[%get3A_168, %get3A_169] {strides = array<i32>} : memref<32x128xf32, #tpu.memory_space<vmem>>, vector<16xf32>,
        %get3A_171 = arith.index_cast %scan3A_167 : i32 to index
        %get3A_172 = arith.constant 16 : index
        %get3A_173 = tpu.vector_load %arg18[%get3A_171, %get3A_172] {strides = array<i32>} : memref<32x128xf32, #tpu.memory_space<vmem>>, vector<16xf32>,
        %pack3A_174 = tpu.pack_subelements %get3A_170, %get3A_173 {pack_format = #tpu.pack_format<interleaved>, positions = array<i32: 0, 1>} : vector<16xf32>, vector<16xf32> -> vector<32xbf16>
        %bitcast3A_175 = vector.bitcast %pack3A_174 : vector<32xbf16> to vector<16xi32>
        %swap3A_176 = arith.index_cast %scan3A_167 : i32 to index
        %swap3A_177 = arith.constant 0 : index
        %swap3A_178 = tpu.vector_load %arg20[%swap3A_176, %swap3A_177] {strides = array<i32>} : memref<32x64xi32, #tpu.memory_space<vmem>>, vector<16xi32>,
        tpu.vector_store %arg20[%swap3A_176, %swap3A_177], %bitcast3A_175 {strides = array<i32>} : memref<32x64xi32, #tpu.memory_space<vmem>>, vector<16xi32>,
        %get3A_179 = arith.index_cast %scan3A_167 : i32 to index
        %get3A_180 = arith.constant 32 : index
        %get3A_181 = tpu.vector_load %arg18[%get3A_179, %get3A_180] {strides = array<i32>} : memref<32x128xf32, #tpu.memory_space<vmem>>, vector<16xf32>,
        %get3A_182 = arith.index_cast %scan3A_167 : i32 to index
        %get3A_183 = arith.constant 48 : index
        %get3A_184 = tpu.vector_load %arg18[%get3A_182, %get3A_183] {strides = array<i32>} : memref<32x128xf32, #tpu.memory_space<vmem>>, vector<16xf32>,
        %pack3A_185 = tpu.pack_subelements %get3A_181, %get3A_184 {pack_format = #tpu.pack_format<interleaved>, positions = array<i32: 0, 1>} : vector<16xf32>, vector<16xf32> -> vector<32xbf16>
        %bitcast3A_186 = vector.bitcast %pack3A_185 : vector<32xbf16> to vector<16xi32>
        %swap3A_187 = arith.index_cast %scan3A_167 : i32 to index
        %swap3A_188 = arith.constant 16 : index
        %swap3A_189 = tpu.vector_load %arg20[%swap3A_187, %swap3A_188] {strides = array<i32>} : memref<32x64xi32, #tpu.memory_space<vmem>>, vector<16xi32>,
        tpu.vector_store %arg20[%swap3A_187, %swap3A_188], %bitcast3A_186 {strides = array<i32>} : memref<32x64xi32, #tpu.memory_space<vmem>>, vector<16xi32>,
        %get3A_190 = arith.index_cast %scan3A_167 : i32 to index
        %get3A_191 = arith.constant 64 : index
        %get3A_192 = tpu.vector_load %arg18[%get3A_190, %get3A_191] {strides = array<i32>} : memref<32x128xf32, #tpu.memory_space<vmem>>, vector<16xf32>,
        %get3A_193 = arith.index_cast %scan3A_167 : i32 to index
        %get3A_194 = arith.constant 80 : index
        %get3A_195 = tpu.vector_load %arg18[%get3A_193, %get3A_194] {strides = array<i32>} : memref<32x128xf32, #tpu.memory_space<vmem>>, vector<16xf32>,
        %pack3A_196 = tpu.pack_subelements %get3A_192, %get3A_195 {pack_format = #tpu.pack_format<interleaved>, positions = array<i32: 0, 1>} : vector<16xf32>, vector<16xf32> -> vector<32xbf16>
        %bitcast3A_197 = vector.bitcast %pack3A_196 : vector<32xbf16> to vector<16xi32>
        %swap3A_198 = arith.index_cast %scan3A_167 : i32 to index
        %swap3A_199 = arith.constant 32 : index
        %swap3A_200 = tpu.vector_load %arg20[%swap3A_198, %swap3A_199] {strides = array<i32>} : memref<32x64xi32, #tpu.memory_space<vmem>>, vector<16xi32>,
        tpu.vector_store %arg20[%swap3A_198, %swap3A_199], %bitcast3A_197 {strides = array<i32>} : memref<32x64xi32, #tpu.memory_space<vmem>>, vector<16xi32>,
        %get3A_201 = arith.index_cast %scan3A_167 : i32 to index
        %get3A_202 = arith.constant 96 : index
        %get3A_203 = tpu.vector_load %arg18[%get3A_201, %get3A_202] {strides = array<i32>} : memref<32x128xf32, #tpu.memory_space<vmem>>, vector<16xf32>,
        %get3A_204 = arith.index_cast %scan3A_167 : i32 to index
        %get3A_205 = arith.constant 112 : index
        %get3A_206 = tpu.vector_load %arg18[%get3A_204, %get3A_205] {strides = array<i32>} : memref<32x128xf32, #tpu.memory_space<vmem>>, vector<16xf32>,
        %pack3A_207 = tpu.pack_subelements %get3A_203, %get3A_206 {pack_format = #tpu.pack_format<interleaved>, positions = array<i32: 0, 1>} : vector<16xf32>, vector<16xf32> -> vector<32xbf16>
        %bitcast3A_208 = vector.bitcast %pack3A_207 : vector<32xbf16> to vector<16xi32>
        %swap3A_209 = arith.index_cast %scan3A_167 : i32 to index
        %swap3A_210 = arith.constant 48 : index
        %swap3A_211 = tpu.vector_load %arg20[%swap3A_209, %swap3A_210] {strides = array<i32>} : memref<32x64xi32, #tpu.memory_space<vmem>>, vector<16xi32>,
        tpu.vector_store %arg20[%swap3A_209, %swap3A_210], %bitcast3A_208 {strides = array<i32>} : memref<32x64xi32, #tpu.memory_space<vmem>>, vector<16xi32>,
        %scan3A_212 = arith.constant 2 : i32
        %scan3A_213 = arith.addi %scan3A_125, %scan3A_212 : i32
        %get3A_214 = arith.index_cast %scan3A_213 : i32 to index
        %get3A_215 = arith.constant 0 : index
        %get3A_216 = tpu.vector_load %arg18[%get3A_214, %get3A_215] {strides = array<i32>} : memref<32x128xf32, #tpu.memory_space<vmem>>, vector<16xf32>,
        %get3A_217 = arith.index_cast %scan3A_213 : i32 to index
        %get3A_218 = arith.constant 16 : index
        %get3A_219 = tpu.vector_load %arg18[%get3A_217, %get3A_218] {strides = array<i32>} : memref<32x128xf32, #tpu.memory_space<vmem>>, vector<16xf32>,
        %pack3A_220 = tpu.pack_subelements %get3A_216, %get3A_219 {pack_format = #tpu.pack_format<interleaved>, positions = array<i32: 0, 1>} : vector<16xf32>, vector<16xf32> -> vector<32xbf16>
        %bitcast3A_221 = vector.bitcast %pack3A_220 : vector<32xbf16> to vector<16xi32>
        %swap3A_222 = arith.index_cast %scan3A_213 : i32 to index
        %swap3A_223 = arith.constant 0 : index
        %swap3A_224 = tpu.vector_load %arg20[%swap3A_222, %swap3A_223] {strides = array<i32>} : memref<32x64xi32, #tpu.memory_space<vmem>>, vector<16xi32>,
        tpu.vector_store %arg20[%swap3A_222, %swap3A_223], %bitcast3A_221 {strides = array<i32>} : memref<32x64xi32, #tpu.memory_space<vmem>>, vector<16xi32>,
        %get3A_225 = arith.index_cast %scan3A_213 : i32 to index
        %get3A_226 = arith.constant 32 : index
        %get3A_227 = tpu.vector_load %arg18[%get3A_225, %get3A_226] {strides = array<i32>} : memref<32x128xf32, #tpu.memory_space<vmem>>, vector<16xf32>,
        %get3A_228 = arith.index_cast %scan3A_213 : i32 to index
        %get3A_229 = arith.constant 48 : index
        %get3A_230 = tpu.vector_load %arg18[%get3A_228, %get3A_229] {strides = array<i32>} : memref<32x128xf32, #tpu.memory_space<vmem>>, vector<16xf32>,
        %pack3A_231 = tpu.pack_subelements %get3A_227, %get3A_230 {pack_format = #tpu.pack_format<interleaved>, positions = array<i32: 0, 1>} : vector<16xf32>, vector<16xf32> -> vector<32xbf16>
        %bitcast3A_232 = vector.bitcast %pack3A_231 : vector<32xbf16> to vector<16xi32>
        %swap3A_233 = arith.index_cast %scan3A_213 : i32 to index
        %swap3A_234 = arith.constant 16 : index
        %swap3A_235 = tpu.vector_load %arg20[%swap3A_233, %swap3A_234] {strides = array<i32>} : memref<32x64xi32, #tpu.memory_space<vmem>>, vector<16xi32>,
        tpu.vector_store %arg20[%swap3A_233, %swap3A_234], %bitcast3A_232 {strides = array<i32>} : memref<32x64xi32, #tpu.memory_space<vmem>>, vector<16xi32>,
        %get3A_236 = arith.index_cast %scan3A_213 : i32 to index
        %get3A_237 = arith.constant 64 : index
        %get3A_238 = tpu.vector_load %arg18[%get3A_236, %get3A_237] {strides = array<i32>} : memref<32x128xf32, #tpu.memory_space<vmem>>, vector<16xf32>,
        %get3A_239 = arith.index_cast %scan3A_213 : i32 to index
        %get3A_240 = arith.constant 80 : index
        %get3A_241 = tpu.vector_load %arg18[%get3A_239, %get3A_240] {strides = array<i32>} : memref<32x128xf32, #tpu.memory_space<vmem>>, vector<16xf32>,
        %pack3A_242 = tpu.pack_subelements %get3A_238, %get3A_241 {pack_format = #tpu.pack_format<interleaved>, positions = array<i32: 0, 1>} : vector<16xf32>, vector<16xf32> -> vector<32xbf16>
        %bitcast3A_243 = vector.bitcast %pack3A_242 : vector<32xbf16> to vector<16xi32>
        %swap3A_244 = arith.index_cast %scan3A_213 : i32 to index
        %swap3A_245 = arith.constant 32 : index
        %swap3A_246 = tpu.vector_load %arg20[%swap3A_244, %swap3A_245] {strides = array<i32>} : memref<32x64xi32, #tpu.memory_space<vmem>>, vector<16xi32>,
        tpu.vector_store %arg20[%swap3A_244, %swap3A_245], %bitcast3A_243 {strides = array<i32>} : memref<32x64xi32, #tpu.memory_space<vmem>>, vector<16xi32>,
        %get3A_247 = arith.index_cast %scan3A_213 : i32 to index
        %get3A_248 = arith.constant 96 : index
        %get3A_249 = tpu.vector_load %arg18[%get3A_247, %get3A_248] {strides = array<i32>} : memref<32x128xf32, #tpu.memory_space<vmem>>, vector<16xf32>,
        %get3A_250 = arith.index_cast %scan3A_213 : i32 to index
        %get3A_251 = arith.constant 112 : index
        %get3A_252 = tpu.vector_load %arg18[%get3A_250, %get3A_251] {strides = array<i32>} : memref<32x128xf32, #tpu.memory_space<vmem>>, vector<16xf32>,
        %pack3A_253 = tpu.pack_subelements %get3A_249, %get3A_252 {pack_format = #tpu.pack_format<interleaved>, positions = array<i32: 0, 1>} : vector<16xf32>, vector<16xf32> -> vector<32xbf16>
        %bitcast3A_254 = vector.bitcast %pack3A_253 : vector<32xbf16> to vector<16xi32>
        %swap3A_255 = arith.index_cast %scan3A_213 : i32 to index
        %swap3A_256 = arith.constant 48 : index
        %swap3A_257 = tpu.vector_load %arg20[%swap3A_255, %swap3A_256] {strides = array<i32>} : memref<32x64xi32, #tpu.memory_space<vmem>>, vector<16xi32>,
        tpu.vector_store %arg20[%swap3A_255, %swap3A_256], %bitcast3A_254 {strides = array<i32>} : memref<32x64xi32, #tpu.memory_space<vmem>>, vector<16xi32>,
        %scan3A_258 = arith.constant 3 : i32
        %scan3A_259 = arith.addi %scan3A_125, %scan3A_258 : i32
        %get3A_260 = arith.index_cast %scan3A_259 : i32 to index
        %get3A_261 = arith.constant 0 : index
        %get3A_262 = tpu.vector_load %arg18[%get3A_260, %get3A_261] {strides = array<i32>} : memref<32x128xf32, #tpu.memory_space<vmem>>, vector<16xf32>,
        %get3A_263 = arith.index_cast %scan3A_259 : i32 to index
        %get3A_264 = arith.constant 16 : index
        %get3A_265 = tpu.vector_load %arg18[%get3A_263, %get3A_264] {strides = array<i32>} : memref<32x128xf32, #tpu.memory_space<vmem>>, vector<16xf32>,
        %pack3A_266 = tpu.pack_subelements %get3A_262, %get3A_265 {pack_format = #tpu.pack_format<interleaved>, positions = array<i32: 0, 1>} : vector<16xf32>, vector<16xf32> -> vector<32xbf16>
        %bitcast3A_267 = vector.bitcast %pack3A_266 : vector<32xbf16> to vector<16xi32>
        %swap3A_268 = arith.index_cast %scan3A_259 : i32 to index
        %swap3A_269 = arith.constant 0 : index
        %swap3A_270 = tpu.vector_load %arg20[%swap3A_268, %swap3A_269] {strides = array<i32>} : memref<32x64xi32, #tpu.memory_space<vmem>>, vector<16xi32>,
        tpu.vector_store %arg20[%swap3A_268, %swap3A_269], %bitcast3A_267 {strides = array<i32>} : memref<32x64xi32, #tpu.memory_space<vmem>>, vector<16xi32>,
        %get3A_271 = arith.index_cast %scan3A_259 : i32 to index
        %get3A_272 = arith.constant 32 : index
        %get3A_273 = tpu.vector_load %arg18[%get3A_271, %get3A_272] {strides = array<i32>} : memref<32x128xf32, #tpu.memory_space<vmem>>, vector<16xf32>,
        %get3A_274 = arith.index_cast %scan3A_259 : i32 to index
        %get3A_275 = arith.constant 48 : index
        %get3A_276 = tpu.vector_load %arg18[%get3A_274, %get3A_275] {strides = array<i32>} : memref<32x128xf32, #tpu.memory_space<vmem>>, vector<16xf32>,
        %pack3A_277 = tpu.pack_subelements %get3A_273, %get3A_276 {pack_format = #tpu.pack_format<interleaved>, positions = array<i32: 0, 1>} : vector<16xf32>, vector<16xf32> -> vector<32xbf16>
        %bitcast3A_278 = vector.bitcast %pack3A_277 : vector<32xbf16> to vector<16xi32>
        %swap3A_279 = arith.index_cast %scan3A_259 : i32 to index
        %swap3A_280 = arith.constant 16 : index
        %swap3A_281 = tpu.vector_load %arg20[%swap3A_279, %swap3A_280] {strides = array<i32>} : memref<32x64xi32, #tpu.memory_space<vmem>>, vector<16xi32>,
        tpu.vector_store %arg20[%swap3A_279, %swap3A_280], %bitcast3A_278 {strides = array<i32>} : memref<32x64xi32, #tpu.memory_space<vmem>>, vector<16xi32>,
        %get3A_282 = arith.index_cast %scan3A_259 : i32 to index
        %get3A_283 = arith.constant 64 : index
        %get3A_284 = tpu.vector_load %arg18[%get3A_282, %get3A_283] {strides = array<i32>} : memref<32x128xf32, #tpu.memory_space<vmem>>, vector<16xf32>,
        %get3A_285 = arith.index_cast %scan3A_259 : i32 to index
        %get3A_286 = arith.constant 80 : index
        %get3A_287 = tpu.vector_load %arg18[%get3A_285, %get3A_286] {strides = array<i32>} : memref<32x128xf32, #tpu.memory_space<vmem>>, vector<16xf32>,
        %pack3A_288 = tpu.pack_subelements %get3A_284, %get3A_287 {pack_format = #tpu.pack_format<interleaved>, positions = array<i32: 0, 1>} : vector<16xf32>, vector<16xf32> -> vector<32xbf16>
        %bitcast3A_289 = vector.bitcast %pack3A_288 : vector<32xbf16> to vector<16xi32>
        %swap3A_290 = arith.index_cast %scan3A_259 : i32 to index
        %swap3A_291 = arith.constant 32 : index
        %swap3A_292 = tpu.vector_load %arg20[%swap3A_290, %swap3A_291] {strides = array<i32>} : memref<32x64xi32, #tpu.memory_space<vmem>>, vector<16xi32>,
        tpu.vector_store %arg20[%swap3A_290, %swap3A_291], %bitcast3A_289 {strides = array<i32>} : memref<32x64xi32, #tpu.memory_space<vmem>>, vector<16xi32>,
        %get3A_293 = arith.index_cast %scan3A_259 : i32 to index
        %get3A_294 = arith.constant 96 : index
        %get3A_295 = tpu.vector_load %arg18[%get3A_293, %get3A_294] {strides = array<i32>} : memref<32x128xf32, #tpu.memory_space<vmem>>, vector<16xf32>,
        %get3A_296 = arith.index_cast %scan3A_259 : i32 to index
        %get3A_297 = arith.constant 112 : index
        %get3A_298 = tpu.vector_load %arg18[%get3A_296, %get3A_297] {strides = array<i32>} : memref<32x128xf32, #tpu.memory_space<vmem>>, vector<16xf32>,
        %pack3A_299 = tpu.pack_subelements %get3A_295, %get3A_298 {pack_format = #tpu.pack_format<interleaved>, positions = array<i32: 0, 1>} : vector<16xf32>, vector<16xf32> -> vector<32xbf16>
        %bitcast3A_300 = vector.bitcast %pack3A_299 : vector<32xbf16> to vector<16xi32>
        %swap3A_301 = arith.index_cast %scan3A_259 : i32 to index
        %swap3A_302 = arith.constant 48 : index
        %swap3A_303 = tpu.vector_load %arg20[%swap3A_301, %swap3A_302] {strides = array<i32>} : memref<32x64xi32, #tpu.memory_space<vmem>>, vector<16xi32>,
        tpu.vector_store %arg20[%swap3A_301, %swap3A_302], %bitcast3A_300 {strides = array<i32>} : memref<32x64xi32, #tpu.memory_space<vmem>>, vector<16xi32>,
      }
      %scan3A_103 = arith.constant 32 : i32
      "tpu.region"() ({
        %run_scoped3A = tpu.sem_alloc : memref<!tpu.dma_semaphore, #tpu.memory_space<semaphore_mem>>
        %dma_start3A_125 = arith.constant 0 : i32
        %dma_start3A_126 = tpu.memref_slice %arg21[%add3A_93, %dma_start3A_125] : memref<10000x64xi32, #tpu.memory_space<vmem_shared>> -> memref<32x64xi32, #tpu.memory_space<vmem_shared>>
        %dma_start3A_127 = arith.constant 0 : i32
        %dma_start3A_128 = tpu.memref_slice %arg21[%add3A_93, %dma_start3A_127] : memref<10000x64xi32, #tpu.memory_space<vmem_shared>> -> memref<32x64xi32, #tpu.memory_space<vmem_shared>>
        tpu.enqueue_dma source(%arg20 : memref<32x64xi32, #tpu.memory_space<vmem>>) target(%dma_start3A_128 : memref<32x64xi32, #tpu.memory_space<vmem_shared>>) target_semaphore(%run_scoped3A : memref<!tpu.dma_semaphore, #tpu.memory_space<semaphore_mem>>)
        %dma_wait3A_129 = arith.constant 0 : i32
        %dma_wait3A_130 = tpu.memref_slice %arg21[%add3A_93, %dma_wait3A_129] : memref<10000x64xi32, #tpu.memory_space<vmem_shared>> -> memref<32x64xi32, #tpu.memory_space<vmem_shared>>
        %dma_wait3A_131 = arith.constant 0 : i32
        %dma_wait3A_132 = tpu.memref_slice %arg21[%add3A_93, %dma_wait3A_131] : memref<10000x64xi32, #tpu.memory_space<vmem_shared>> -> memref<32x64xi32, #tpu.memory_space<vmem_shared>>
        tpu.wait_dma2 semaphore(%run_scoped3A : memref<!tpu.dma_semaphore, #tpu.memory_space<semaphore_mem>>) src(%arg20 : memref<32x64xi32, #tpu.memory_space<vmem>>) dst(%dma_wait3A_132 : memref<32x64xi32, #tpu.memory_space<vmem_shared>>)
        tpu.yield
      }) : () -> ()
      %add3A_104 = arith.constant 2 : i32
      %add3A_105 = arith.addi %mul3A_77, %add3A_104 : i32
      %lt3A = arith.constant 20 : i32
      %lt3A_106 = arith.cmpi slt, %add3A_105, %lt3A : i32
      %convert_element_type3A = arith.extui %lt3A_106 : i1 to i32
      %cond3A = arith.constant 0 : i32
      %cond3A_107 = arith.cmpi ne, %convert_element_type3A, %cond3A : i32
      scf.if %cond3A_107 {
        %add3A_125 = arith.constant 2 : i32
        %add3A_126 = arith.addi %mul3A_77, %add3A_125 : i32
        %mul3A_127 = arith.constant 32 : i32
        %mul3A_128 = arith.muli %add3A_126, %mul3A_127 : i32
        %min3A_129 = arith.constant 600 : i32
        %min3A_130 = arith.minsi %mul3A_128, %min3A_129 : i32
        %add3A_131 = arith.addi %min3A_30, %min3A_130 : i32
        %dma_start3A_132 = arith.constant 0 : i32
        %dma_start3A_133 = tpu.memref_slice %arg5[%add3A_131, %dma_start3A_132] : memref<10000x128xf32, #tpu.memory_space<hbm>> -> memref<32x128xf32, #tpu.memory_space<hbm>>
        %dma_start3A_134 = arith.constant 0 : i32
        %dma_start3A_135 = tpu.memref_slice %arg5[%add3A_131, %dma_start3A_134] : memref<10000x128xf32, #tpu.memory_space<hbm>> -> memref<32x128xf32, #tpu.memory_space<hbm>>
        tpu.enqueue_dma source(%dma_start3A_135 : memref<32x128xf32, #tpu.memory_space<hbm>>) target(%arg18 : memref<32x128xf32, #tpu.memory_space<vmem>>) target_semaphore(%arg22 : memref<!tpu.dma_semaphore, #tpu.memory_space<semaphore_mem>>)
      } else {
      }
      %add3A_108 = arith.constant 1 : i32
      %add3A_109 = arith.addi %mul3A_77, %add3A_108 : i32
      %mul3A_110 = arith.constant 32 : i32
      %mul3A_111 = arith.muli %add3A_109, %mul3A_110 : i32
      %min3A_112 = arith.constant 600 : i32
      %min3A_113 = arith.minsi %mul3A_111, %min3A_112 : i32
      %add3A_114 = arith.addi %min3A_30, %min3A_113 : i32
      %dma_wait3A_115 = arith.constant 0 : i32
      %dma_wait3A_116 = tpu.memref_slice %arg5[%add3A_114, %dma_wait3A_115] : memref<10000x128xf32, #tpu.memory_space<hbm>> -> memref<32x128xf32, #tpu.memory_space<hbm>>
      %dma_wait3A_117 = arith.constant 0 : i32
      %dma_wait3A_118 = tpu.memref_slice %arg5[%add3A_114, %dma_wait3A_117] : memref<10000x128xf32, #tpu.memory_space<hbm>> -> memref<32x128xf32, #tpu.memory_space<hbm>>
      tpu.wait_dma2 semaphore(%arg24 : memref<!tpu.dma_semaphore, #tpu.memory_space<semaphore_mem>>) src(%dma_wait3A_118 : memref<32x128xf32, #tpu.memory_space<hbm>>) dst(%arg19 : memref<32x128xf32, #tpu.memory_space<vmem>>)
      %scan3A_119 = arith.constant 0 : i32
      %scan3A_120 = arith.constant 0 : i32
      %scan3A_121 = arith.constant 32 : i32
      %scan3A_122 = arith.addi %scan3A_120, %scan3A_121 : i32
      %scan3A_123 = arith.constant 4 : i32
      scf.for %scan3A_125 = %scan3A_120 to %scan3A_122 step %scan3A_123  : i32 {
        %get3A = arith.index_cast %scan3A_125 : i32 to index
        %get3A_126 = arith.constant 0 : index
        %get3A_127 = tpu.vector_load %arg19[%get3A, %get3A_126] {strides = array<i32>} : memref<32x128xf32, #tpu.memory_space<vmem>>, vector<16xf32>,
        %get3A_128 = arith.index_cast %scan3A_125 : i32 to index
        %get3A_129 = arith.constant 16 : index
        %get3A_130 = tpu.vector_load %arg19[%get3A_128, %get3A_129] {strides = array<i32>} : memref<32x128xf32, #tpu.memory_space<vmem>>, vector<16xf32>,
        %pack3A = tpu.pack_subelements %get3A_127, %get3A_130 {pack_format = #tpu.pack_format<interleaved>, positions = array<i32: 0, 1>} : vector<16xf32>, vector<16xf32> -> vector<32xbf16>
        %bitcast3A = vector.bitcast %pack3A : vector<32xbf16> to vector<16xi32>
        %swap3A = arith.index_cast %scan3A_125 : i32 to index
        %swap3A_131 = arith.constant 0 : index
        %swap3A_132 = tpu.vector_load %arg20[%swap3A, %swap3A_131] {strides = array<i32>} : memref<32x64xi32, #tpu.memory_space<vmem>>, vector<16xi32>,
        tpu.vector_store %arg20[%swap3A, %swap3A_131], %bitcast3A {strides = array<i32>} : memref<32x64xi32, #tpu.memory_space<vmem>>, vector<16xi32>,
        %get3A_133 = arith.index_cast %scan3A_125 : i32 to index
        %get3A_134 = arith.constant 32 : index
        %get3A_135 = tpu.vector_load %arg19[%get3A_133, %get3A_134] {strides = array<i32>} : memref<32x128xf32, #tpu.memory_space<vmem>>, vector<16xf32>,
        %get3A_136 = arith.index_cast %scan3A_125 : i32 to index
        %get3A_137 = arith.constant 48 : index
        %get3A_138 = tpu.vector_load %arg19[%get3A_136, %get3A_137] {strides = array<i32>} : memref<32x128xf32, #tpu.memory_space<vmem>>, vector<16xf32>,
        %pack3A_139 = tpu.pack_subelements %get3A_135, %get3A_138 {pack_format = #tpu.pack_format<interleaved>, positions = array<i32: 0, 1>} : vector<16xf32>, vector<16xf32> -> vector<32xbf16>
        %bitcast3A_140 = vector.bitcast %pack3A_139 : vector<32xbf16> to vector<16xi32>
        %swap3A_141 = arith.index_cast %scan3A_125 : i32 to index
        %swap3A_142 = arith.constant 16 : index
        %swap3A_143 = tpu.vector_load %arg20[%swap3A_141, %swap3A_142] {strides = array<i32>} : memref<32x64xi32, #tpu.memory_space<vmem>>, vector<16xi32>,
        tpu.vector_store %arg20[%swap3A_141, %swap3A_142], %bitcast3A_140 {strides = array<i32>} : memref<32x64xi32, #tpu.memory_space<vmem>>, vector<16xi32>,
        %get3A_144 = arith.index_cast %scan3A_125 : i32 to index
        %get3A_145 = arith.constant 64 : index
        %get3A_146 = tpu.vector_load %arg19[%get3A_144, %get3A_145] {strides = array<i32>} : memref<32x128xf32, #tpu.memory_space<vmem>>, vector<16xf32>,
        %get3A_147 = arith.index_cast %scan3A_125 : i32 to index
        %get3A_148 = arith.constant 80 : index
        %get3A_149 = tpu.vector_load %arg19[%get3A_147, %get3A_148] {strides = array<i32>} : memref<32x128xf32, #tpu.memory_space<vmem>>, vector<16xf32>,
        %pack3A_150 = tpu.pack_subelements %get3A_146, %get3A_149 {pack_format = #tpu.pack_format<interleaved>, positions = array<i32: 0, 1>} : vector<16xf32>, vector<16xf32> -> vector<32xbf16>
        %bitcast3A_151 = vector.bitcast %pack3A_150 : vector<32xbf16> to vector<16xi32>
        %swap3A_152 = arith.index_cast %scan3A_125 : i32 to index
        %swap3A_153 = arith.constant 32 : index
        %swap3A_154 = tpu.vector_load %arg20[%swap3A_152, %swap3A_153] {strides = array<i32>} : memref<32x64xi32, #tpu.memory_space<vmem>>, vector<16xi32>,
        tpu.vector_store %arg20[%swap3A_152, %swap3A_153], %bitcast3A_151 {strides = array<i32>} : memref<32x64xi32, #tpu.memory_space<vmem>>, vector<16xi32>,
        %get3A_155 = arith.index_cast %scan3A_125 : i32 to index
        %get3A_156 = arith.constant 96 : index
        %get3A_157 = tpu.vector_load %arg19[%get3A_155, %get3A_156] {strides = array<i32>} : memref<32x128xf32, #tpu.memory_space<vmem>>, vector<16xf32>,
        %get3A_158 = arith.index_cast %scan3A_125 : i32 to index
        %get3A_159 = arith.constant 112 : index
        %get3A_160 = tpu.vector_load %arg19[%get3A_158, %get3A_159] {strides = array<i32>} : memref<32x128xf32, #tpu.memory_space<vmem>>, vector<16xf32>,
        %pack3A_161 = tpu.pack_subelements %get3A_157, %get3A_160 {pack_format = #tpu.pack_format<interleaved>, positions = array<i32: 0, 1>} : vector<16xf32>, vector<16xf32> -> vector<32xbf16>
        %bitcast3A_162 = vector.bitcast %pack3A_161 : vector<32xbf16> to vector<16xi32>
        %swap3A_163 = arith.index_cast %scan3A_125 : i32 to index
        %swap3A_164 = arith.constant 48 : index
        %swap3A_165 = tpu.vector_load %arg20[%swap3A_163, %swap3A_164] {strides = array<i32>} : memref<32x64xi32, #tpu.memory_space<vmem>>, vector<16xi32>,
        tpu.vector_store %arg20[%swap3A_163, %swap3A_164], %bitcast3A_162 {strides = array<i32>} : memref<32x64xi32, #tpu.memory_space<vmem>>, vector<16xi32>,
        %scan3A_166 = arith.constant 1 : i32
        %scan3A_167 = arith.addi %scan3A_125, %scan3A_166 : i32
        %get3A_168 = arith.index_cast %scan3A_167 : i32 to index
        %get3A_169 = arith.constant 0 : index
        %get3A_170 = tpu.vector_load %arg19[%get3A_168, %get3A_169] {strides = array<i32>} : memref<32x128xf32, #tpu.memory_space<vmem>>, vector<16xf32>,
        %get3A_171 = arith.index_cast %scan3A_167 : i32 to index
        %get3A_172 = arith.constant 16 : index
        %get3A_173 = tpu.vector_load %arg19[%get3A_171, %get3A_172] {strides = array<i32>} : memref<32x128xf32, #tpu.memory_space<vmem>>, vector<16xf32>,
        %pack3A_174 = tpu.pack_subelements %get3A_170, %get3A_173 {pack_format = #tpu.pack_format<interleaved>, positions = array<i32: 0, 1>} : vector<16xf32>, vector<16xf32> -> vector<32xbf16>
        %bitcast3A_175 = vector.bitcast %pack3A_174 : vector<32xbf16> to vector<16xi32>
        %swap3A_176 = arith.index_cast %scan3A_167 : i32 to index
        %swap3A_177 = arith.constant 0 : index
        %swap3A_178 = tpu.vector_load %arg20[%swap3A_176, %swap3A_177] {strides = array<i32>} : memref<32x64xi32, #tpu.memory_space<vmem>>, vector<16xi32>,
        tpu.vector_store %arg20[%swap3A_176, %swap3A_177], %bitcast3A_175 {strides = array<i32>} : memref<32x64xi32, #tpu.memory_space<vmem>>, vector<16xi32>,
        %get3A_179 = arith.index_cast %scan3A_167 : i32 to index
        %get3A_180 = arith.constant 32 : index
        %get3A_181 = tpu.vector_load %arg19[%get3A_179, %get3A_180] {strides = array<i32>} : memref<32x128xf32, #tpu.memory_space<vmem>>, vector<16xf32>,
        %get3A_182 = arith.index_cast %scan3A_167 : i32 to index
        %get3A_183 = arith.constant 48 : index
        %get3A_184 = tpu.vector_load %arg19[%get3A_182, %get3A_183] {strides = array<i32>} : memref<32x128xf32, #tpu.memory_space<vmem>>, vector<16xf32>,
        %pack3A_185 = tpu.pack_subelements %get3A_181, %get3A_184 {pack_format = #tpu.pack_format<interleaved>, positions = array<i32: 0, 1>} : vector<16xf32>, vector<16xf32> -> vector<32xbf16>
        %bitcast3A_186 = vector.bitcast %pack3A_185 : vector<32xbf16> to vector<16xi32>
        %swap3A_187 = arith.index_cast %scan3A_167 : i32 to index
        %swap3A_188 = arith.constant 16 : index
        %swap3A_189 = tpu.vector_load %arg20[%swap3A_187, %swap3A_188] {strides = array<i32>} : memref<32x64xi32, #tpu.memory_space<vmem>>, vector<16xi32>,
        tpu.vector_store %arg20[%swap3A_187, %swap3A_188], %bitcast3A_186 {strides = array<i32>} : memref<32x64xi32, #tpu.memory_space<vmem>>, vector<16xi32>,
        %get3A_190 = arith.index_cast %scan3A_167 : i32 to index
        %get3A_191 = arith.constant 64 : index
        %get3A_192 = tpu.vector_load %arg19[%get3A_190, %get3A_191] {strides = array<i32>} : memref<32x128xf32, #tpu.memory_space<vmem>>, vector<16xf32>,
        %get3A_193 = arith.index_cast %scan3A_167 : i32 to index
        %get3A_194 = arith.constant 80 : index
        %get3A_195 = tpu.vector_load %arg19[%get3A_193, %get3A_194] {strides = array<i32>} : memref<32x128xf32, #tpu.memory_space<vmem>>, vector<16xf32>,
        %pack3A_196 = tpu.pack_subelements %get3A_192, %get3A_195 {pack_format = #tpu.pack_format<interleaved>, positions = array<i32: 0, 1>} : vector<16xf32>, vector<16xf32> -> vector<32xbf16>
        %bitcast3A_197 = vector.bitcast %pack3A_196 : vector<32xbf16> to vector<16xi32>
        %swap3A_198 = arith.index_cast %scan3A_167 : i32 to index
        %swap3A_199 = arith.constant 32 : index
        %swap3A_200 = tpu.vector_load %arg20[%swap3A_198, %swap3A_199] {strides = array<i32>} : memref<32x64xi32, #tpu.memory_space<vmem>>, vector<16xi32>,
        tpu.vector_store %arg20[%swap3A_198, %swap3A_199], %bitcast3A_197 {strides = array<i32>} : memref<32x64xi32, #tpu.memory_space<vmem>>, vector<16xi32>,
        %get3A_201 = arith.index_cast %scan3A_167 : i32 to index
        %get3A_202 = arith.constant 96 : index
        %get3A_203 = tpu.vector_load %arg19[%get3A_201, %get3A_202] {strides = array<i32>} : memref<32x128xf32, #tpu.memory_space<vmem>>, vector<16xf32>,
        %get3A_204 = arith.index_cast %scan3A_167 : i32 to index
        %get3A_205 = arith.constant 112 : index
        %get3A_206 = tpu.vector_load %arg19[%get3A_204, %get3A_205] {strides = array<i32>} : memref<32x128xf32, #tpu.memory_space<vmem>>, vector<16xf32>,
        %pack3A_207 = tpu.pack_subelements %get3A_203, %get3A_206 {pack_format = #tpu.pack_format<interleaved>, positions = array<i32: 0, 1>} : vector<16xf32>, vector<16xf32> -> vector<32xbf16>
        %bitcast3A_208 = vector.bitcast %pack3A_207 : vector<32xbf16> to vector<16xi32>
        %swap3A_209 = arith.index_cast %scan3A_167 : i32 to index
        %swap3A_210 = arith.constant 48 : index
        %swap3A_211 = tpu.vector_load %arg20[%swap3A_209, %swap3A_210] {strides = array<i32>} : memref<32x64xi32, #tpu.memory_space<vmem>>, vector<16xi32>,
        tpu.vector_store %arg20[%swap3A_209, %swap3A_210], %bitcast3A_208 {strides = array<i32>} : memref<32x64xi32, #tpu.memory_space<vmem>>, vector<16xi32>,
        %scan3A_212 = arith.constant 2 : i32
        %scan3A_213 = arith.addi %scan3A_125, %scan3A_212 : i32
        %get3A_214 = arith.index_cast %scan3A_213 : i32 to index
        %get3A_215 = arith.constant 0 : index
        %get3A_216 = tpu.vector_load %arg19[%get3A_214, %get3A_215] {strides = array<i32>} : memref<32x128xf32, #tpu.memory_space<vmem>>, vector<16xf32>,
        %get3A_217 = arith.index_cast %scan3A_213 : i32 to index
        %get3A_218 = arith.constant 16 : index
        %get3A_219 = tpu.vector_load %arg19[%get3A_217, %get3A_218] {strides = array<i32>} : memref<32x128xf32, #tpu.memory_space<vmem>>, vector<16xf32>,
        %pack3A_220 = tpu.pack_subelements %get3A_216, %get3A_219 {pack_format = #tpu.pack_format<interleaved>, positions = array<i32: 0, 1>} : vector<16xf32>, vector<16xf32> -> vector<32xbf16>
        %bitcast3A_221 = vector.bitcast %pack3A_220 : vector<32xbf16> to vector<16xi32>
        %swap3A_222 = arith.index_cast %scan3A_213 : i32 to index
        %swap3A_223 = arith.constant 0 : index
        %swap3A_224 = tpu.vector_load %arg20[%swap3A_222, %swap3A_223] {strides = array<i32>} : memref<32x64xi32, #tpu.memory_space<vmem>>, vector<16xi32>,
        tpu.vector_store %arg20[%swap3A_222, %swap3A_223], %bitcast3A_221 {strides = array<i32>} : memref<32x64xi32, #tpu.memory_space<vmem>>, vector<16xi32>,
        %get3A_225 = arith.index_cast %scan3A_213 : i32 to index
        %get3A_226 = arith.constant 32 : index
        %get3A_227 = tpu.vector_load %arg19[%get3A_225, %get3A_226] {strides = array<i32>} : memref<32x128xf32, #tpu.memory_space<vmem>>, vector<16xf32>,
        %get3A_228 = arith.index_cast %scan3A_213 : i32 to index
        %get3A_229 = arith.constant 48 : index
        %get3A_230 = tpu.vector_load %arg19[%get3A_228, %get3A_229] {strides = array<i32>} : memref<32x128xf32, #tpu.memory_space<vmem>>, vector<16xf32>,
        %pack3A_231 = tpu.pack_subelements %get3A_227, %get3A_230 {pack_format = #tpu.pack_format<interleaved>, positions = array<i32: 0, 1>} : vector<16xf32>, vector<16xf32> -> vector<32xbf16>
        %bitcast3A_232 = vector.bitcast %pack3A_231 : vector<32xbf16> to vector<16xi32>
        %swap3A_233 = arith.index_cast %scan3A_213 : i32 to index
        %swap3A_234 = arith.constant 16 : index
        %swap3A_235 = tpu.vector_load %arg20[%swap3A_233, %swap3A_234] {strides = array<i32>} : memref<32x64xi32, #tpu.memory_space<vmem>>, vector<16xi32>,
        tpu.vector_store %arg20[%swap3A_233, %swap3A_234], %bitcast3A_232 {strides = array<i32>} : memref<32x64xi32, #tpu.memory_space<vmem>>, vector<16xi32>,
        %get3A_236 = arith.index_cast %scan3A_213 : i32 to index
        %get3A_237 = arith.constant 64 : index
        %get3A_238 = tpu.vector_load %arg19[%get3A_236, %get3A_237] {strides = array<i32>} : memref<32x128xf32, #tpu.memory_space<vmem>>, vector<16xf32>,
        %get3A_239 = arith.index_cast %scan3A_213 : i32 to index
        %get3A_240 = arith.constant 80 : index
        %get3A_241 = tpu.vector_load %arg19[%get3A_239, %get3A_240] {strides = array<i32>} : memref<32x128xf32, #tpu.memory_space<vmem>>, vector<16xf32>,
        %pack3A_242 = tpu.pack_subelements %get3A_238, %get3A_241 {pack_format = #tpu.pack_format<interleaved>, positions = array<i32: 0, 1>} : vector<16xf32>, vector<16xf32> -> vector<32xbf16>
        %bitcast3A_243 = vector.bitcast %pack3A_242 : vector<32xbf16> to vector<16xi32>
        %swap3A_244 = arith.index_cast %scan3A_213 : i32 to index
        %swap3A_245 = arith.constant 32 : index
        %swap3A_246 = tpu.vector_load %arg20[%swap3A_244, %swap3A_245] {strides = array<i32>} : memref<32x64xi32, #tpu.memory_space<vmem>>, vector<16xi32>,
        tpu.vector_store %arg20[%swap3A_244, %swap3A_245], %bitcast3A_243 {strides = array<i32>} : memref<32x64xi32, #tpu.memory_space<vmem>>, vector<16xi32>,
        %get3A_247 = arith.index_cast %scan3A_213 : i32 to index
        %get3A_248 = arith.constant 96 : index
        %get3A_249 = tpu.vector_load %arg19[%get3A_247, %get3A_248] {strides = array<i32>} : memref<32x128xf32, #tpu.memory_space<vmem>>, vector<16xf32>,
        %get3A_250 = arith.index_cast %scan3A_213 : i32 to index
        %get3A_251 = arith.constant 112 : index
        %get3A_252 = tpu.vector_load %arg19[%get3A_250, %get3A_251] {strides = array<i32>} : memref<32x128xf32, #tpu.memory_space<vmem>>, vector<16xf32>,
        %pack3A_253 = tpu.pack_subelements %get3A_249, %get3A_252 {pack_format = #tpu.pack_format<interleaved>, positions = array<i32: 0, 1>} : vector<16xf32>, vector<16xf32> -> vector<32xbf16>
        %bitcast3A_254 = vector.bitcast %pack3A_253 : vector<32xbf16> to vector<16xi32>
        %swap3A_255 = arith.index_cast %scan3A_213 : i32 to index
        %swap3A_256 = arith.constant 48 : index
        %swap3A_257 = tpu.vector_load %arg20[%swap3A_255, %swap3A_256] {strides = array<i32>} : memref<32x64xi32, #tpu.memory_space<vmem>>, vector<16xi32>,
        tpu.vector_store %arg20[%swap3A_255, %swap3A_256], %bitcast3A_254 {strides = array<i32>} : memref<32x64xi32, #tpu.memory_space<vmem>>, vector<16xi32>,
        %scan3A_258 = arith.constant 3 : i32
        %scan3A_259 = arith.addi %scan3A_125, %scan3A_258 : i32
        %get3A_260 = arith.index_cast %scan3A_259 : i32 to index
        %get3A_261 = arith.constant 0 : index
        %get3A_262 = tpu.vector_load %arg19[%get3A_260, %get3A_261] {strides = array<i32>} : memref<32x128xf32, #tpu.memory_space<vmem>>, vector<16xf32>,
        %get3A_263 = arith.index_cast %scan3A_259 : i32 to index
        %get3A_264 = arith.constant 16 : index
        %get3A_265 = tpu.vector_load %arg19[%get3A_263, %get3A_264] {strides = array<i32>} : memref<32x128xf32, #tpu.memory_space<vmem>>, vector<16xf32>,
        %pack3A_266 = tpu.pack_subelements %get3A_262, %get3A_265 {pack_format = #tpu.pack_format<interleaved>, positions = array<i32: 0, 1>} : vector<16xf32>, vector<16xf32> -> vector<32xbf16>
        %bitcast3A_267 = vector.bitcast %pack3A_266 : vector<32xbf16> to vector<16xi32>
        %swap3A_268 = arith.index_cast %scan3A_259 : i32 to index
        %swap3A_269 = arith.constant 0 : index
        %swap3A_270 = tpu.vector_load %arg20[%swap3A_268, %swap3A_269] {strides = array<i32>} : memref<32x64xi32, #tpu.memory_space<vmem>>, vector<16xi32>,
        tpu.vector_store %arg20[%swap3A_268, %swap3A_269], %bitcast3A_267 {strides = array<i32>} : memref<32x64xi32, #tpu.memory_space<vmem>>, vector<16xi32>,
        %get3A_271 = arith.index_cast %scan3A_259 : i32 to index
        %get3A_272 = arith.constant 32 : index
        %get3A_273 = tpu.vector_load %arg19[%get3A_271, %get3A_272] {strides = array<i32>} : memref<32x128xf32, #tpu.memory_space<vmem>>, vector<16xf32>,
        %get3A_274 = arith.index_cast %scan3A_259 : i32 to index
        %get3A_275 = arith.constant 48 : index
        %get3A_276 = tpu.vector_load %arg19[%get3A_274, %get3A_275] {strides = array<i32>} : memref<32x128xf32, #tpu.memory_space<vmem>>, vector<16xf32>,
        %pack3A_277 = tpu.pack_subelements %get3A_273, %get3A_276 {pack_format = #tpu.pack_format<interleaved>, positions = array<i32: 0, 1>} : vector<16xf32>, vector<16xf32> -> vector<32xbf16>
        %bitcast3A_278 = vector.bitcast %pack3A_277 : vector<32xbf16> to vector<16xi32>
        %swap3A_279 = arith.index_cast %scan3A_259 : i32 to index
        %swap3A_280 = arith.constant 16 : index
        %swap3A_281 = tpu.vector_load %arg20[%swap3A_279, %swap3A_280] {strides = array<i32>} : memref<32x64xi32, #tpu.memory_space<vmem>>, vector<16xi32>,
        tpu.vector_store %arg20[%swap3A_279, %swap3A_280], %bitcast3A_278 {strides = array<i32>} : memref<32x64xi32, #tpu.memory_space<vmem>>, vector<16xi32>,
        %get3A_282 = arith.index_cast %scan3A_259 : i32 to index
        %get3A_283 = arith.constant 64 : index
        %get3A_284 = tpu.vector_load %arg19[%get3A_282, %get3A_283] {strides = array<i32>} : memref<32x128xf32, #tpu.memory_space<vmem>>, vector<16xf32>,
        %get3A_285 = arith.index_cast %scan3A_259 : i32 to index
        %get3A_286 = arith.constant 80 : index
        %get3A_287 = tpu.vector_load %arg19[%get3A_285, %get3A_286] {strides = array<i32>} : memref<32x128xf32, #tpu.memory_space<vmem>>, vector<16xf32>,
        %pack3A_288 = tpu.pack_subelements %get3A_284, %get3A_287 {pack_format = #tpu.pack_format<interleaved>, positions = array<i32: 0, 1>} : vector<16xf32>, vector<16xf32> -> vector<32xbf16>
        %bitcast3A_289 = vector.bitcast %pack3A_288 : vector<32xbf16> to vector<16xi32>
        %swap3A_290 = arith.index_cast %scan3A_259 : i32 to index
        %swap3A_291 = arith.constant 32 : index
        %swap3A_292 = tpu.vector_load %arg20[%swap3A_290, %swap3A_291] {strides = array<i32>} : memref<32x64xi32, #tpu.memory_space<vmem>>, vector<16xi32>,
        tpu.vector_store %arg20[%swap3A_290, %swap3A_291], %bitcast3A_289 {strides = array<i32>} : memref<32x64xi32, #tpu.memory_space<vmem>>, vector<16xi32>,
        %get3A_293 = arith.index_cast %scan3A_259 : i32 to index
        %get3A_294 = arith.constant 96 : index
        %get3A_295 = tpu.vector_load %arg19[%get3A_293, %get3A_294] {strides = array<i32>} : memref<32x128xf32, #tpu.memory_space<vmem>>, vector<16xf32>,
        %get3A_296 = arith.index_cast %scan3A_259 : i32 to index
        %get3A_297 = arith.constant 112 : index
        %get3A_298 = tpu.vector_load %arg19[%get3A_296, %get3A_297] {strides = array<i32>} : memref<32x128xf32, #tpu.memory_space<vmem>>, vector<16xf32>,
        %pack3A_299 = tpu.pack_subelements %get3A_295, %get3A_298 {pack_format = #tpu.pack_format<interleaved>, positions = array<i32: 0, 1>} : vector<16xf32>, vector<16xf32> -> vector<32xbf16>
        %bitcast3A_300 = vector.bitcast %pack3A_299 : vector<32xbf16> to vector<16xi32>
        %swap3A_301 = arith.index_cast %scan3A_259 : i32 to index
        %swap3A_302 = arith.constant 48 : index
        %swap3A_303 = tpu.vector_load %arg20[%swap3A_301, %swap3A_302] {strides = array<i32>} : memref<32x64xi32, #tpu.memory_space<vmem>>, vector<16xi32>,
        tpu.vector_store %arg20[%swap3A_301, %swap3A_302], %bitcast3A_300 {strides = array<i32>} : memref<32x64xi32, #tpu.memory_space<vmem>>, vector<16xi32>,
      }
      %scan3A_124 = arith.constant 32 : i32
      "tpu.region"() ({
        %run_scoped3A = tpu.sem_alloc : memref<!tpu.dma_semaphore, #tpu.memory_space<semaphore_mem>>
        %dma_start3A_125 = arith.constant 0 : i32
        %dma_start3A_126 = tpu.memref_slice %arg21[%add3A_114, %dma_start3A_125] : memref<10000x64xi32, #tpu.memory_space<vmem_shared>> -> memref<32x64xi32, #tpu.memory_space<vmem_shared>>
        %dma_start3A_127 = arith.constant 0 : i32
        %dma_start3A_128 = tpu.memref_slice %arg21[%add3A_114, %dma_start3A_127] : memref<10000x64xi32, #tpu.memory_space<vmem_shared>> -> memref<32x64xi32, #tpu.memory_space<vmem_shared>>
        tpu.enqueue_dma source(%arg20 : memref<32x64xi32, #tpu.memory_space<vmem>>) target(%dma_start3A_128 : memref<32x64xi32, #tpu.memory_space<vmem_shared>>) target_semaphore(%run_scoped3A : memref<!tpu.dma_semaphore, #tpu.memory_space<semaphore_mem>>)
        %dma_wait3A_129 = arith.constant 0 : i32
        %dma_wait3A_130 = tpu.memref_slice %arg21[%add3A_114, %dma_wait3A_129] : memref<10000x64xi32, #tpu.memory_space<vmem_shared>> -> memref<32x64xi32, #tpu.memory_space<vmem_shared>>
        %dma_wait3A_131 = arith.constant 0 : i32
        %dma_wait3A_132 = tpu.memref_slice %arg21[%add3A_114, %dma_wait3A_131] : memref<10000x64xi32, #tpu.memory_space<vmem_shared>> -> memref<32x64xi32, #tpu.memory_space<vmem_shared>>
        tpu.wait_dma2 semaphore(%run_scoped3A : memref<!tpu.dma_semaphore, #tpu.memory_space<semaphore_mem>>) src(%arg20 : memref<32x64xi32, #tpu.memory_space<vmem>>) dst(%dma_wait3A_132 : memref<32x64xi32, #tpu.memory_space<vmem_shared>>)
        tpu.yield
      }) : () -> ()
    }
    %scan3A_48 = arith.constant 10 : i32
    tpu.wait_dma2 semaphore(%arg23 : memref<!tpu.dma_semaphore, #tpu.memory_space<semaphore_mem>>) src(%arg6 : memref<237x64xi32, #tpu.memory_space<hbm>>) dst(%arg8 : memref<237x64xi32, #tpu.memory_space<vmem>>)
    %dma_wait3A = tpu.memref_slice %arg2[%mul3A_2] : memref<320000xi32, #tpu.memory_space<hbm>> -> memref<10000xi32, #tpu.memory_space<hbm>>
    %dma_wait3A_49 = tpu.memref_slice %arg2[%mul3A_2] : memref<320000xi32, #tpu.memory_space<hbm>> -> memref<10000xi32, #tpu.memory_space<hbm>>
    tpu.wait_dma2 semaphore(%arg25 : memref<!tpu.dma_semaphore, #tpu.memory_space<semaphore_mem>>) src(%dma_wait3A_49 : memref<10000xi32, #tpu.memory_space<hbm>>) dst(%arg9 : memref<10000xi32, #tpu.memory_space<vmem>>)
    %dma_wait3A_50 = tpu.memref_slice %arg3[%mul3A_2] : memref<320000xi32, #tpu.memory_space<hbm>> -> memref<10000xi32, #tpu.memory_space<hbm>>
    %dma_wait3A_51 = tpu.memref_slice %arg3[%mul3A_2] : memref<320000xi32, #tpu.memory_space<hbm>> -> memref<10000xi32, #tpu.memory_space<hbm>>
    tpu.wait_dma2 semaphore(%arg26 : memref<!tpu.dma_semaphore, #tpu.memory_space<semaphore_mem>>) src(%dma_wait3A_51 : memref<10000xi32, #tpu.memory_space<hbm>>) dst(%arg10 : memref<10000xi32, #tpu.memory_space<vmem>>)
    %dma_wait3A_52 = tpu.memref_slice %arg4[%mul3A_2] : memref<320000xi32, #tpu.memory_space<hbm>> -> memref<10000xi32, #tpu.memory_space<hbm>>
    %dma_wait3A_53 = tpu.memref_slice %arg4[%mul3A_2] : memref<320000xi32, #tpu.memory_space<hbm>> -> memref<10000xi32, #tpu.memory_space<hbm>>
    tpu.wait_dma2 semaphore(%arg27 : memref<!tpu.dma_semaphore, #tpu.memory_space<semaphore_mem>>) src(%dma_wait3A_53 : memref<10000xi32, #tpu.memory_space<hbm>>) dst(%arg11 : memref<10000xi32, #tpu.memory_space<vmem>>)
    %barrier3A = arith.constant 0 : index
    tpu.barrier barrier_id(%barrier3A)
    %min3A_54 = arith.constant 0 : i32
    %min3A_55 = arith.constant 9872 : i32
    %min3A_56 = arith.minsi %min3A_54, %min3A_55 : i32
    %dma_start3A_57 = tpu.memref_slice %arg9[%min3A_56] : memref<10000xi32, #tpu.memory_space<vmem>> -> memref<128xi32, #tpu.memory_space<vmem>>
    %dma_start3A_58 = arith.constant 0 : i32
    %dma_start3A_59 = arith.constant 0 : i32
    %dma_start3A_60 = tpu.memref_slice %arg21[%dma_start3A_58, %dma_start3A_59] : memref<10000x64xi32, #tpu.memory_space<vmem_shared>> -> memref<10000x64xi32, #tpu.memory_space<vmem_shared>>
    tpu.enqueue_indirect_dma source(%dma_start3A_60 : memref<10000x64xi32, #tpu.memory_space<vmem_shared>>) target(%arg12 : memref<128x64xi32, #tpu.memory_space<vmem>>) offsets(%dma_start3A_57 : memref<128xi32, #tpu.memory_space<vmem>>) semaphore(%arg22 : memref<!tpu.dma_semaphore, #tpu.memory_space<semaphore_mem>>)
    %dma_start3A_61 = tpu.memref_slice %arg10[%min3A_56] : memref<10000xi32, #tpu.memory_space<vmem>> -> memref<128xi32, #tpu.memory_space<vmem>>
    %dma_start3A_62 = arith.constant 0 : i32
    %dma_start3A_63 = arith.constant 0 : i32
    %dma_start3A_64 = tpu.memref_slice %arg21[%dma_start3A_62, %dma_start3A_63] : memref<10000x64xi32, #tpu.memory_space<vmem_shared>> -> memref<10000x64xi32, #tpu.memory_space<vmem_shared>>
    tpu.enqueue_indirect_dma source(%dma_start3A_64 : memref<10000x64xi32, #tpu.memory_space<vmem_shared>>) target(%arg13 : memref<128x64xi32, #tpu.memory_space<vmem>>) offsets(%dma_start3A_61 : memref<128xi32, #tpu.memory_space<vmem>>) semaphore(%arg23 : memref<!tpu.dma_semaphore, #tpu.memory_space<semaphore_mem>>)
    %scan3A_65 = arith.constant 0 : i32
    %scan3A_66 = arith.constant 0 : i32
    %scan3A_67 = arith.constant 40 : i32
    %scan3A_68 = arith.addi %scan3A_66, %scan3A_67 : i32
    %scan3A_69 = arith.constant 1 : i32
    scf.for %scan3A_75 = %scan3A_66 to %scan3A_68 step %scan3A_69  : i32 {
      %mul3A_76 = arith.constant 2 : i32
      %mul3A_77 = arith.muli %scan3A_75, %mul3A_76 : i32
      %add3A_78 = arith.constant 1 : i32
      %add3A_79 = arith.addi %mul3A_77, %add3A_78 : i32
      %mul3A_80 = arith.constant 128 : i32
      %mul3A_81 = arith.muli %add3A_79, %mul3A_80 : i32
      %min3A_82 = arith.constant 9872 : i32
      %min3A_83 = arith.minsi %mul3A_81, %min3A_82 : i32
      %dma_start3A_84 = tpu.memref_slice %arg9[%min3A_83] : memref<10000xi32, #tpu.memory_space<vmem>> -> memref<128xi32, #tpu.memory_space<vmem>>
      %dma_start3A_85 = arith.constant 0 : i32
      %dma_start3A_86 = arith.constant 0 : i32
      %dma_start3A_87 = tpu.memref_slice %arg21[%dma_start3A_85, %dma_start3A_86] : memref<10000x64xi32, #tpu.memory_space<vmem_shared>> -> memref<10000x64xi32, #tpu.memory_space<vmem_shared>>
      tpu.enqueue_indirect_dma source(%dma_start3A_87 : memref<10000x64xi32, #tpu.memory_space<vmem_shared>>) target(%arg14 : memref<128x64xi32, #tpu.memory_space<vmem>>) offsets(%dma_start3A_84 : memref<128xi32, #tpu.memory_space<vmem>>) semaphore(%arg24 : memref<!tpu.dma_semaphore, #tpu.memory_space<semaphore_mem>>)
      %dma_start3A_88 = tpu.memref_slice %arg10[%min3A_83] : memref<10000xi32, #tpu.memory_space<vmem>> -> memref<128xi32, #tpu.memory_space<vmem>>
      %dma_start3A_89 = arith.constant 0 : i32
      %dma_start3A_90 = arith.constant 0 : i32
      %dma_start3A_91 = tpu.memref_slice %arg21[%dma_start3A_89, %dma_start3A_90] : memref<10000x64xi32, #tpu.memory_space<vmem_shared>> -> memref<10000x64xi32, #tpu.memory_space<vmem_shared>>
      tpu.enqueue_indirect_dma source(%dma_start3A_91 : memref<10000x64xi32, #tpu.memory_space<vmem_shared>>) target(%arg15 : memref<128x64xi32, #tpu.memory_space<vmem>>) offsets(%dma_start3A_88 : memref<128xi32, #tpu.memory_space<vmem>>) semaphore(%arg25 : memref<!tpu.dma_semaphore, #tpu.memory_space<semaphore_mem>>)
      %mul3A_92 = arith.constant 128 : i32
      %mul3A_93 = arith.muli %mul3A_77, %mul3A_92 : i32
      %min3A_94 = arith.constant 9872 : i32
      %min3A_95 = arith.minsi %mul3A_93, %min3A_94 : i32
      %dma_wait3A_96 = tpu.memref_slice %arg9[%min3A_95] : memref<10000xi32, #tpu.memory_space<vmem>> -> memref<128xi32, #tpu.memory_space<vmem>>
      %dma_wait3A_97 = arith.constant 0 : i32
      %dma_wait3A_98 = arith.constant 0 : i32
      %dma_wait3A_99 = tpu.memref_slice %arg21[%dma_wait3A_97, %dma_wait3A_98] : memref<10000x64xi32, #tpu.memory_space<vmem_shared>> -> memref<10000x64xi32, #tpu.memory_space<vmem_shared>>
      tpu.wait_indirect_dma semaphore(%arg22 : memref<!tpu.dma_semaphore, #tpu.memory_space<semaphore_mem>>) src(%dma_wait3A_99 : memref<10000x64xi32, #tpu.memory_space<vmem_shared>>) dst(%arg12 : memref<128x64xi32, #tpu.memory_space<vmem>>)
      %dma_wait3A_100 = tpu.memref_slice %arg10[%min3A_95] : memref<10000xi32, #tpu.memory_space<vmem>> -> memref<128xi32, #tpu.memory_space<vmem>>
      %dma_wait3A_101 = arith.constant 0 : i32
      %dma_wait3A_102 = arith.constant 0 : i32
      %dma_wait3A_103 = tpu.memref_slice %arg21[%dma_wait3A_101, %dma_wait3A_102] : memref<10000x64xi32, #tpu.memory_space<vmem_shared>> -> memref<10000x64xi32, #tpu.memory_space<vmem_shared>>
      tpu.wait_indirect_dma semaphore(%arg23 : memref<!tpu.dma_semaphore, #tpu.memory_space<semaphore_mem>>) src(%dma_wait3A_103 : memref<10000x64xi32, #tpu.memory_space<vmem_shared>>) dst(%arg13 : memref<128x64xi32, #tpu.memory_space<vmem>>)
      %ge3A = arith.constant 2 : i32
      %ge3A_104 = arith.cmpi sge, %mul3A_77, %ge3A : i32
      %convert_element_type3A = arith.extui %ge3A_104 : i1 to i32
      %cond3A = arith.constant 0 : i32
      %cond3A_105 = arith.cmpi ne, %convert_element_type3A, %cond3A : i32
      scf.if %cond3A_105 {
        %add3A_303 = arith.addi %mul3A_2, %min3A_95 : i32
        %dma_wait3A_304 = tpu.memref_slice %arg7[%add3A_303] : memref<320000xf32, #tpu.memory_space<hbm>> -> memref<128xf32, #tpu.memory_space<hbm>>
        %dma_wait3A_305 = tpu.memref_slice %arg7[%add3A_303] : memref<320000xf32, #tpu.memory_space<hbm>> -> memref<128xf32, #tpu.memory_space<hbm>>
        tpu.wait_dma2 semaphore(%arg26 : memref<!tpu.dma_semaphore, #tpu.memory_space<semaphore_mem>>) src(%arg16 : memref<128xf32, #tpu.memory_space<vmem>>) dst(%dma_wait3A_305 : memref<128xf32, #tpu.memory_space<hbm>>)
      } else {
      }
      %add3A_106 = arith.constant 0 : i32
      %add3A_107 = arith.addi %min3A_95, %add3A_106 : i32
      %get3A = arith.index_cast %add3A_107 : i32 to index
      %get3A_108 = tpu.vector_load %arg11[%get3A] {strides = array<i32>} : memref<10000xi32, #tpu.memory_space<vmem>>, vector<16xi32>,
      %add3A_109 = arith.constant 16 : i32
      %add3A_110 = arith.addi %min3A_95, %add3A_109 : i32
      %get3A_111 = arith.index_cast %add3A_110 : i32 to index
      %get3A_112 = tpu.vector_load %arg11[%get3A_111] {strides = array<i32>} : memref<10000xi32, #tpu.memory_space<vmem>>, vector<16xi32>,
      %add3A_113 = arith.constant 32 : i32
      %add3A_114 = arith.addi %min3A_95, %add3A_113 : i32
      %get3A_115 = arith.index_cast %add3A_114 : i32 to index
      %get3A_116 = tpu.vector_load %arg11[%get3A_115] {strides = array<i32>} : memref<10000xi32, #tpu.memory_space<vmem>>, vector<16xi32>,
      %add3A_117 = arith.constant 48 : i32
      %add3A_118 = arith.addi %min3A_95, %add3A_117 : i32
      %get3A_119 = arith.index_cast %add3A_118 : i32 to index
      %get3A_120 = tpu.vector_load %arg11[%get3A_119] {strides = array<i32>} : memref<10000xi32, #tpu.memory_space<vmem>>, vector<16xi32>,
      %broadcast_in_dim3A_121 = arith.constant 0.000000e+00 : f32
      %broadcast_in_dim3A_122 = vector.broadcast %broadcast_in_dim3A_121 : f32 to vector<16xf32>
      %broadcast_in_dim3A_123 = arith.constant 0.000000e+00 : f32
      %broadcast_in_dim3A_124 = vector.broadcast %broadcast_in_dim3A_123 : f32 to vector<16xf32>
      %broadcast_in_dim3A_125 = arith.constant 0.000000e+00 : f32
      %broadcast_in_dim3A_126 = vector.broadcast %broadcast_in_dim3A_125 : f32 to vector<16xf32>
      %broadcast_in_dim3A_127 = arith.constant 0.000000e+00 : f32
      %broadcast_in_dim3A_128 = vector.broadcast %broadcast_in_dim3A_127 : f32 to vector<16xf32>
      %scan3A_129 = arith.constant 0 : i32
      %scan3A_130 = arith.constant 64 : i32
      %scan3A_131 = arith.addi %scan3A_129, %scan3A_130 : i32
      %scan3A_132 = arith.constant 2 : i32
      %scan3A_133:8 = scf.for %scan3A_303 = %scan3A_129 to %scan3A_131 step %scan3A_132 iter_args(%scan3A_304 = %broadcast_in_dim3A_122, %scan3A_305 = %broadcast_in_dim3A_124, %scan3A_306 = %broadcast_in_dim3A_126, %scan3A_307 = %broadcast_in_dim3A_128, %scan3A_308 = %broadcast_in_dim3A_122, %scan3A_309 = %broadcast_in_dim3A_124, %scan3A_310 = %broadcast_in_dim3A_126, %scan3A_311 = %broadcast_in_dim3A_128) -> (vector<16xf32>, vector<16xf32>, vector<16xf32>, vector<16xf32>, vector<16xf32>, vector<16xf32>, vector<16xf32>, vector<16xf32>)  : i32 {
        %broadcast_in_dim3A_312 = vector.broadcast %scan3A_303 : i32 to vector<16xi32>
        %add3A_313 = arith.addi %broadcast_in_dim3A_312, %iota3A : vector<16xi32>
        %and3A = arith.constant 63 : i32
        %and3A_314 = vector.broadcast %and3A : i32 to vector<16xi32>
        %and3A_315 = arith.andi %add3A_313, %and3A_314 : vector<16xi32>
        %gather3A = tpu.vector_load_idx %arg12[%add3A_5, %and3A_315] : memref<128x64xi32, #tpu.memory_space<vmem>>[vector<16xi32>, vector<16xi32>], vector<16xi32>,
        %gather3A_316 = tpu.vector_load_idx %arg13[%add3A_5, %and3A_315] : memref<128x64xi32, #tpu.memory_space<vmem>>[vector<16xi32>, vector<16xi32>], vector<16xi32>,
        %gather3A_317 = tpu.vector_load_idx %arg8[%get3A_108, %and3A_315] : memref<237x64xi32, #tpu.memory_space<vmem>>[vector<16xi32>, vector<16xi32>], vector<16xi32>,
        %bitcast3A = vector.bitcast %gather3A : vector<16xi32> to vector<32xbf16>
        %bitcast3A_318 = vector.bitcast %gather3A_316 : vector<16xi32> to vector<32xbf16>
        %mul3A_319 = arith.mulf %bitcast3A, %bitcast3A_318 : vector<32xbf16>
        %bitcast3A_320 = vector.bitcast %gather3A_317 : vector<16xi32> to vector<32xbf16>
        %mul3A_321 = arith.mulf %mul3A_319, %bitcast3A_320 : vector<32xbf16>
        %bitcast3A_322 = vector.bitcast %mul3A_321 : vector<32xbf16> to vector<16xi32>
        %shift_left3A = arith.constant 16 : i32
        %shift_left3A_323 = vector.broadcast %shift_left3A : i32 to vector<16xi32>
        %shift_left3A_324 = arith.shli %bitcast3A_322, %shift_left3A_323 : vector<16xi32>
        %bitcast3A_325 = vector.bitcast %shift_left3A_324 : vector<16xi32> to vector<16xf32>
        %add3A_326 = arith.addf %scan3A_304, %bitcast3A_325 : vector<16xf32>
        %and3A_327 = arith.andi %bitcast3A_322, %broadcast_in_dim3A_27 : vector<16xi32>
        %bitcast3A_328 = vector.bitcast %and3A_327 : vector<16xi32> to vector<16xf32>
        %add3A_329 = arith.addf %scan3A_308, %bitcast3A_328 : vector<16xf32>
        %gather3A_330 = tpu.vector_load_idx %arg12[%add3A_8, %and3A_315] : memref<128x64xi32, #tpu.memory_space<vmem>>[vector<16xi32>, vector<16xi32>], vector<16xi32>,
        %gather3A_331 = tpu.vector_load_idx %arg13[%add3A_8, %and3A_315] : memref<128x64xi32, #tpu.memory_space<vmem>>[vector<16xi32>, vector<16xi32>], vector<16xi32>,
        %gather3A_332 = tpu.vector_load_idx %arg8[%get3A_112, %and3A_315] : memref<237x64xi32, #tpu.memory_space<vmem>>[vector<16xi32>, vector<16xi32>], vector<16xi32>,
        %bitcast3A_333 = vector.bitcast %gather3A_330 : vector<16xi32> to vector<32xbf16>
        %bitcast3A_334 = vector.bitcast %gather3A_331 : vector<16xi32> to vector<32xbf16>
        %mul3A_335 = arith.mulf %bitcast3A_333, %bitcast3A_334 : vector<32xbf16>
        %bitcast3A_336 = vector.bitcast %gather3A_332 : vector<16xi32> to vector<32xbf16>
        %mul3A_337 = arith.mulf %mul3A_335, %bitcast3A_336 : vector<32xbf16>
        %bitcast3A_338 = vector.bitcast %mul3A_337 : vector<32xbf16> to vector<16xi32>
        %shift_left3A_339 = arith.constant 16 : i32
        %shift_left3A_340 = vector.broadcast %shift_left3A_339 : i32 to vector<16xi32>
        %shift_left3A_341 = arith.shli %bitcast3A_338, %shift_left3A_340 : vector<16xi32>
        %bitcast3A_342 = vector.bitcast %shift_left3A_341 : vector<16xi32> to vector<16xf32>
        %add3A_343 = arith.addf %scan3A_305, %bitcast3A_342 : vector<16xf32>
        %and3A_344 = arith.andi %bitcast3A_338, %broadcast_in_dim3A_27 : vector<16xi32>
        %bitcast3A_345 = vector.bitcast %and3A_344 : vector<16xi32> to vector<16xf32>
        %add3A_346 = arith.addf %scan3A_309, %bitcast3A_345 : vector<16xf32>
        %gather3A_347 = tpu.vector_load_idx %arg12[%add3A_11, %and3A_315] : memref<128x64xi32, #tpu.memory_space<vmem>>[vector<16xi32>, vector<16xi32>], vector<16xi32>,
        %gather3A_348 = tpu.vector_load_idx %arg13[%add3A_11, %and3A_315] : memref<128x64xi32, #tpu.memory_space<vmem>>[vector<16xi32>, vector<16xi32>], vector<16xi32>,
        %gather3A_349 = tpu.vector_load_idx %arg8[%get3A_116, %and3A_315] : memref<237x64xi32, #tpu.memory_space<vmem>>[vector<16xi32>, vector<16xi32>], vector<16xi32>,
        %bitcast3A_350 = vector.bitcast %gather3A_347 : vector<16xi32> to vector<32xbf16>
        %bitcast3A_351 = vector.bitcast %gather3A_348 : vector<16xi32> to vector<32xbf16>
        %mul3A_352 = arith.mulf %bitcast3A_350, %bitcast3A_351 : vector<32xbf16>
        %bitcast3A_353 = vector.bitcast %gather3A_349 : vector<16xi32> to vector<32xbf16>
        %mul3A_354 = arith.mulf %mul3A_352, %bitcast3A_353 : vector<32xbf16>
        %bitcast3A_355 = vector.bitcast %mul3A_354 : vector<32xbf16> to vector<16xi32>
        %shift_left3A_356 = arith.constant 16 : i32
        %shift_left3A_357 = vector.broadcast %shift_left3A_356 : i32 to vector<16xi32>
        %shift_left3A_358 = arith.shli %bitcast3A_355, %shift_left3A_357 : vector<16xi32>
        %bitcast3A_359 = vector.bitcast %shift_left3A_358 : vector<16xi32> to vector<16xf32>
        %add3A_360 = arith.addf %scan3A_306, %bitcast3A_359 : vector<16xf32>
        %and3A_361 = arith.andi %bitcast3A_355, %broadcast_in_dim3A_27 : vector<16xi32>
        %bitcast3A_362 = vector.bitcast %and3A_361 : vector<16xi32> to vector<16xf32>
        %add3A_363 = arith.addf %scan3A_310, %bitcast3A_362 : vector<16xf32>
        %gather3A_364 = tpu.vector_load_idx %arg12[%add3A_14, %and3A_315] : memref<128x64xi32, #tpu.memory_space<vmem>>[vector<16xi32>, vector<16xi32>], vector<16xi32>,
        %gather3A_365 = tpu.vector_load_idx %arg13[%add3A_14, %and3A_315] : memref<128x64xi32, #tpu.memory_space<vmem>>[vector<16xi32>, vector<16xi32>], vector<16xi32>,
        %gather3A_366 = tpu.vector_load_idx %arg8[%get3A_120, %and3A_315] : memref<237x64xi32, #tpu.memory_space<vmem>>[vector<16xi32>, vector<16xi32>], vector<16xi32>,
        %bitcast3A_367 = vector.bitcast %gather3A_364 : vector<16xi32> to vector<32xbf16>
        %bitcast3A_368 = vector.bitcast %gather3A_365 : vector<16xi32> to vector<32xbf16>
        %mul3A_369 = arith.mulf %bitcast3A_367, %bitcast3A_368 : vector<32xbf16>
        %bitcast3A_370 = vector.bitcast %gather3A_366 : vector<16xi32> to vector<32xbf16>
        %mul3A_371 = arith.mulf %mul3A_369, %bitcast3A_370 : vector<32xbf16>
        %bitcast3A_372 = vector.bitcast %mul3A_371 : vector<32xbf16> to vector<16xi32>
        %shift_left3A_373 = arith.constant 16 : i32
        %shift_left3A_374 = vector.broadcast %shift_left3A_373 : i32 to vector<16xi32>
        %shift_left3A_375 = arith.shli %bitcast3A_372, %shift_left3A_374 : vector<16xi32>
        %bitcast3A_376 = vector.bitcast %shift_left3A_375 : vector<16xi32> to vector<16xf32>
        %add3A_377 = arith.addf %scan3A_307, %bitcast3A_376 : vector<16xf32>
        %and3A_378 = arith.andi %bitcast3A_372, %broadcast_in_dim3A_27 : vector<16xi32>
        %bitcast3A_379 = vector.bitcast %and3A_378 : vector<16xi32> to vector<16xf32>
        %add3A_380 = arith.addf %scan3A_311, %bitcast3A_379 : vector<16xf32>
        %scan3A_381 = arith.constant 1 : i32
        %scan3A_382 = arith.addi %scan3A_303, %scan3A_381 : i32
        %broadcast_in_dim3A_383 = vector.broadcast %scan3A_382 : i32 to vector<16xi32>
        %add3A_384 = arith.addi %broadcast_in_dim3A_383, %iota3A : vector<16xi32>
        %and3A_385 = arith.constant 63 : i32
        %and3A_386 = vector.broadcast %and3A_385 : i32 to vector<16xi32>
        %and3A_387 = arith.andi %add3A_384, %and3A_386 : vector<16xi32>
        %gather3A_388 = tpu.vector_load_idx %arg12[%add3A_5, %and3A_387] : memref<128x64xi32, #tpu.memory_space<vmem>>[vector<16xi32>, vector<16xi32>], vector<16xi32>,
        %gather3A_389 = tpu.vector_load_idx %arg13[%add3A_5, %and3A_387] : memref<128x64xi32, #tpu.memory_space<vmem>>[vector<16xi32>, vector<16xi32>], vector<16xi32>,
        %gather3A_390 = tpu.vector_load_idx %arg8[%get3A_108, %and3A_387] : memref<237x64xi32, #tpu.memory_space<vmem>>[vector<16xi32>, vector<16xi32>], vector<16xi32>,
        %bitcast3A_391 = vector.bitcast %gather3A_388 : vector<16xi32> to vector<32xbf16>
        %bitcast3A_392 = vector.bitcast %gather3A_389 : vector<16xi32> to vector<32xbf16>
        %mul3A_393 = arith.mulf %bitcast3A_391, %bitcast3A_392 : vector<32xbf16>
        %bitcast3A_394 = vector.bitcast %gather3A_390 : vector<16xi32> to vector<32xbf16>
        %mul3A_395 = arith.mulf %mul3A_393, %bitcast3A_394 : vector<32xbf16>
        %bitcast3A_396 = vector.bitcast %mul3A_395 : vector<32xbf16> to vector<16xi32>
        %shift_left3A_397 = arith.constant 16 : i32
        %shift_left3A_398 = vector.broadcast %shift_left3A_397 : i32 to vector<16xi32>
        %shift_left3A_399 = arith.shli %bitcast3A_396, %shift_left3A_398 : vector<16xi32>
        %bitcast3A_400 = vector.bitcast %shift_left3A_399 : vector<16xi32> to vector<16xf32>
        %add3A_401 = arith.addf %add3A_326, %bitcast3A_400 : vector<16xf32>
        %and3A_402 = arith.andi %bitcast3A_396, %broadcast_in_dim3A_27 : vector<16xi32>
        %bitcast3A_403 = vector.bitcast %and3A_402 : vector<16xi32> to vector<16xf32>
        %add3A_404 = arith.addf %add3A_329, %bitcast3A_403 : vector<16xf32>
        %gather3A_405 = tpu.vector_load_idx %arg12[%add3A_8, %and3A_387] : memref<128x64xi32, #tpu.memory_space<vmem>>[vector<16xi32>, vector<16xi32>], vector<16xi32>,
        %gather3A_406 = tpu.vector_load_idx %arg13[%add3A_8, %and3A_387] : memref<128x64xi32, #tpu.memory_space<vmem>>[vector<16xi32>, vector<16xi32>], vector<16xi32>,
        %gather3A_407 = tpu.vector_load_idx %arg8[%get3A_112, %and3A_387] : memref<237x64xi32, #tpu.memory_space<vmem>>[vector<16xi32>, vector<16xi32>], vector<16xi32>,
        %bitcast3A_408 = vector.bitcast %gather3A_405 : vector<16xi32> to vector<32xbf16>
        %bitcast3A_409 = vector.bitcast %gather3A_406 : vector<16xi32> to vector<32xbf16>
        %mul3A_410 = arith.mulf %bitcast3A_408, %bitcast3A_409 : vector<32xbf16>
        %bitcast3A_411 = vector.bitcast %gather3A_407 : vector<16xi32> to vector<32xbf16>
        %mul3A_412 = arith.mulf %mul3A_410, %bitcast3A_411 : vector<32xbf16>
        %bitcast3A_413 = vector.bitcast %mul3A_412 : vector<32xbf16> to vector<16xi32>
        %shift_left3A_414 = arith.constant 16 : i32
        %shift_left3A_415 = vector.broadcast %shift_left3A_414 : i32 to vector<16xi32>
        %shift_left3A_416 = arith.shli %bitcast3A_413, %shift_left3A_415 : vector<16xi32>
        %bitcast3A_417 = vector.bitcast %shift_left3A_416 : vector<16xi32> to vector<16xf32>
        %add3A_418 = arith.addf %add3A_343, %bitcast3A_417 : vector<16xf32>
        %and3A_419 = arith.andi %bitcast3A_413, %broadcast_in_dim3A_27 : vector<16xi32>
        %bitcast3A_420 = vector.bitcast %and3A_419 : vector<16xi32> to vector<16xf32>
        %add3A_421 = arith.addf %add3A_346, %bitcast3A_420 : vector<16xf32>
        %gather3A_422 = tpu.vector_load_idx %arg12[%add3A_11, %and3A_387] : memref<128x64xi32, #tpu.memory_space<vmem>>[vector<16xi32>, vector<16xi32>], vector<16xi32>,
        %gather3A_423 = tpu.vector_load_idx %arg13[%add3A_11, %and3A_387] : memref<128x64xi32, #tpu.memory_space<vmem>>[vector<16xi32>, vector<16xi32>], vector<16xi32>,
        %gather3A_424 = tpu.vector_load_idx %arg8[%get3A_116, %and3A_387] : memref<237x64xi32, #tpu.memory_space<vmem>>[vector<16xi32>, vector<16xi32>], vector<16xi32>,
        %bitcast3A_425 = vector.bitcast %gather3A_422 : vector<16xi32> to vector<32xbf16>
        %bitcast3A_426 = vector.bitcast %gather3A_423 : vector<16xi32> to vector<32xbf16>
        %mul3A_427 = arith.mulf %bitcast3A_425, %bitcast3A_426 : vector<32xbf16>
        %bitcast3A_428 = vector.bitcast %gather3A_424 : vector<16xi32> to vector<32xbf16>
        %mul3A_429 = arith.mulf %mul3A_427, %bitcast3A_428 : vector<32xbf16>
        %bitcast3A_430 = vector.bitcast %mul3A_429 : vector<32xbf16> to vector<16xi32>
        %shift_left3A_431 = arith.constant 16 : i32
        %shift_left3A_432 = vector.broadcast %shift_left3A_431 : i32 to vector<16xi32>
        %shift_left3A_433 = arith.shli %bitcast3A_430, %shift_left3A_432 : vector<16xi32>
        %bitcast3A_434 = vector.bitcast %shift_left3A_433 : vector<16xi32> to vector<16xf32>
        %add3A_435 = arith.addf %add3A_360, %bitcast3A_434 : vector<16xf32>
        %and3A_436 = arith.andi %bitcast3A_430, %broadcast_in_dim3A_27 : vector<16xi32>
        %bitcast3A_437 = vector.bitcast %and3A_436 : vector<16xi32> to vector<16xf32>
        %add3A_438 = arith.addf %add3A_363, %bitcast3A_437 : vector<16xf32>
        %gather3A_439 = tpu.vector_load_idx %arg12[%add3A_14, %and3A_387] : memref<128x64xi32, #tpu.memory_space<vmem>>[vector<16xi32>, vector<16xi32>], vector<16xi32>,
        %gather3A_440 = tpu.vector_load_idx %arg13[%add3A_14, %and3A_387] : memref<128x64xi32, #tpu.memory_space<vmem>>[vector<16xi32>, vector<16xi32>], vector<16xi32>,
        %gather3A_441 = tpu.vector_load_idx %arg8[%get3A_120, %and3A_387] : memref<237x64xi32, #tpu.memory_space<vmem>>[vector<16xi32>, vector<16xi32>], vector<16xi32>,
        %bitcast3A_442 = vector.bitcast %gather3A_439 : vector<16xi32> to vector<32xbf16>
        %bitcast3A_443 = vector.bitcast %gather3A_440 : vector<16xi32> to vector<32xbf16>
        %mul3A_444 = arith.mulf %bitcast3A_442, %bitcast3A_443 : vector<32xbf16>
        %bitcast3A_445 = vector.bitcast %gather3A_441 : vector<16xi32> to vector<32xbf16>
        %mul3A_446 = arith.mulf %mul3A_444, %bitcast3A_445 : vector<32xbf16>
        %bitcast3A_447 = vector.bitcast %mul3A_446 : vector<32xbf16> to vector<16xi32>
        %shift_left3A_448 = arith.constant 16 : i32
        %shift_left3A_449 = vector.broadcast %shift_left3A_448 : i32 to vector<16xi32>
        %shift_left3A_450 = arith.shli %bitcast3A_447, %shift_left3A_449 : vector<16xi32>
        %bitcast3A_451 = vector.bitcast %shift_left3A_450 : vector<16xi32> to vector<16xf32>
        %add3A_452 = arith.addf %add3A_377, %bitcast3A_451 : vector<16xf32>
        %and3A_453 = arith.andi %bitcast3A_447, %broadcast_in_dim3A_27 : vector<16xi32>
        %bitcast3A_454 = vector.bitcast %and3A_453 : vector<16xi32> to vector<16xf32>
        %add3A_455 = arith.addf %add3A_380, %bitcast3A_454 : vector<16xf32>
        scf.yield %add3A_401, %add3A_418, %add3A_435, %add3A_452, %add3A_404, %add3A_421, %add3A_438, %add3A_455 : vector<16xf32>, vector<16xf32>, vector<16xf32>, vector<16xf32>, vector<16xf32>, vector<16xf32>, vector<16xf32>, vector<16xf32>
      }
      %scan3A_134 = arith.constant 64 : i32
      %add3A_135 = arith.addf %scan3A_133#0, %scan3A_133#4 : vector<16xf32>
      %swap3A = arith.constant 0 : index
      %swap3A_136 = tpu.vector_load %arg16[%swap3A] {strides = array<i32>} : memref<128xf32, #tpu.memory_space<vmem>>, vector<16xf32>,
      tpu.vector_store %arg16[%swap3A], %add3A_135 {strides = array<i32>} : memref<128xf32, #tpu.memory_space<vmem>>, vector<16xf32>,
      %add3A_137 = arith.addf %scan3A_133#1, %scan3A_133#5 : vector<16xf32>
      %swap3A_138 = arith.constant 16 : index
      %swap3A_139 = tpu.vector_load %arg16[%swap3A_138] {strides = array<i32>} : memref<128xf32, #tpu.memory_space<vmem>>, vector<16xf32>,
      tpu.vector_store %arg16[%swap3A_138], %add3A_137 {strides = array<i32>} : memref<128xf32, #tpu.memory_space<vmem>>, vector<16xf32>,
      %add3A_140 = arith.addf %scan3A_133#2, %scan3A_133#6 : vector<16xf32>
      %swap3A_141 = arith.constant 32 : index
      %swap3A_142 = tpu.vector_load %arg16[%swap3A_141] {strides = array<i32>} : memref<128xf32, #tpu.memory_space<vmem>>, vector<16xf32>,
      tpu.vector_store %arg16[%swap3A_141], %add3A_140 {strides = array<i32>} : memref<128xf32, #tpu.memory_space<vmem>>, vector<16xf32>,
      %add3A_143 = arith.addf %scan3A_133#3, %scan3A_133#7 : vector<16xf32>
      %swap3A_144 = arith.constant 48 : index
      %swap3A_145 = tpu.vector_load %arg16[%swap3A_144] {strides = array<i32>} : memref<128xf32, #tpu.memory_space<vmem>>, vector<16xf32>,
      tpu.vector_store %arg16[%swap3A_144], %add3A_143 {strides = array<i32>} : memref<128xf32, #tpu.memory_space<vmem>>, vector<16xf32>,
      %add3A_146 = arith.constant 64 : i32
      %add3A_147 = arith.addi %min3A_95, %add3A_146 : i32
      %get3A_148 = arith.index_cast %add3A_147 : i32 to index
      %get3A_149 = tpu.vector_load %arg11[%get3A_148] {strides = array<i32>} : memref<10000xi32, #tpu.memory_space<vmem>>, vector<16xi32>,
      %add3A_150 = arith.constant 80 : i32
      %add3A_151 = arith.addi %min3A_95, %add3A_150 : i32
      %get3A_152 = arith.index_cast %add3A_151 : i32 to index
      %get3A_153 = tpu.vector_load %arg11[%get3A_152] {strides = array<i32>} : memref<10000xi32, #tpu.memory_space<vmem>>, vector<16xi32>,
      %add3A_154 = arith.constant 96 : i32
      %add3A_155 = arith.addi %min3A_95, %add3A_154 : i32
      %get3A_156 = arith.index_cast %add3A_155 : i32 to index
      %get3A_157 = tpu.vector_load %arg11[%get3A_156] {strides = array<i32>} : memref<10000xi32, #tpu.memory_space<vmem>>, vector<16xi32>,
      %add3A_158 = arith.constant 112 : i32
      %add3A_159 = arith.addi %min3A_95, %add3A_158 : i32
      %get3A_160 = arith.index_cast %add3A_159 : i32 to index
      %get3A_161 = tpu.vector_load %arg11[%get3A_160] {strides = array<i32>} : memref<10000xi32, #tpu.memory_space<vmem>>, vector<16xi32>,
      %broadcast_in_dim3A_162 = arith.constant 0.000000e+00 : f32
      %broadcast_in_dim3A_163 = vector.broadcast %broadcast_in_dim3A_162 : f32 to vector<16xf32>
      %broadcast_in_dim3A_164 = arith.constant 0.000000e+00 : f32
      %broadcast_in_dim3A_165 = vector.broadcast %broadcast_in_dim3A_164 : f32 to vector<16xf32>
      %broadcast_in_dim3A_166 = arith.constant 0.000000e+00 : f32
      %broadcast_in_dim3A_167 = vector.broadcast %broadcast_in_dim3A_166 : f32 to vector<16xf32>
      %broadcast_in_dim3A_168 = arith.constant 0.000000e+00 : f32
      %broadcast_in_dim3A_169 = vector.broadcast %broadcast_in_dim3A_168 : f32 to vector<16xf32>
      %scan3A_170 = arith.constant 0 : i32
      %scan3A_171 = arith.constant 64 : i32
      %scan3A_172 = arith.addi %scan3A_170, %scan3A_171 : i32
      %scan3A_173 = arith.constant 2 : i32
      %scan3A_174:8 = scf.for %scan3A_303 = %scan3A_170 to %scan3A_172 step %scan3A_173 iter_args(%scan3A_304 = %broadcast_in_dim3A_163, %scan3A_305 = %broadcast_in_dim3A_165, %scan3A_306 = %broadcast_in_dim3A_167, %scan3A_307 = %broadcast_in_dim3A_169, %scan3A_308 = %broadcast_in_dim3A_163, %scan3A_309 = %broadcast_in_dim3A_165, %scan3A_310 = %broadcast_in_dim3A_167, %scan3A_311 = %broadcast_in_dim3A_169) -> (vector<16xf32>, vector<16xf32>, vector<16xf32>, vector<16xf32>, vector<16xf32>, vector<16xf32>, vector<16xf32>, vector<16xf32>)  : i32 {
        %broadcast_in_dim3A_312 = vector.broadcast %scan3A_303 : i32 to vector<16xi32>
        %add3A_313 = arith.addi %broadcast_in_dim3A_312, %iota3A : vector<16xi32>
        %and3A = arith.constant 63 : i32
        %and3A_314 = vector.broadcast %and3A : i32 to vector<16xi32>
        %and3A_315 = arith.andi %add3A_313, %and3A_314 : vector<16xi32>
        %gather3A = tpu.vector_load_idx %arg12[%add3A_17, %and3A_315] : memref<128x64xi32, #tpu.memory_space<vmem>>[vector<16xi32>, vector<16xi32>], vector<16xi32>,
        %gather3A_316 = tpu.vector_load_idx %arg13[%add3A_17, %and3A_315] : memref<128x64xi32, #tpu.memory_space<vmem>>[vector<16xi32>, vector<16xi32>], vector<16xi32>,
        %gather3A_317 = tpu.vector_load_idx %arg8[%get3A_149, %and3A_315] : memref<237x64xi32, #tpu.memory_space<vmem>>[vector<16xi32>, vector<16xi32>], vector<16xi32>,
        %bitcast3A = vector.bitcast %gather3A : vector<16xi32> to vector<32xbf16>
        %bitcast3A_318 = vector.bitcast %gather3A_316 : vector<16xi32> to vector<32xbf16>
        %mul3A_319 = arith.mulf %bitcast3A, %bitcast3A_318 : vector<32xbf16>
        %bitcast3A_320 = vector.bitcast %gather3A_317 : vector<16xi32> to vector<32xbf16>
        %mul3A_321 = arith.mulf %mul3A_319, %bitcast3A_320 : vector<32xbf16>
        %bitcast3A_322 = vector.bitcast %mul3A_321 : vector<32xbf16> to vector<16xi32>
        %shift_left3A = arith.constant 16 : i32
        %shift_left3A_323 = vector.broadcast %shift_left3A : i32 to vector<16xi32>
        %shift_left3A_324 = arith.shli %bitcast3A_322, %shift_left3A_323 : vector<16xi32>
        %bitcast3A_325 = vector.bitcast %shift_left3A_324 : vector<16xi32> to vector<16xf32>
        %add3A_326 = arith.addf %scan3A_304, %bitcast3A_325 : vector<16xf32>
        %and3A_327 = arith.andi %bitcast3A_322, %broadcast_in_dim3A_27 : vector<16xi32>
        %bitcast3A_328 = vector.bitcast %and3A_327 : vector<16xi32> to vector<16xf32>
        %add3A_329 = arith.addf %scan3A_308, %bitcast3A_328 : vector<16xf32>
        %gather3A_330 = tpu.vector_load_idx %arg12[%add3A_20, %and3A_315] : memref<128x64xi32, #tpu.memory_space<vmem>>[vector<16xi32>, vector<16xi32>], vector<16xi32>,
        %gather3A_331 = tpu.vector_load_idx %arg13[%add3A_20, %and3A_315] : memref<128x64xi32, #tpu.memory_space<vmem>>[vector<16xi32>, vector<16xi32>], vector<16xi32>,
        %gather3A_332 = tpu.vector_load_idx %arg8[%get3A_153, %and3A_315] : memref<237x64xi32, #tpu.memory_space<vmem>>[vector<16xi32>, vector<16xi32>], vector<16xi32>,
        %bitcast3A_333 = vector.bitcast %gather3A_330 : vector<16xi32> to vector<32xbf16>
        %bitcast3A_334 = vector.bitcast %gather3A_331 : vector<16xi32> to vector<32xbf16>
        %mul3A_335 = arith.mulf %bitcast3A_333, %bitcast3A_334 : vector<32xbf16>
        %bitcast3A_336 = vector.bitcast %gather3A_332 : vector<16xi32> to vector<32xbf16>
        %mul3A_337 = arith.mulf %mul3A_335, %bitcast3A_336 : vector<32xbf16>
        %bitcast3A_338 = vector.bitcast %mul3A_337 : vector<32xbf16> to vector<16xi32>
        %shift_left3A_339 = arith.constant 16 : i32
        %shift_left3A_340 = vector.broadcast %shift_left3A_339 : i32 to vector<16xi32>
        %shift_left3A_341 = arith.shli %bitcast3A_338, %shift_left3A_340 : vector<16xi32>
        %bitcast3A_342 = vector.bitcast %shift_left3A_341 : vector<16xi32> to vector<16xf32>
        %add3A_343 = arith.addf %scan3A_305, %bitcast3A_342 : vector<16xf32>
        %and3A_344 = arith.andi %bitcast3A_338, %broadcast_in_dim3A_27 : vector<16xi32>
        %bitcast3A_345 = vector.bitcast %and3A_344 : vector<16xi32> to vector<16xf32>
        %add3A_346 = arith.addf %scan3A_309, %bitcast3A_345 : vector<16xf32>
        %gather3A_347 = tpu.vector_load_idx %arg12[%add3A_23, %and3A_315] : memref<128x64xi32, #tpu.memory_space<vmem>>[vector<16xi32>, vector<16xi32>], vector<16xi32>,
        %gather3A_348 = tpu.vector_load_idx %arg13[%add3A_23, %and3A_315] : memref<128x64xi32, #tpu.memory_space<vmem>>[vector<16xi32>, vector<16xi32>], vector<16xi32>,
        %gather3A_349 = tpu.vector_load_idx %arg8[%get3A_157, %and3A_315] : memref<237x64xi32, #tpu.memory_space<vmem>>[vector<16xi32>, vector<16xi32>], vector<16xi32>,
        %bitcast3A_350 = vector.bitcast %gather3A_347 : vector<16xi32> to vector<32xbf16>
        %bitcast3A_351 = vector.bitcast %gather3A_348 : vector<16xi32> to vector<32xbf16>
        %mul3A_352 = arith.mulf %bitcast3A_350, %bitcast3A_351 : vector<32xbf16>
        %bitcast3A_353 = vector.bitcast %gather3A_349 : vector<16xi32> to vector<32xbf16>
        %mul3A_354 = arith.mulf %mul3A_352, %bitcast3A_353 : vector<32xbf16>
        %bitcast3A_355 = vector.bitcast %mul3A_354 : vector<32xbf16> to vector<16xi32>
        %shift_left3A_356 = arith.constant 16 : i32
        %shift_left3A_357 = vector.broadcast %shift_left3A_356 : i32 to vector<16xi32>
        %shift_left3A_358 = arith.shli %bitcast3A_355, %shift_left3A_357 : vector<16xi32>
        %bitcast3A_359 = vector.bitcast %shift_left3A_358 : vector<16xi32> to vector<16xf32>
        %add3A_360 = arith.addf %scan3A_306, %bitcast3A_359 : vector<16xf32>
        %and3A_361 = arith.andi %bitcast3A_355, %broadcast_in_dim3A_27 : vector<16xi32>
        %bitcast3A_362 = vector.bitcast %and3A_361 : vector<16xi32> to vector<16xf32>
        %add3A_363 = arith.addf %scan3A_310, %bitcast3A_362 : vector<16xf32>
        %gather3A_364 = tpu.vector_load_idx %arg12[%add3A_26, %and3A_315] : memref<128x64xi32, #tpu.memory_space<vmem>>[vector<16xi32>, vector<16xi32>], vector<16xi32>,
        %gather3A_365 = tpu.vector_load_idx %arg13[%add3A_26, %and3A_315] : memref<128x64xi32, #tpu.memory_space<vmem>>[vector<16xi32>, vector<16xi32>], vector<16xi32>,
        %gather3A_366 = tpu.vector_load_idx %arg8[%get3A_161, %and3A_315] : memref<237x64xi32, #tpu.memory_space<vmem>>[vector<16xi32>, vector<16xi32>], vector<16xi32>,
        %bitcast3A_367 = vector.bitcast %gather3A_364 : vector<16xi32> to vector<32xbf16>
        %bitcast3A_368 = vector.bitcast %gather3A_365 : vector<16xi32> to vector<32xbf16>
        %mul3A_369 = arith.mulf %bitcast3A_367, %bitcast3A_368 : vector<32xbf16>
        %bitcast3A_370 = vector.bitcast %gather3A_366 : vector<16xi32> to vector<32xbf16>
        %mul3A_371 = arith.mulf %mul3A_369, %bitcast3A_370 : vector<32xbf16>
        %bitcast3A_372 = vector.bitcast %mul3A_371 : vector<32xbf16> to vector<16xi32>
        %shift_left3A_373 = arith.constant 16 : i32
        %shift_left3A_374 = vector.broadcast %shift_left3A_373 : i32 to vector<16xi32>
        %shift_left3A_375 = arith.shli %bitcast3A_372, %shift_left3A_374 : vector<16xi32>
        %bitcast3A_376 = vector.bitcast %shift_left3A_375 : vector<16xi32> to vector<16xf32>
        %add3A_377 = arith.addf %scan3A_307, %bitcast3A_376 : vector<16xf32>
        %and3A_378 = arith.andi %bitcast3A_372, %broadcast_in_dim3A_27 : vector<16xi32>
        %bitcast3A_379 = vector.bitcast %and3A_378 : vector<16xi32> to vector<16xf32>
        %add3A_380 = arith.addf %scan3A_311, %bitcast3A_379 : vector<16xf32>
        %scan3A_381 = arith.constant 1 : i32
        %scan3A_382 = arith.addi %scan3A_303, %scan3A_381 : i32
        %broadcast_in_dim3A_383 = vector.broadcast %scan3A_382 : i32 to vector<16xi32>
        %add3A_384 = arith.addi %broadcast_in_dim3A_383, %iota3A : vector<16xi32>
        %and3A_385 = arith.constant 63 : i32
        %and3A_386 = vector.broadcast %and3A_385 : i32 to vector<16xi32>
        %and3A_387 = arith.andi %add3A_384, %and3A_386 : vector<16xi32>
        %gather3A_388 = tpu.vector_load_idx %arg12[%add3A_17, %and3A_387] : memref<128x64xi32, #tpu.memory_space<vmem>>[vector<16xi32>, vector<16xi32>], vector<16xi32>,
        %gather3A_389 = tpu.vector_load_idx %arg13[%add3A_17, %and3A_387] : memref<128x64xi32, #tpu.memory_space<vmem>>[vector<16xi32>, vector<16xi32>], vector<16xi32>,
        %gather3A_390 = tpu.vector_load_idx %arg8[%get3A_149, %and3A_387] : memref<237x64xi32, #tpu.memory_space<vmem>>[vector<16xi32>, vector<16xi32>], vector<16xi32>,
        %bitcast3A_391 = vector.bitcast %gather3A_388 : vector<16xi32> to vector<32xbf16>
        %bitcast3A_392 = vector.bitcast %gather3A_389 : vector<16xi32> to vector<32xbf16>
        %mul3A_393 = arith.mulf %bitcast3A_391, %bitcast3A_392 : vector<32xbf16>
        %bitcast3A_394 = vector.bitcast %gather3A_390 : vector<16xi32> to vector<32xbf16>
        %mul3A_395 = arith.mulf %mul3A_393, %bitcast3A_394 : vector<32xbf16>
        %bitcast3A_396 = vector.bitcast %mul3A_395 : vector<32xbf16> to vector<16xi32>
        %shift_left3A_397 = arith.constant 16 : i32
        %shift_left3A_398 = vector.broadcast %shift_left3A_397 : i32 to vector<16xi32>
        %shift_left3A_399 = arith.shli %bitcast3A_396, %shift_left3A_398 : vector<16xi32>
        %bitcast3A_400 = vector.bitcast %shift_left3A_399 : vector<16xi32> to vector<16xf32>
        %add3A_401 = arith.addf %add3A_326, %bitcast3A_400 : vector<16xf32>
        %and3A_402 = arith.andi %bitcast3A_396, %broadcast_in_dim3A_27 : vector<16xi32>
        %bitcast3A_403 = vector.bitcast %and3A_402 : vector<16xi32> to vector<16xf32>
        %add3A_404 = arith.addf %add3A_329, %bitcast3A_403 : vector<16xf32>
        %gather3A_405 = tpu.vector_load_idx %arg12[%add3A_20, %and3A_387] : memref<128x64xi32, #tpu.memory_space<vmem>>[vector<16xi32>, vector<16xi32>], vector<16xi32>,
        %gather3A_406 = tpu.vector_load_idx %arg13[%add3A_20, %and3A_387] : memref<128x64xi32, #tpu.memory_space<vmem>>[vector<16xi32>, vector<16xi32>], vector<16xi32>,
        %gather3A_407 = tpu.vector_load_idx %arg8[%get3A_153, %and3A_387] : memref<237x64xi32, #tpu.memory_space<vmem>>[vector<16xi32>, vector<16xi32>], vector<16xi32>,
        %bitcast3A_408 = vector.bitcast %gather3A_405 : vector<16xi32> to vector<32xbf16>
        %bitcast3A_409 = vector.bitcast %gather3A_406 : vector<16xi32> to vector<32xbf16>
        %mul3A_410 = arith.mulf %bitcast3A_408, %bitcast3A_409 : vector<32xbf16>
        %bitcast3A_411 = vector.bitcast %gather3A_407 : vector<16xi32> to vector<32xbf16>
        %mul3A_412 = arith.mulf %mul3A_410, %bitcast3A_411 : vector<32xbf16>
        %bitcast3A_413 = vector.bitcast %mul3A_412 : vector<32xbf16> to vector<16xi32>
        %shift_left3A_414 = arith.constant 16 : i32
        %shift_left3A_415 = vector.broadcast %shift_left3A_414 : i32 to vector<16xi32>
        %shift_left3A_416 = arith.shli %bitcast3A_413, %shift_left3A_415 : vector<16xi32>
        %bitcast3A_417 = vector.bitcast %shift_left3A_416 : vector<16xi32> to vector<16xf32>
        %add3A_418 = arith.addf %add3A_343, %bitcast3A_417 : vector<16xf32>
        %and3A_419 = arith.andi %bitcast3A_413, %broadcast_in_dim3A_27 : vector<16xi32>
        %bitcast3A_420 = vector.bitcast %and3A_419 : vector<16xi32> to vector<16xf32>
        %add3A_421 = arith.addf %add3A_346, %bitcast3A_420 : vector<16xf32>
        %gather3A_422 = tpu.vector_load_idx %arg12[%add3A_23, %and3A_387] : memref<128x64xi32, #tpu.memory_space<vmem>>[vector<16xi32>, vector<16xi32>], vector<16xi32>,
        %gather3A_423 = tpu.vector_load_idx %arg13[%add3A_23, %and3A_387] : memref<128x64xi32, #tpu.memory_space<vmem>>[vector<16xi32>, vector<16xi32>], vector<16xi32>,
        %gather3A_424 = tpu.vector_load_idx %arg8[%get3A_157, %and3A_387] : memref<237x64xi32, #tpu.memory_space<vmem>>[vector<16xi32>, vector<16xi32>], vector<16xi32>,
        %bitcast3A_425 = vector.bitcast %gather3A_422 : vector<16xi32> to vector<32xbf16>
        %bitcast3A_426 = vector.bitcast %gather3A_423 : vector<16xi32> to vector<32xbf16>
        %mul3A_427 = arith.mulf %bitcast3A_425, %bitcast3A_426 : vector<32xbf16>
        %bitcast3A_428 = vector.bitcast %gather3A_424 : vector<16xi32> to vector<32xbf16>
        %mul3A_429 = arith.mulf %mul3A_427, %bitcast3A_428 : vector<32xbf16>
        %bitcast3A_430 = vector.bitcast %mul3A_429 : vector<32xbf16> to vector<16xi32>
        %shift_left3A_431 = arith.constant 16 : i32
        %shift_left3A_432 = vector.broadcast %shift_left3A_431 : i32 to vector<16xi32>
        %shift_left3A_433 = arith.shli %bitcast3A_430, %shift_left3A_432 : vector<16xi32>
        %bitcast3A_434 = vector.bitcast %shift_left3A_433 : vector<16xi32> to vector<16xf32>
        %add3A_435 = arith.addf %add3A_360, %bitcast3A_434 : vector<16xf32>
        %and3A_436 = arith.andi %bitcast3A_430, %broadcast_in_dim3A_27 : vector<16xi32>
        %bitcast3A_437 = vector.bitcast %and3A_436 : vector<16xi32> to vector<16xf32>
        %add3A_438 = arith.addf %add3A_363, %bitcast3A_437 : vector<16xf32>
        %gather3A_439 = tpu.vector_load_idx %arg12[%add3A_26, %and3A_387] : memref<128x64xi32, #tpu.memory_space<vmem>>[vector<16xi32>, vector<16xi32>], vector<16xi32>,
        %gather3A_440 = tpu.vector_load_idx %arg13[%add3A_26, %and3A_387] : memref<128x64xi32, #tpu.memory_space<vmem>>[vector<16xi32>, vector<16xi32>], vector<16xi32>,
        %gather3A_441 = tpu.vector_load_idx %arg8[%get3A_161, %and3A_387] : memref<237x64xi32, #tpu.memory_space<vmem>>[vector<16xi32>, vector<16xi32>], vector<16xi32>,
        %bitcast3A_442 = vector.bitcast %gather3A_439 : vector<16xi32> to vector<32xbf16>
        %bitcast3A_443 = vector.bitcast %gather3A_440 : vector<16xi32> to vector<32xbf16>
        %mul3A_444 = arith.mulf %bitcast3A_442, %bitcast3A_443 : vector<32xbf16>
        %bitcast3A_445 = vector.bitcast %gather3A_441 : vector<16xi32> to vector<32xbf16>
        %mul3A_446 = arith.mulf %mul3A_444, %bitcast3A_445 : vector<32xbf16>
        %bitcast3A_447 = vector.bitcast %mul3A_446 : vector<32xbf16> to vector<16xi32>
        %shift_left3A_448 = arith.constant 16 : i32
        %shift_left3A_449 = vector.broadcast %shift_left3A_448 : i32 to vector<16xi32>
        %shift_left3A_450 = arith.shli %bitcast3A_447, %shift_left3A_449 : vector<16xi32>
        %bitcast3A_451 = vector.bitcast %shift_left3A_450 : vector<16xi32> to vector<16xf32>
        %add3A_452 = arith.addf %add3A_377, %bitcast3A_451 : vector<16xf32>
        %and3A_453 = arith.andi %bitcast3A_447, %broadcast_in_dim3A_27 : vector<16xi32>
        %bitcast3A_454 = vector.bitcast %and3A_453 : vector<16xi32> to vector<16xf32>
        %add3A_455 = arith.addf %add3A_380, %bitcast3A_454 : vector<16xf32>
        scf.yield %add3A_401, %add3A_418, %add3A_435, %add3A_452, %add3A_404, %add3A_421, %add3A_438, %add3A_455 : vector<16xf32>, vector<16xf32>, vector<16xf32>, vector<16xf32>, vector<16xf32>, vector<16xf32>, vector<16xf32>, vector<16xf32>
      }
      %scan3A_175 = arith.constant 64 : i32
      %add3A_176 = arith.addf %scan3A_174#0, %scan3A_174#4 : vector<16xf32>
      %swap3A_177 = arith.constant 64 : index
      %swap3A_178 = tpu.vector_load %arg16[%swap3A_177] {strides = array<i32>} : memref<128xf32, #tpu.memory_space<vmem>>, vector<16xf32>,
      tpu.vector_store %arg16[%swap3A_177], %add3A_176 {strides = array<i32>} : memref<128xf32, #tpu.memory_space<vmem>>, vector<16xf32>,
      %add3A_179 = arith.addf %scan3A_174#1, %scan3A_174#5 : vector<16xf32>
      %swap3A_180 = arith.constant 80 : index
      %swap3A_181 = tpu.vector_load %arg16[%swap3A_180] {strides = array<i32>} : memref<128xf32, #tpu.memory_space<vmem>>, vector<16xf32>,
      tpu.vector_store %arg16[%swap3A_180], %add3A_179 {strides = array<i32>} : memref<128xf32, #tpu.memory_space<vmem>>, vector<16xf32>,
      %add3A_182 = arith.addf %scan3A_174#2, %scan3A_174#6 : vector<16xf32>
      %swap3A_183 = arith.constant 96 : index
      %swap3A_184 = tpu.vector_load %arg16[%swap3A_183] {strides = array<i32>} : memref<128xf32, #tpu.memory_space<vmem>>, vector<16xf32>,
      tpu.vector_store %arg16[%swap3A_183], %add3A_182 {strides = array<i32>} : memref<128xf32, #tpu.memory_space<vmem>>, vector<16xf32>,
      %add3A_185 = arith.addf %scan3A_174#3, %scan3A_174#7 : vector<16xf32>
      %swap3A_186 = arith.constant 112 : index
      %swap3A_187 = tpu.vector_load %arg16[%swap3A_186] {strides = array<i32>} : memref<128xf32, #tpu.memory_space<vmem>>, vector<16xf32>,
      tpu.vector_store %arg16[%swap3A_186], %add3A_185 {strides = array<i32>} : memref<128xf32, #tpu.memory_space<vmem>>, vector<16xf32>,
      %add3A_188 = arith.addi %mul3A_2, %min3A_95 : i32
      %dma_start3A_189 = tpu.memref_slice %arg7[%add3A_188] : memref<320000xf32, #tpu.memory_space<hbm>> -> memref<128xf32, #tpu.memory_space<hbm>>
      %dma_start3A_190 = tpu.memref_slice %arg7[%add3A_188] : memref<320000xf32, #tpu.memory_space<hbm>> -> memref<128xf32, #tpu.memory_space<hbm>>
      tpu.enqueue_dma source(%arg16 : memref<128xf32, #tpu.memory_space<vmem>>) target(%dma_start3A_190 : memref<128xf32, #tpu.memory_space<hbm>>) target_semaphore(%arg26 : memref<!tpu.dma_semaphore, #tpu.memory_space<semaphore_mem>>)
      %add3A_191 = arith.constant 2 : i32
      %add3A_192 = arith.addi %mul3A_77, %add3A_191 : i32
      %lt3A = arith.constant 80 : i32
      %lt3A_193 = arith.cmpi slt, %add3A_192, %lt3A : i32
      %convert_element_type3A_194 = arith.extui %lt3A_193 : i1 to i32
      %cond3A_195 = arith.constant 0 : i32
      %cond3A_196 = arith.cmpi ne, %convert_element_type3A_194, %cond3A_195 : i32
      scf.if %cond3A_196 {
        %add3A_303 = arith.constant 2 : i32
        %add3A_304 = arith.addi %mul3A_77, %add3A_303 : i32
        %mul3A_305 = arith.constant 128 : i32
        %mul3A_306 = arith.muli %add3A_304, %mul3A_305 : i32
        %min3A_307 = arith.constant 9872 : i32
        %min3A_308 = arith.minsi %mul3A_306, %min3A_307 : i32
        %dma_start3A_309 = tpu.memref_slice %arg9[%min3A_308] : memref<10000xi32, #tpu.memory_space<vmem>> -> memref<128xi32, #tpu.memory_space<vmem>>
        %dma_start3A_310 = arith.constant 0 : i32
        %dma_start3A_311 = arith.constant 0 : i32
        %dma_start3A_312 = tpu.memref_slice %arg21[%dma_start3A_310, %dma_start3A_311] : memref<10000x64xi32, #tpu.memory_space<vmem_shared>> -> memref<10000x64xi32, #tpu.memory_space<vmem_shared>>
        tpu.enqueue_indirect_dma source(%dma_start3A_312 : memref<10000x64xi32, #tpu.memory_space<vmem_shared>>) target(%arg12 : memref<128x64xi32, #tpu.memory_space<vmem>>) offsets(%dma_start3A_309 : memref<128xi32, #tpu.memory_space<vmem>>) semaphore(%arg22 : memref<!tpu.dma_semaphore, #tpu.memory_space<semaphore_mem>>)
        %dma_start3A_313 = tpu.memref_slice %arg10[%min3A_308] : memref<10000xi32, #tpu.memory_space<vmem>> -> memref<128xi32, #tpu.memory_space<vmem>>
        %dma_start3A_314 = arith.constant 0 : i32
        %dma_start3A_315 = arith.constant 0 : i32
        %dma_start3A_316 = tpu.memref_slice %arg21[%dma_start3A_314, %dma_start3A_315] : memref<10000x64xi32, #tpu.memory_space<vmem_shared>> -> memref<10000x64xi32, #tpu.memory_space<vmem_shared>>
        tpu.enqueue_indirect_dma source(%dma_start3A_316 : memref<10000x64xi32, #tpu.memory_space<vmem_shared>>) target(%arg13 : memref<128x64xi32, #tpu.memory_space<vmem>>) offsets(%dma_start3A_313 : memref<128xi32, #tpu.memory_space<vmem>>) semaphore(%arg23 : memref<!tpu.dma_semaphore, #tpu.memory_space<semaphore_mem>>)
      } else {
      }
      %add3A_197 = arith.constant 1 : i32
      %add3A_198 = arith.addi %mul3A_77, %add3A_197 : i32
      %mul3A_199 = arith.constant 128 : i32
      %mul3A_200 = arith.muli %add3A_198, %mul3A_199 : i32
      %min3A_201 = arith.constant 9872 : i32
      %min3A_202 = arith.minsi %mul3A_200, %min3A_201 : i32
      %dma_wait3A_203 = tpu.memref_slice %arg9[%min3A_202] : memref<10000xi32, #tpu.memory_space<vmem>> -> memref<128xi32, #tpu.memory_space<vmem>>
      %dma_wait3A_204 = arith.constant 0 : i32
      %dma_wait3A_205 = arith.constant 0 : i32
      %dma_wait3A_206 = tpu.memref_slice %arg21[%dma_wait3A_204, %dma_wait3A_205] : memref<10000x64xi32, #tpu.memory_space<vmem_shared>> -> memref<10000x64xi32, #tpu.memory_space<vmem_shared>>
      tpu.wait_indirect_dma semaphore(%arg24 : memref<!tpu.dma_semaphore, #tpu.memory_space<semaphore_mem>>) src(%dma_wait3A_206 : memref<10000x64xi32, #tpu.memory_space<vmem_shared>>) dst(%arg14 : memref<128x64xi32, #tpu.memory_space<vmem>>)
      %dma_wait3A_207 = tpu.memref_slice %arg10[%min3A_202] : memref<10000xi32, #tpu.memory_space<vmem>> -> memref<128xi32, #tpu.memory_space<vmem>>
      %dma_wait3A_208 = arith.constant 0 : i32
      %dma_wait3A_209 = arith.constant 0 : i32
      %dma_wait3A_210 = tpu.memref_slice %arg21[%dma_wait3A_208, %dma_wait3A_209] : memref<10000x64xi32, #tpu.memory_space<vmem_shared>> -> memref<10000x64xi32, #tpu.memory_space<vmem_shared>>
      tpu.wait_indirect_dma semaphore(%arg25 : memref<!tpu.dma_semaphore, #tpu.memory_space<semaphore_mem>>) src(%dma_wait3A_210 : memref<10000x64xi32, #tpu.memory_space<vmem_shared>>) dst(%arg15 : memref<128x64xi32, #tpu.memory_space<vmem>>)
      %ge3A_211 = arith.constant 2 : i32
      %ge3A_212 = arith.cmpi sge, %add3A_198, %ge3A_211 : i32
      %convert_element_type3A_213 = arith.extui %ge3A_212 : i1 to i32
      %cond3A_214 = arith.constant 0 : i32
      %cond3A_215 = arith.cmpi ne, %convert_element_type3A_213, %cond3A_214 : i32
      scf.if %cond3A_215 {
        %add3A_303 = arith.addi %mul3A_2, %min3A_202 : i32
        %dma_wait3A_304 = tpu.memref_slice %arg7[%add3A_303] : memref<320000xf32, #tpu.memory_space<hbm>> -> memref<128xf32, #tpu.memory_space<hbm>>
        %dma_wait3A_305 = tpu.memref_slice %arg7[%add3A_303] : memref<320000xf32, #tpu.memory_space<hbm>> -> memref<128xf32, #tpu.memory_space<hbm>>
        tpu.wait_dma2 semaphore(%arg27 : memref<!tpu.dma_semaphore, #tpu.memory_space<semaphore_mem>>) src(%arg17 : memref<128xf32, #tpu.memory_space<vmem>>) dst(%dma_wait3A_305 : memref<128xf32, #tpu.memory_space<hbm>>)
      } else {
      }
      %add3A_216 = arith.constant 0 : i32
      %add3A_217 = arith.addi %min3A_202, %add3A_216 : i32
      %get3A_218 = arith.index_cast %add3A_217 : i32 to index
      %get3A_219 = tpu.vector_load %arg11[%get3A_218] {strides = array<i32>} : memref<10000xi32, #tpu.memory_space<vmem>>, vector<16xi32>,
      %add3A_220 = arith.constant 16 : i32
      %add3A_221 = arith.addi %min3A_202, %add3A_220 : i32
      %get3A_222 = arith.index_cast %add3A_221 : i32 to index
      %get3A_223 = tpu.vector_load %arg11[%get3A_222] {strides = array<i32>} : memref<10000xi32, #tpu.memory_space<vmem>>, vector<16xi32>,
      %add3A_224 = arith.constant 32 : i32
      %add3A_225 = arith.addi %min3A_202, %add3A_224 : i32
      %get3A_226 = arith.index_cast %add3A_225 : i32 to index
      %get3A_227 = tpu.vector_load %arg11[%get3A_226] {strides = array<i32>} : memref<10000xi32, #tpu.memory_space<vmem>>, vector<16xi32>,
      %add3A_228 = arith.constant 48 : i32
      %add3A_229 = arith.addi %min3A_202, %add3A_228 : i32
      %get3A_230 = arith.index_cast %add3A_229 : i32 to index
      %get3A_231 = tpu.vector_load %arg11[%get3A_230] {strides = array<i32>} : memref<10000xi32, #tpu.memory_space<vmem>>, vector<16xi32>,
      %broadcast_in_dim3A_232 = arith.constant 0.000000e+00 : f32
      %broadcast_in_dim3A_233 = vector.broadcast %broadcast_in_dim3A_232 : f32 to vector<16xf32>
      %broadcast_in_dim3A_234 = arith.constant 0.000000e+00 : f32
      %broadcast_in_dim3A_235 = vector.broadcast %broadcast_in_dim3A_234 : f32 to vector<16xf32>
      %broadcast_in_dim3A_236 = arith.constant 0.000000e+00 : f32
      %broadcast_in_dim3A_237 = vector.broadcast %broadcast_in_dim3A_236 : f32 to vector<16xf32>
      %broadcast_in_dim3A_238 = arith.constant 0.000000e+00 : f32
      %broadcast_in_dim3A_239 = vector.broadcast %broadcast_in_dim3A_238 : f32 to vector<16xf32>
      %scan3A_240 = arith.constant 0 : i32
      %scan3A_241 = arith.constant 64 : i32
      %scan3A_242 = arith.addi %scan3A_240, %scan3A_241 : i32
      %scan3A_243 = arith.constant 2 : i32
      %scan3A_244:8 = scf.for %scan3A_303 = %scan3A_240 to %scan3A_242 step %scan3A_243 iter_args(%scan3A_304 = %broadcast_in_dim3A_233, %scan3A_305 = %broadcast_in_dim3A_235, %scan3A_306 = %broadcast_in_dim3A_237, %scan3A_307 = %broadcast_in_dim3A_239, %scan3A_308 = %broadcast_in_dim3A_233, %scan3A_309 = %broadcast_in_dim3A_235, %scan3A_310 = %broadcast_in_dim3A_237, %scan3A_311 = %broadcast_in_dim3A_239) -> (vector<16xf32>, vector<16xf32>, vector<16xf32>, vector<16xf32>, vector<16xf32>, vector<16xf32>, vector<16xf32>, vector<16xf32>)  : i32 {
        %broadcast_in_dim3A_312 = vector.broadcast %scan3A_303 : i32 to vector<16xi32>
        %add3A_313 = arith.addi %broadcast_in_dim3A_312, %iota3A : vector<16xi32>
        %and3A = arith.constant 63 : i32
        %and3A_314 = vector.broadcast %and3A : i32 to vector<16xi32>
        %and3A_315 = arith.andi %add3A_313, %and3A_314 : vector<16xi32>
        %gather3A = tpu.vector_load_idx %arg14[%add3A_5, %and3A_315] : memref<128x64xi32, #tpu.memory_space<vmem>>[vector<16xi32>, vector<16xi32>], vector<16xi32>,
        %gather3A_316 = tpu.vector_load_idx %arg15[%add3A_5, %and3A_315] : memref<128x64xi32, #tpu.memory_space<vmem>>[vector<16xi32>, vector<16xi32>], vector<16xi32>,
        %gather3A_317 = tpu.vector_load_idx %arg8[%get3A_219, %and3A_315] : memref<237x64xi32, #tpu.memory_space<vmem>>[vector<16xi32>, vector<16xi32>], vector<16xi32>,
        %bitcast3A = vector.bitcast %gather3A : vector<16xi32> to vector<32xbf16>
        %bitcast3A_318 = vector.bitcast %gather3A_316 : vector<16xi32> to vector<32xbf16>
        %mul3A_319 = arith.mulf %bitcast3A, %bitcast3A_318 : vector<32xbf16>
        %bitcast3A_320 = vector.bitcast %gather3A_317 : vector<16xi32> to vector<32xbf16>
        %mul3A_321 = arith.mulf %mul3A_319, %bitcast3A_320 : vector<32xbf16>
        %bitcast3A_322 = vector.bitcast %mul3A_321 : vector<32xbf16> to vector<16xi32>
        %shift_left3A = arith.constant 16 : i32
        %shift_left3A_323 = vector.broadcast %shift_left3A : i32 to vector<16xi32>
        %shift_left3A_324 = arith.shli %bitcast3A_322, %shift_left3A_323 : vector<16xi32>
        %bitcast3A_325 = vector.bitcast %shift_left3A_324 : vector<16xi32> to vector<16xf32>
        %add3A_326 = arith.addf %scan3A_304, %bitcast3A_325 : vector<16xf32>
        %and3A_327 = arith.andi %bitcast3A_322, %broadcast_in_dim3A_27 : vector<16xi32>
        %bitcast3A_328 = vector.bitcast %and3A_327 : vector<16xi32> to vector<16xf32>
        %add3A_329 = arith.addf %scan3A_308, %bitcast3A_328 : vector<16xf32>
        %gather3A_330 = tpu.vector_load_idx %arg14[%add3A_8, %and3A_315] : memref<128x64xi32, #tpu.memory_space<vmem>>[vector<16xi32>, vector<16xi32>], vector<16xi32>,
        %gather3A_331 = tpu.vector_load_idx %arg15[%add3A_8, %and3A_315] : memref<128x64xi32, #tpu.memory_space<vmem>>[vector<16xi32>, vector<16xi32>], vector<16xi32>,
        %gather3A_332 = tpu.vector_load_idx %arg8[%get3A_223, %and3A_315] : memref<237x64xi32, #tpu.memory_space<vmem>>[vector<16xi32>, vector<16xi32>], vector<16xi32>,
        %bitcast3A_333 = vector.bitcast %gather3A_330 : vector<16xi32> to vector<32xbf16>
        %bitcast3A_334 = vector.bitcast %gather3A_331 : vector<16xi32> to vector<32xbf16>
        %mul3A_335 = arith.mulf %bitcast3A_333, %bitcast3A_334 : vector<32xbf16>
        %bitcast3A_336 = vector.bitcast %gather3A_332 : vector<16xi32> to vector<32xbf16>
        %mul3A_337 = arith.mulf %mul3A_335, %bitcast3A_336 : vector<32xbf16>
        %bitcast3A_338 = vector.bitcast %mul3A_337 : vector<32xbf16> to vector<16xi32>
        %shift_left3A_339 = arith.constant 16 : i32
        %shift_left3A_340 = vector.broadcast %shift_left3A_339 : i32 to vector<16xi32>
        %shift_left3A_341 = arith.shli %bitcast3A_338, %shift_left3A_340 : vector<16xi32>
        %bitcast3A_342 = vector.bitcast %shift_left3A_341 : vector<16xi32> to vector<16xf32>
        %add3A_343 = arith.addf %scan3A_305, %bitcast3A_342 : vector<16xf32>
        %and3A_344 = arith.andi %bitcast3A_338, %broadcast_in_dim3A_27 : vector<16xi32>
        %bitcast3A_345 = vector.bitcast %and3A_344 : vector<16xi32> to vector<16xf32>
        %add3A_346 = arith.addf %scan3A_309, %bitcast3A_345 : vector<16xf32>
        %gather3A_347 = tpu.vector_load_idx %arg14[%add3A_11, %and3A_315] : memref<128x64xi32, #tpu.memory_space<vmem>>[vector<16xi32>, vector<16xi32>], vector<16xi32>,
        %gather3A_348 = tpu.vector_load_idx %arg15[%add3A_11, %and3A_315] : memref<128x64xi32, #tpu.memory_space<vmem>>[vector<16xi32>, vector<16xi32>], vector<16xi32>,
        %gather3A_349 = tpu.vector_load_idx %arg8[%get3A_227, %and3A_315] : memref<237x64xi32, #tpu.memory_space<vmem>>[vector<16xi32>, vector<16xi32>], vector<16xi32>,
        %bitcast3A_350 = vector.bitcast %gather3A_347 : vector<16xi32> to vector<32xbf16>
        %bitcast3A_351 = vector.bitcast %gather3A_348 : vector<16xi32> to vector<32xbf16>
        %mul3A_352 = arith.mulf %bitcast3A_350, %bitcast3A_351 : vector<32xbf16>
        %bitcast3A_353 = vector.bitcast %gather3A_349 : vector<16xi32> to vector<32xbf16>
        %mul3A_354 = arith.mulf %mul3A_352, %bitcast3A_353 : vector<32xbf16>
        %bitcast3A_355 = vector.bitcast %mul3A_354 : vector<32xbf16> to vector<16xi32>
        %shift_left3A_356 = arith.constant 16 : i32
        %shift_left3A_357 = vector.broadcast %shift_left3A_356 : i32 to vector<16xi32>
        %shift_left3A_358 = arith.shli %bitcast3A_355, %shift_left3A_357 : vector<16xi32>
        %bitcast3A_359 = vector.bitcast %shift_left3A_358 : vector<16xi32> to vector<16xf32>
        %add3A_360 = arith.addf %scan3A_306, %bitcast3A_359 : vector<16xf32>
        %and3A_361 = arith.andi %bitcast3A_355, %broadcast_in_dim3A_27 : vector<16xi32>
        %bitcast3A_362 = vector.bitcast %and3A_361 : vector<16xi32> to vector<16xf32>
        %add3A_363 = arith.addf %scan3A_310, %bitcast3A_362 : vector<16xf32>
        %gather3A_364 = tpu.vector_load_idx %arg14[%add3A_14, %and3A_315] : memref<128x64xi32, #tpu.memory_space<vmem>>[vector<16xi32>, vector<16xi32>], vector<16xi32>,
        %gather3A_365 = tpu.vector_load_idx %arg15[%add3A_14, %and3A_315] : memref<128x64xi32, #tpu.memory_space<vmem>>[vector<16xi32>, vector<16xi32>], vector<16xi32>,
        %gather3A_366 = tpu.vector_load_idx %arg8[%get3A_231, %and3A_315] : memref<237x64xi32, #tpu.memory_space<vmem>>[vector<16xi32>, vector<16xi32>], vector<16xi32>,
        %bitcast3A_367 = vector.bitcast %gather3A_364 : vector<16xi32> to vector<32xbf16>
        %bitcast3A_368 = vector.bitcast %gather3A_365 : vector<16xi32> to vector<32xbf16>
        %mul3A_369 = arith.mulf %bitcast3A_367, %bitcast3A_368 : vector<32xbf16>
        %bitcast3A_370 = vector.bitcast %gather3A_366 : vector<16xi32> to vector<32xbf16>
        %mul3A_371 = arith.mulf %mul3A_369, %bitcast3A_370 : vector<32xbf16>
        %bitcast3A_372 = vector.bitcast %mul3A_371 : vector<32xbf16> to vector<16xi32>
        %shift_left3A_373 = arith.constant 16 : i32
        %shift_left3A_374 = vector.broadcast %shift_left3A_373 : i32 to vector<16xi32>
        %shift_left3A_375 = arith.shli %bitcast3A_372, %shift_left3A_374 : vector<16xi32>
        %bitcast3A_376 = vector.bitcast %shift_left3A_375 : vector<16xi32> to vector<16xf32>
        %add3A_377 = arith.addf %scan3A_307, %bitcast3A_376 : vector<16xf32>
        %and3A_378 = arith.andi %bitcast3A_372, %broadcast_in_dim3A_27 : vector<16xi32>
        %bitcast3A_379 = vector.bitcast %and3A_378 : vector<16xi32> to vector<16xf32>
        %add3A_380 = arith.addf %scan3A_311, %bitcast3A_379 : vector<16xf32>
        %scan3A_381 = arith.constant 1 : i32
        %scan3A_382 = arith.addi %scan3A_303, %scan3A_381 : i32
        %broadcast_in_dim3A_383 = vector.broadcast %scan3A_382 : i32 to vector<16xi32>
        %add3A_384 = arith.addi %broadcast_in_dim3A_383, %iota3A : vector<16xi32>
        %and3A_385 = arith.constant 63 : i32
        %and3A_386 = vector.broadcast %and3A_385 : i32 to vector<16xi32>
        %and3A_387 = arith.andi %add3A_384, %and3A_386 : vector<16xi32>
        %gather3A_388 = tpu.vector_load_idx %arg14[%add3A_5, %and3A_387] : memref<128x64xi32, #tpu.memory_space<vmem>>[vector<16xi32>, vector<16xi32>], vector<16xi32>,
        %gather3A_389 = tpu.vector_load_idx %arg15[%add3A_5, %and3A_387] : memref<128x64xi32, #tpu.memory_space<vmem>>[vector<16xi32>, vector<16xi32>], vector<16xi32>,
        %gather3A_390 = tpu.vector_load_idx %arg8[%get3A_219, %and3A_387] : memref<237x64xi32, #tpu.memory_space<vmem>>[vector<16xi32>, vector<16xi32>], vector<16xi32>,
        %bitcast3A_391 = vector.bitcast %gather3A_388 : vector<16xi32> to vector<32xbf16>
        %bitcast3A_392 = vector.bitcast %gather3A_389 : vector<16xi32> to vector<32xbf16>
        %mul3A_393 = arith.mulf %bitcast3A_391, %bitcast3A_392 : vector<32xbf16>
        %bitcast3A_394 = vector.bitcast %gather3A_390 : vector<16xi32> to vector<32xbf16>
        %mul3A_395 = arith.mulf %mul3A_393, %bitcast3A_394 : vector<32xbf16>
        %bitcast3A_396 = vector.bitcast %mul3A_395 : vector<32xbf16> to vector<16xi32>
        %shift_left3A_397 = arith.constant 16 : i32
        %shift_left3A_398 = vector.broadcast %shift_left3A_397 : i32 to vector<16xi32>
        %shift_left3A_399 = arith.shli %bitcast3A_396, %shift_left3A_398 : vector<16xi32>
        %bitcast3A_400 = vector.bitcast %shift_left3A_399 : vector<16xi32> to vector<16xf32>
        %add3A_401 = arith.addf %add3A_326, %bitcast3A_400 : vector<16xf32>
        %and3A_402 = arith.andi %bitcast3A_396, %broadcast_in_dim3A_27 : vector<16xi32>
        %bitcast3A_403 = vector.bitcast %and3A_402 : vector<16xi32> to vector<16xf32>
        %add3A_404 = arith.addf %add3A_329, %bitcast3A_403 : vector<16xf32>
        %gather3A_405 = tpu.vector_load_idx %arg14[%add3A_8, %and3A_387] : memref<128x64xi32, #tpu.memory_space<vmem>>[vector<16xi32>, vector<16xi32>], vector<16xi32>,
        %gather3A_406 = tpu.vector_load_idx %arg15[%add3A_8, %and3A_387] : memref<128x64xi32, #tpu.memory_space<vmem>>[vector<16xi32>, vector<16xi32>], vector<16xi32>,
        %gather3A_407 = tpu.vector_load_idx %arg8[%get3A_223, %and3A_387] : memref<237x64xi32, #tpu.memory_space<vmem>>[vector<16xi32>, vector<16xi32>], vector<16xi32>,
        %bitcast3A_408 = vector.bitcast %gather3A_405 : vector<16xi32> to vector<32xbf16>
        %bitcast3A_409 = vector.bitcast %gather3A_406 : vector<16xi32> to vector<32xbf16>
        %mul3A_410 = arith.mulf %bitcast3A_408, %bitcast3A_409 : vector<32xbf16>
        %bitcast3A_411 = vector.bitcast %gather3A_407 : vector<16xi32> to vector<32xbf16>
        %mul3A_412 = arith.mulf %mul3A_410, %bitcast3A_411 : vector<32xbf16>
        %bitcast3A_413 = vector.bitcast %mul3A_412 : vector<32xbf16> to vector<16xi32>
        %shift_left3A_414 = arith.constant 16 : i32
        %shift_left3A_415 = vector.broadcast %shift_left3A_414 : i32 to vector<16xi32>
        %shift_left3A_416 = arith.shli %bitcast3A_413, %shift_left3A_415 : vector<16xi32>
        %bitcast3A_417 = vector.bitcast %shift_left3A_416 : vector<16xi32> to vector<16xf32>
        %add3A_418 = arith.addf %add3A_343, %bitcast3A_417 : vector<16xf32>
        %and3A_419 = arith.andi %bitcast3A_413, %broadcast_in_dim3A_27 : vector<16xi32>
        %bitcast3A_420 = vector.bitcast %and3A_419 : vector<16xi32> to vector<16xf32>
        %add3A_421 = arith.addf %add3A_346, %bitcast3A_420 : vector<16xf32>
        %gather3A_422 = tpu.vector_load_idx %arg14[%add3A_11, %and3A_387] : memref<128x64xi32, #tpu.memory_space<vmem>>[vector<16xi32>, vector<16xi32>], vector<16xi32>,
        %gather3A_423 = tpu.vector_load_idx %arg15[%add3A_11, %and3A_387] : memref<128x64xi32, #tpu.memory_space<vmem>>[vector<16xi32>, vector<16xi32>], vector<16xi32>,
        %gather3A_424 = tpu.vector_load_idx %arg8[%get3A_227, %and3A_387] : memref<237x64xi32, #tpu.memory_space<vmem>>[vector<16xi32>, vector<16xi32>], vector<16xi32>,
        %bitcast3A_425 = vector.bitcast %gather3A_422 : vector<16xi32> to vector<32xbf16>
        %bitcast3A_426 = vector.bitcast %gather3A_423 : vector<16xi32> to vector<32xbf16>
        %mul3A_427 = arith.mulf %bitcast3A_425, %bitcast3A_426 : vector<32xbf16>
        %bitcast3A_428 = vector.bitcast %gather3A_424 : vector<16xi32> to vector<32xbf16>
        %mul3A_429 = arith.mulf %mul3A_427, %bitcast3A_428 : vector<32xbf16>
        %bitcast3A_430 = vector.bitcast %mul3A_429 : vector<32xbf16> to vector<16xi32>
        %shift_left3A_431 = arith.constant 16 : i32
        %shift_left3A_432 = vector.broadcast %shift_left3A_431 : i32 to vector<16xi32>
        %shift_left3A_433 = arith.shli %bitcast3A_430, %shift_left3A_432 : vector<16xi32>
        %bitcast3A_434 = vector.bitcast %shift_left3A_433 : vector<16xi32> to vector<16xf32>
        %add3A_435 = arith.addf %add3A_360, %bitcast3A_434 : vector<16xf32>
        %and3A_436 = arith.andi %bitcast3A_430, %broadcast_in_dim3A_27 : vector<16xi32>
        %bitcast3A_437 = vector.bitcast %and3A_436 : vector<16xi32> to vector<16xf32>
        %add3A_438 = arith.addf %add3A_363, %bitcast3A_437 : vector<16xf32>
        %gather3A_439 = tpu.vector_load_idx %arg14[%add3A_14, %and3A_387] : memref<128x64xi32, #tpu.memory_space<vmem>>[vector<16xi32>, vector<16xi32>], vector<16xi32>,
        %gather3A_440 = tpu.vector_load_idx %arg15[%add3A_14, %and3A_387] : memref<128x64xi32, #tpu.memory_space<vmem>>[vector<16xi32>, vector<16xi32>], vector<16xi32>,
        %gather3A_441 = tpu.vector_load_idx %arg8[%get3A_231, %and3A_387] : memref<237x64xi32, #tpu.memory_space<vmem>>[vector<16xi32>, vector<16xi32>], vector<16xi32>,
        %bitcast3A_442 = vector.bitcast %gather3A_439 : vector<16xi32> to vector<32xbf16>
        %bitcast3A_443 = vector.bitcast %gather3A_440 : vector<16xi32> to vector<32xbf16>
        %mul3A_444 = arith.mulf %bitcast3A_442, %bitcast3A_443 : vector<32xbf16>
        %bitcast3A_445 = vector.bitcast %gather3A_441 : vector<16xi32> to vector<32xbf16>
        %mul3A_446 = arith.mulf %mul3A_444, %bitcast3A_445 : vector<32xbf16>
        %bitcast3A_447 = vector.bitcast %mul3A_446 : vector<32xbf16> to vector<16xi32>
        %shift_left3A_448 = arith.constant 16 : i32
        %shift_left3A_449 = vector.broadcast %shift_left3A_448 : i32 to vector<16xi32>
        %shift_left3A_450 = arith.shli %bitcast3A_447, %shift_left3A_449 : vector<16xi32>
        %bitcast3A_451 = vector.bitcast %shift_left3A_450 : vector<16xi32> to vector<16xf32>
        %add3A_452 = arith.addf %add3A_377, %bitcast3A_451 : vector<16xf32>
        %and3A_453 = arith.andi %bitcast3A_447, %broadcast_in_dim3A_27 : vector<16xi32>
        %bitcast3A_454 = vector.bitcast %and3A_453 : vector<16xi32> to vector<16xf32>
        %add3A_455 = arith.addf %add3A_380, %bitcast3A_454 : vector<16xf32>
        scf.yield %add3A_401, %add3A_418, %add3A_435, %add3A_452, %add3A_404, %add3A_421, %add3A_438, %add3A_455 : vector<16xf32>, vector<16xf32>, vector<16xf32>, vector<16xf32>, vector<16xf32>, vector<16xf32>, vector<16xf32>, vector<16xf32>
      }
      %scan3A_245 = arith.constant 64 : i32
      %add3A_246 = arith.addf %scan3A_244#0, %scan3A_244#4 : vector<16xf32>
      %swap3A_247 = arith.constant 0 : index
      %swap3A_248 = tpu.vector_load %arg17[%swap3A_247] {strides = array<i32>} : memref<128xf32, #tpu.memory_space<vmem>>, vector<16xf32>,
      tpu.vector_store %arg17[%swap3A_247], %add3A_246 {strides = array<i32>} : memref<128xf32, #tpu.memory_space<vmem>>, vector<16xf32>,
      %add3A_249 = arith.addf %scan3A_244#1, %scan3A_244#5 : vector<16xf32>
      %swap3A_250 = arith.constant 16 : index
      %swap3A_251 = tpu.vector_load %arg17[%swap3A_250] {strides = array<i32>} : memref<128xf32, #tpu.memory_space<vmem>>, vector<16xf32>,
      tpu.vector_store %arg17[%swap3A_250], %add3A_249 {strides = array<i32>} : memref<128xf32, #tpu.memory_space<vmem>>, vector<16xf32>,
      %add3A_252 = arith.addf %scan3A_244#2, %scan3A_244#6 : vector<16xf32>
      %swap3A_253 = arith.constant 32 : index
      %swap3A_254 = tpu.vector_load %arg17[%swap3A_253] {strides = array<i32>} : memref<128xf32, #tpu.memory_space<vmem>>, vector<16xf32>,
      tpu.vector_store %arg17[%swap3A_253], %add3A_252 {strides = array<i32>} : memref<128xf32, #tpu.memory_space<vmem>>, vector<16xf32>,
      %add3A_255 = arith.addf %scan3A_244#3, %scan3A_244#7 : vector<16xf32>
      %swap3A_256 = arith.constant 48 : index
      %swap3A_257 = tpu.vector_load %arg17[%swap3A_256] {strides = array<i32>} : memref<128xf32, #tpu.memory_space<vmem>>, vector<16xf32>,
      tpu.vector_store %arg17[%swap3A_256], %add3A_255 {strides = array<i32>} : memref<128xf32, #tpu.memory_space<vmem>>, vector<16xf32>,
      %add3A_258 = arith.constant 64 : i32
      %add3A_259 = arith.addi %min3A_202, %add3A_258 : i32
      %get3A_260 = arith.index_cast %add3A_259 : i32 to index
      %get3A_261 = tpu.vector_load %arg11[%get3A_260] {strides = array<i32>} : memref<10000xi32, #tpu.memory_space<vmem>>, vector<16xi32>,
      %add3A_262 = arith.constant 80 : i32
      %add3A_263 = arith.addi %min3A_202, %add3A_262 : i32
      %get3A_264 = arith.index_cast %add3A_263 : i32 to index
      %get3A_265 = tpu.vector_load %arg11[%get3A_264] {strides = array<i32>} : memref<10000xi32, #tpu.memory_space<vmem>>, vector<16xi32>,
      %add3A_266 = arith.constant 96 : i32
      %add3A_267 = arith.addi %min3A_202, %add3A_266 : i32
      %get3A_268 = arith.index_cast %add3A_267 : i32 to index
      %get3A_269 = tpu.vector_load %arg11[%get3A_268] {strides = array<i32>} : memref<10000xi32, #tpu.memory_space<vmem>>, vector<16xi32>,
      %add3A_270 = arith.constant 112 : i32
      %add3A_271 = arith.addi %min3A_202, %add3A_270 : i32
      %get3A_272 = arith.index_cast %add3A_271 : i32 to index
      %get3A_273 = tpu.vector_load %arg11[%get3A_272] {strides = array<i32>} : memref<10000xi32, #tpu.memory_space<vmem>>, vector<16xi32>,
      %broadcast_in_dim3A_274 = arith.constant 0.000000e+00 : f32
      %broadcast_in_dim3A_275 = vector.broadcast %broadcast_in_dim3A_274 : f32 to vector<16xf32>
      %broadcast_in_dim3A_276 = arith.constant 0.000000e+00 : f32
      %broadcast_in_dim3A_277 = vector.broadcast %broadcast_in_dim3A_276 : f32 to vector<16xf32>
      %broadcast_in_dim3A_278 = arith.constant 0.000000e+00 : f32
      %broadcast_in_dim3A_279 = vector.broadcast %broadcast_in_dim3A_278 : f32 to vector<16xf32>
      %broadcast_in_dim3A_280 = arith.constant 0.000000e+00 : f32
      %broadcast_in_dim3A_281 = vector.broadcast %broadcast_in_dim3A_280 : f32 to vector<16xf32>
      %scan3A_282 = arith.constant 0 : i32
      %scan3A_283 = arith.constant 64 : i32
      %scan3A_284 = arith.addi %scan3A_282, %scan3A_283 : i32
      %scan3A_285 = arith.constant 2 : i32
      %scan3A_286:8 = scf.for %scan3A_303 = %scan3A_282 to %scan3A_284 step %scan3A_285 iter_args(%scan3A_304 = %broadcast_in_dim3A_275, %scan3A_305 = %broadcast_in_dim3A_277, %scan3A_306 = %broadcast_in_dim3A_279, %scan3A_307 = %broadcast_in_dim3A_281, %scan3A_308 = %broadcast_in_dim3A_275, %scan3A_309 = %broadcast_in_dim3A_277, %scan3A_310 = %broadcast_in_dim3A_279, %scan3A_311 = %broadcast_in_dim3A_281) -> (vector<16xf32>, vector<16xf32>, vector<16xf32>, vector<16xf32>, vector<16xf32>, vector<16xf32>, vector<16xf32>, vector<16xf32>)  : i32 {
        %broadcast_in_dim3A_312 = vector.broadcast %scan3A_303 : i32 to vector<16xi32>
        %add3A_313 = arith.addi %broadcast_in_dim3A_312, %iota3A : vector<16xi32>
        %and3A = arith.constant 63 : i32
        %and3A_314 = vector.broadcast %and3A : i32 to vector<16xi32>
        %and3A_315 = arith.andi %add3A_313, %and3A_314 : vector<16xi32>
        %gather3A = tpu.vector_load_idx %arg14[%add3A_17, %and3A_315] : memref<128x64xi32, #tpu.memory_space<vmem>>[vector<16xi32>, vector<16xi32>], vector<16xi32>,
        %gather3A_316 = tpu.vector_load_idx %arg15[%add3A_17, %and3A_315] : memref<128x64xi32, #tpu.memory_space<vmem>>[vector<16xi32>, vector<16xi32>], vector<16xi32>,
        %gather3A_317 = tpu.vector_load_idx %arg8[%get3A_261, %and3A_315] : memref<237x64xi32, #tpu.memory_space<vmem>>[vector<16xi32>, vector<16xi32>], vector<16xi32>,
        %bitcast3A = vector.bitcast %gather3A : vector<16xi32> to vector<32xbf16>
        %bitcast3A_318 = vector.bitcast %gather3A_316 : vector<16xi32> to vector<32xbf16>
        %mul3A_319 = arith.mulf %bitcast3A, %bitcast3A_318 : vector<32xbf16>
        %bitcast3A_320 = vector.bitcast %gather3A_317 : vector<16xi32> to vector<32xbf16>
        %mul3A_321 = arith.mulf %mul3A_319, %bitcast3A_320 : vector<32xbf16>
        %bitcast3A_322 = vector.bitcast %mul3A_321 : vector<32xbf16> to vector<16xi32>
        %shift_left3A = arith.constant 16 : i32
        %shift_left3A_323 = vector.broadcast %shift_left3A : i32 to vector<16xi32>
        %shift_left3A_324 = arith.shli %bitcast3A_322, %shift_left3A_323 : vector<16xi32>
        %bitcast3A_325 = vector.bitcast %shift_left3A_324 : vector<16xi32> to vector<16xf32>
        %add3A_326 = arith.addf %scan3A_304, %bitcast3A_325 : vector<16xf32>
        %and3A_327 = arith.andi %bitcast3A_322, %broadcast_in_dim3A_27 : vector<16xi32>
        %bitcast3A_328 = vector.bitcast %and3A_327 : vector<16xi32> to vector<16xf32>
        %add3A_329 = arith.addf %scan3A_308, %bitcast3A_328 : vector<16xf32>
        %gather3A_330 = tpu.vector_load_idx %arg14[%add3A_20, %and3A_315] : memref<128x64xi32, #tpu.memory_space<vmem>>[vector<16xi32>, vector<16xi32>], vector<16xi32>,
        %gather3A_331 = tpu.vector_load_idx %arg15[%add3A_20, %and3A_315] : memref<128x64xi32, #tpu.memory_space<vmem>>[vector<16xi32>, vector<16xi32>], vector<16xi32>,
        %gather3A_332 = tpu.vector_load_idx %arg8[%get3A_265, %and3A_315] : memref<237x64xi32, #tpu.memory_space<vmem>>[vector<16xi32>, vector<16xi32>], vector<16xi32>,
        %bitcast3A_333 = vector.bitcast %gather3A_330 : vector<16xi32> to vector<32xbf16>
        %bitcast3A_334 = vector.bitcast %gather3A_331 : vector<16xi32> to vector<32xbf16>
        %mul3A_335 = arith.mulf %bitcast3A_333, %bitcast3A_334 : vector<32xbf16>
        %bitcast3A_336 = vector.bitcast %gather3A_332 : vector<16xi32> to vector<32xbf16>
        %mul3A_337 = arith.mulf %mul3A_335, %bitcast3A_336 : vector<32xbf16>
        %bitcast3A_338 = vector.bitcast %mul3A_337 : vector<32xbf16> to vector<16xi32>
        %shift_left3A_339 = arith.constant 16 : i32
        %shift_left3A_340 = vector.broadcast %shift_left3A_339 : i32 to vector<16xi32>
        %shift_left3A_341 = arith.shli %bitcast3A_338, %shift_left3A_340 : vector<16xi32>
        %bitcast3A_342 = vector.bitcast %shift_left3A_341 : vector<16xi32> to vector<16xf32>
        %add3A_343 = arith.addf %scan3A_305, %bitcast3A_342 : vector<16xf32>
        %and3A_344 = arith.andi %bitcast3A_338, %broadcast_in_dim3A_27 : vector<16xi32>
        %bitcast3A_345 = vector.bitcast %and3A_344 : vector<16xi32> to vector<16xf32>
        %add3A_346 = arith.addf %scan3A_309, %bitcast3A_345 : vector<16xf32>
        %gather3A_347 = tpu.vector_load_idx %arg14[%add3A_23, %and3A_315] : memref<128x64xi32, #tpu.memory_space<vmem>>[vector<16xi32>, vector<16xi32>], vector<16xi32>,
        %gather3A_348 = tpu.vector_load_idx %arg15[%add3A_23, %and3A_315] : memref<128x64xi32, #tpu.memory_space<vmem>>[vector<16xi32>, vector<16xi32>], vector<16xi32>,
        %gather3A_349 = tpu.vector_load_idx %arg8[%get3A_269, %and3A_315] : memref<237x64xi32, #tpu.memory_space<vmem>>[vector<16xi32>, vector<16xi32>], vector<16xi32>,
        %bitcast3A_350 = vector.bitcast %gather3A_347 : vector<16xi32> to vector<32xbf16>
        %bitcast3A_351 = vector.bitcast %gather3A_348 : vector<16xi32> to vector<32xbf16>
        %mul3A_352 = arith.mulf %bitcast3A_350, %bitcast3A_351 : vector<32xbf16>
        %bitcast3A_353 = vector.bitcast %gather3A_349 : vector<16xi32> to vector<32xbf16>
        %mul3A_354 = arith.mulf %mul3A_352, %bitcast3A_353 : vector<32xbf16>
        %bitcast3A_355 = vector.bitcast %mul3A_354 : vector<32xbf16> to vector<16xi32>
        %shift_left3A_356 = arith.constant 16 : i32
        %shift_left3A_357 = vector.broadcast %shift_left3A_356 : i32 to vector<16xi32>
        %shift_left3A_358 = arith.shli %bitcast3A_355, %shift_left3A_357 : vector<16xi32>
        %bitcast3A_359 = vector.bitcast %shift_left3A_358 : vector<16xi32> to vector<16xf32>
        %add3A_360 = arith.addf %scan3A_306, %bitcast3A_359 : vector<16xf32>
        %and3A_361 = arith.andi %bitcast3A_355, %broadcast_in_dim3A_27 : vector<16xi32>
        %bitcast3A_362 = vector.bitcast %and3A_361 : vector<16xi32> to vector<16xf32>
        %add3A_363 = arith.addf %scan3A_310, %bitcast3A_362 : vector<16xf32>
        %gather3A_364 = tpu.vector_load_idx %arg14[%add3A_26, %and3A_315] : memref<128x64xi32, #tpu.memory_space<vmem>>[vector<16xi32>, vector<16xi32>], vector<16xi32>,
        %gather3A_365 = tpu.vector_load_idx %arg15[%add3A_26, %and3A_315] : memref<128x64xi32, #tpu.memory_space<vmem>>[vector<16xi32>, vector<16xi32>], vector<16xi32>,
        %gather3A_366 = tpu.vector_load_idx %arg8[%get3A_273, %and3A_315] : memref<237x64xi32, #tpu.memory_space<vmem>>[vector<16xi32>, vector<16xi32>], vector<16xi32>,
        %bitcast3A_367 = vector.bitcast %gather3A_364 : vector<16xi32> to vector<32xbf16>
        %bitcast3A_368 = vector.bitcast %gather3A_365 : vector<16xi32> to vector<32xbf16>
        %mul3A_369 = arith.mulf %bitcast3A_367, %bitcast3A_368 : vector<32xbf16>
        %bitcast3A_370 = vector.bitcast %gather3A_366 : vector<16xi32> to vector<32xbf16>
        %mul3A_371 = arith.mulf %mul3A_369, %bitcast3A_370 : vector<32xbf16>
        %bitcast3A_372 = vector.bitcast %mul3A_371 : vector<32xbf16> to vector<16xi32>
        %shift_left3A_373 = arith.constant 16 : i32
        %shift_left3A_374 = vector.broadcast %shift_left3A_373 : i32 to vector<16xi32>
        %shift_left3A_375 = arith.shli %bitcast3A_372, %shift_left3A_374 : vector<16xi32>
        %bitcast3A_376 = vector.bitcast %shift_left3A_375 : vector<16xi32> to vector<16xf32>
        %add3A_377 = arith.addf %scan3A_307, %bitcast3A_376 : vector<16xf32>
        %and3A_378 = arith.andi %bitcast3A_372, %broadcast_in_dim3A_27 : vector<16xi32>
        %bitcast3A_379 = vector.bitcast %and3A_378 : vector<16xi32> to vector<16xf32>
        %add3A_380 = arith.addf %scan3A_311, %bitcast3A_379 : vector<16xf32>
        %scan3A_381 = arith.constant 1 : i32
        %scan3A_382 = arith.addi %scan3A_303, %scan3A_381 : i32
        %broadcast_in_dim3A_383 = vector.broadcast %scan3A_382 : i32 to vector<16xi32>
        %add3A_384 = arith.addi %broadcast_in_dim3A_383, %iota3A : vector<16xi32>
        %and3A_385 = arith.constant 63 : i32
        %and3A_386 = vector.broadcast %and3A_385 : i32 to vector<16xi32>
        %and3A_387 = arith.andi %add3A_384, %and3A_386 : vector<16xi32>
        %gather3A_388 = tpu.vector_load_idx %arg14[%add3A_17, %and3A_387] : memref<128x64xi32, #tpu.memory_space<vmem>>[vector<16xi32>, vector<16xi32>], vector<16xi32>,
        %gather3A_389 = tpu.vector_load_idx %arg15[%add3A_17, %and3A_387] : memref<128x64xi32, #tpu.memory_space<vmem>>[vector<16xi32>, vector<16xi32>], vector<16xi32>,
        %gather3A_390 = tpu.vector_load_idx %arg8[%get3A_261, %and3A_387] : memref<237x64xi32, #tpu.memory_space<vmem>>[vector<16xi32>, vector<16xi32>], vector<16xi32>,
        %bitcast3A_391 = vector.bitcast %gather3A_388 : vector<16xi32> to vector<32xbf16>
        %bitcast3A_392 = vector.bitcast %gather3A_389 : vector<16xi32> to vector<32xbf16>
        %mul3A_393 = arith.mulf %bitcast3A_391, %bitcast3A_392 : vector<32xbf16>
        %bitcast3A_394 = vector.bitcast %gather3A_390 : vector<16xi32> to vector<32xbf16>
        %mul3A_395 = arith.mulf %mul3A_393, %bitcast3A_394 : vector<32xbf16>
        %bitcast3A_396 = vector.bitcast %mul3A_395 : vector<32xbf16> to vector<16xi32>
        %shift_left3A_397 = arith.constant 16 : i32
        %shift_left3A_398 = vector.broadcast %shift_left3A_397 : i32 to vector<16xi32>
        %shift_left3A_399 = arith.shli %bitcast3A_396, %shift_left3A_398 : vector<16xi32>
        %bitcast3A_400 = vector.bitcast %shift_left3A_399 : vector<16xi32> to vector<16xf32>
        %add3A_401 = arith.addf %add3A_326, %bitcast3A_400 : vector<16xf32>
        %and3A_402 = arith.andi %bitcast3A_396, %broadcast_in_dim3A_27 : vector<16xi32>
        %bitcast3A_403 = vector.bitcast %and3A_402 : vector<16xi32> to vector<16xf32>
        %add3A_404 = arith.addf %add3A_329, %bitcast3A_403 : vector<16xf32>
        %gather3A_405 = tpu.vector_load_idx %arg14[%add3A_20, %and3A_387] : memref<128x64xi32, #tpu.memory_space<vmem>>[vector<16xi32>, vector<16xi32>], vector<16xi32>,
        %gather3A_406 = tpu.vector_load_idx %arg15[%add3A_20, %and3A_387] : memref<128x64xi32, #tpu.memory_space<vmem>>[vector<16xi32>, vector<16xi32>], vector<16xi32>,
        %gather3A_407 = tpu.vector_load_idx %arg8[%get3A_265, %and3A_387] : memref<237x64xi32, #tpu.memory_space<vmem>>[vector<16xi32>, vector<16xi32>], vector<16xi32>,
        %bitcast3A_408 = vector.bitcast %gather3A_405 : vector<16xi32> to vector<32xbf16>
        %bitcast3A_409 = vector.bitcast %gather3A_406 : vector<16xi32> to vector<32xbf16>
        %mul3A_410 = arith.mulf %bitcast3A_408, %bitcast3A_409 : vector<32xbf16>
        %bitcast3A_411 = vector.bitcast %gather3A_407 : vector<16xi32> to vector<32xbf16>
        %mul3A_412 = arith.mulf %mul3A_410, %bitcast3A_411 : vector<32xbf16>
        %bitcast3A_413 = vector.bitcast %mul3A_412 : vector<32xbf16> to vector<16xi32>
        %shift_left3A_414 = arith.constant 16 : i32
        %shift_left3A_415 = vector.broadcast %shift_left3A_414 : i32 to vector<16xi32>
        %shift_left3A_416 = arith.shli %bitcast3A_413, %shift_left3A_415 : vector<16xi32>
        %bitcast3A_417 = vector.bitcast %shift_left3A_416 : vector<16xi32> to vector<16xf32>
        %add3A_418 = arith.addf %add3A_343, %bitcast3A_417 : vector<16xf32>
        %and3A_419 = arith.andi %bitcast3A_413, %broadcast_in_dim3A_27 : vector<16xi32>
        %bitcast3A_420 = vector.bitcast %and3A_419 : vector<16xi32> to vector<16xf32>
        %add3A_421 = arith.addf %add3A_346, %bitcast3A_420 : vector<16xf32>
        %gather3A_422 = tpu.vector_load_idx %arg14[%add3A_23, %and3A_387] : memref<128x64xi32, #tpu.memory_space<vmem>>[vector<16xi32>, vector<16xi32>], vector<16xi32>,
        %gather3A_423 = tpu.vector_load_idx %arg15[%add3A_23, %and3A_387] : memref<128x64xi32, #tpu.memory_space<vmem>>[vector<16xi32>, vector<16xi32>], vector<16xi32>,
        %gather3A_424 = tpu.vector_load_idx %arg8[%get3A_269, %and3A_387] : memref<237x64xi32, #tpu.memory_space<vmem>>[vector<16xi32>, vector<16xi32>], vector<16xi32>,
        %bitcast3A_425 = vector.bitcast %gather3A_422 : vector<16xi32> to vector<32xbf16>
        %bitcast3A_426 = vector.bitcast %gather3A_423 : vector<16xi32> to vector<32xbf16>
        %mul3A_427 = arith.mulf %bitcast3A_425, %bitcast3A_426 : vector<32xbf16>
        %bitcast3A_428 = vector.bitcast %gather3A_424 : vector<16xi32> to vector<32xbf16>
        %mul3A_429 = arith.mulf %mul3A_427, %bitcast3A_428 : vector<32xbf16>
        %bitcast3A_430 = vector.bitcast %mul3A_429 : vector<32xbf16> to vector<16xi32>
        %shift_left3A_431 = arith.constant 16 : i32
        %shift_left3A_432 = vector.broadcast %shift_left3A_431 : i32 to vector<16xi32>
        %shift_left3A_433 = arith.shli %bitcast3A_430, %shift_left3A_432 : vector<16xi32>
        %bitcast3A_434 = vector.bitcast %shift_left3A_433 : vector<16xi32> to vector<16xf32>
        %add3A_435 = arith.addf %add3A_360, %bitcast3A_434 : vector<16xf32>
        %and3A_436 = arith.andi %bitcast3A_430, %broadcast_in_dim3A_27 : vector<16xi32>
        %bitcast3A_437 = vector.bitcast %and3A_436 : vector<16xi32> to vector<16xf32>
        %add3A_438 = arith.addf %add3A_363, %bitcast3A_437 : vector<16xf32>
        %gather3A_439 = tpu.vector_load_idx %arg14[%add3A_26, %and3A_387] : memref<128x64xi32, #tpu.memory_space<vmem>>[vector<16xi32>, vector<16xi32>], vector<16xi32>,
        %gather3A_440 = tpu.vector_load_idx %arg15[%add3A_26, %and3A_387] : memref<128x64xi32, #tpu.memory_space<vmem>>[vector<16xi32>, vector<16xi32>], vector<16xi32>,
        %gather3A_441 = tpu.vector_load_idx %arg8[%get3A_273, %and3A_387] : memref<237x64xi32, #tpu.memory_space<vmem>>[vector<16xi32>, vector<16xi32>], vector<16xi32>,
        %bitcast3A_442 = vector.bitcast %gather3A_439 : vector<16xi32> to vector<32xbf16>
        %bitcast3A_443 = vector.bitcast %gather3A_440 : vector<16xi32> to vector<32xbf16>
        %mul3A_444 = arith.mulf %bitcast3A_442, %bitcast3A_443 : vector<32xbf16>
        %bitcast3A_445 = vector.bitcast %gather3A_441 : vector<16xi32> to vector<32xbf16>
        %mul3A_446 = arith.mulf %mul3A_444, %bitcast3A_445 : vector<32xbf16>
        %bitcast3A_447 = vector.bitcast %mul3A_446 : vector<32xbf16> to vector<16xi32>
        %shift_left3A_448 = arith.constant 16 : i32
        %shift_left3A_449 = vector.broadcast %shift_left3A_448 : i32 to vector<16xi32>
        %shift_left3A_450 = arith.shli %bitcast3A_447, %shift_left3A_449 : vector<16xi32>
        %bitcast3A_451 = vector.bitcast %shift_left3A_450 : vector<16xi32> to vector<16xf32>
        %add3A_452 = arith.addf %add3A_377, %bitcast3A_451 : vector<16xf32>
        %and3A_453 = arith.andi %bitcast3A_447, %broadcast_in_dim3A_27 : vector<16xi32>
        %bitcast3A_454 = vector.bitcast %and3A_453 : vector<16xi32> to vector<16xf32>
        %add3A_455 = arith.addf %add3A_380, %bitcast3A_454 : vector<16xf32>
        scf.yield %add3A_401, %add3A_418, %add3A_435, %add3A_452, %add3A_404, %add3A_421, %add3A_438, %add3A_455 : vector<16xf32>, vector<16xf32>, vector<16xf32>, vector<16xf32>, vector<16xf32>, vector<16xf32>, vector<16xf32>, vector<16xf32>
      }
      %scan3A_287 = arith.constant 64 : i32
      %add3A_288 = arith.addf %scan3A_286#0, %scan3A_286#4 : vector<16xf32>
      %swap3A_289 = arith.constant 64 : index
      %swap3A_290 = tpu.vector_load %arg17[%swap3A_289] {strides = array<i32>} : memref<128xf32, #tpu.memory_space<vmem>>, vector<16xf32>,
      tpu.vector_store %arg17[%swap3A_289], %add3A_288 {strides = array<i32>} : memref<128xf32, #tpu.memory_space<vmem>>, vector<16xf32>,
      %add3A_291 = arith.addf %scan3A_286#1, %scan3A_286#5 : vector<16xf32>
      %swap3A_292 = arith.constant 80 : index
      %swap3A_293 = tpu.vector_load %arg17[%swap3A_292] {strides = array<i32>} : memref<128xf32, #tpu.memory_space<vmem>>, vector<16xf32>,
      tpu.vector_store %arg17[%swap3A_292], %add3A_291 {strides = array<i32>} : memref<128xf32, #tpu.memory_space<vmem>>, vector<16xf32>,
      %add3A_294 = arith.addf %scan3A_286#2, %scan3A_286#6 : vector<16xf32>
      %swap3A_295 = arith.constant 96 : index
      %swap3A_296 = tpu.vector_load %arg17[%swap3A_295] {strides = array<i32>} : memref<128xf32, #tpu.memory_space<vmem>>, vector<16xf32>,
      tpu.vector_store %arg17[%swap3A_295], %add3A_294 {strides = array<i32>} : memref<128xf32, #tpu.memory_space<vmem>>, vector<16xf32>,
      %add3A_297 = arith.addf %scan3A_286#3, %scan3A_286#7 : vector<16xf32>
      %swap3A_298 = arith.constant 112 : index
      %swap3A_299 = tpu.vector_load %arg17[%swap3A_298] {strides = array<i32>} : memref<128xf32, #tpu.memory_space<vmem>>, vector<16xf32>,
      tpu.vector_store %arg17[%swap3A_298], %add3A_297 {strides = array<i32>} : memref<128xf32, #tpu.memory_space<vmem>>, vector<16xf32>,
      %add3A_300 = arith.addi %mul3A_2, %min3A_202 : i32
      %dma_start3A_301 = tpu.memref_slice %arg7[%add3A_300] : memref<320000xf32, #tpu.memory_space<hbm>> -> memref<128xf32, #tpu.memory_space<hbm>>
      %dma_start3A_302 = tpu.memref_slice %arg7[%add3A_300] : memref<320000xf32, #tpu.memory_space<hbm>> -> memref<128xf32, #tpu.memory_space<hbm>>
      tpu.enqueue_dma source(%arg17 : memref<128xf32, #tpu.memory_space<vmem>>) target(%dma_start3A_302 : memref<128xf32, #tpu.memory_space<hbm>>) target_semaphore(%arg27 : memref<!tpu.dma_semaphore, #tpu.memory_space<semaphore_mem>>)
    }
    %scan3A_70 = arith.constant 40 : i32
    %dma_wait3A_71 = tpu.memref_slice %arg7[%mul3A_2] : memref<320000xf32, #tpu.memory_space<hbm>> -> memref<128xf32, #tpu.memory_space<hbm>>
    %dma_wait3A_72 = tpu.memref_slice %arg7[%mul3A_2] : memref<320000xf32, #tpu.memory_space<hbm>> -> memref<128xf32, #tpu.memory_space<hbm>>
    tpu.wait_dma2 semaphore(%arg26 : memref<!tpu.dma_semaphore, #tpu.memory_space<semaphore_mem>>) src(%arg16 : memref<128xf32, #tpu.memory_space<vmem>>) dst(%dma_wait3A_72 : memref<128xf32, #tpu.memory_space<hbm>>)
    %dma_wait3A_73 = tpu.memref_slice %arg7[%mul3A_2] : memref<320000xf32, #tpu.memory_space<hbm>> -> memref<128xf32, #tpu.memory_space<hbm>>
    %dma_wait3A_74 = tpu.memref_slice %arg7[%mul3A_2] : memref<320000xf32, #tpu.memory_space<hbm>> -> memref<128xf32, #tpu.memory_space<hbm>>
    tpu.wait_dma2 semaphore(%arg27 : memref<!tpu.dma_semaphore, #tpu.memory_space<semaphore_mem>>) src(%arg17 : memref<128xf32, #tpu.memory_space<vmem>>) dst(%dma_wait3A_74 : memref<128xf32, #tpu.memory_space<hbm>>)
    return
  }
}

</mosaic_0001>

<sc_bundles>
// kernel: kernel.3.cloned.1.call-start
scs
__scs_entry_jumppad:
0x0: {  	(pc) =	sbr.rel $0x88, $3  }
0x1: {  	(tag) =	ssettag $0x0;
	lr =	simm.s32 $0x1  }
0x2: {  	[smem:$0x3F9D] =	sst lr;
	_ =	strace $0xD0000000  }
0x3: {  	_ = 	snop  }
0x4: {  	_ = 	snop  }
0x5: {  	_ = 	snop  }
0x6: {  	_ = 	snop  }
0x7: {  	_ = 	snop  }
__scs_overlays_trampoline_lowered:
0x8: {  	[smem:$0x3FAC] =	sst s0  }
0x9: {  	[smem:$0x3FAD] =	sst s1  }
0xa: {  	[smem:$0x3FAE] =	sst s2  }
0xb: {  	[smem:$0x3FAF] =	sst s3  }
0xc: {  	[smem:$0x3FB0] =	sst s4  }
0xd: {  	[smem:$0x3FB1] =	sst s5  }
0xe: {  	[smem:$0x3FB2] =	sst s6  }
0xf: {  	[smem:$0x3FB3] =	sst s7  }
0x10: {  	[smem:$0x3FB4] =	sst s8  }
0x11: {  	[smem:$0x3FB5] =	sst s9;
	s0 =	simm.s32 @!p0 $0x0  }
0x12: {  	s1 =	sld [smem:$0x3F9B];
	s0 =	simm.s32 @p0 $0x1  }
0x13: {  	[smem:$0x3FB6] =	sst s0;
	s0 =	simm.s32 @!p1 $0x0  }
0x14: {  	s2 =	sld [smem:$0x3F9A];
	s0 =	simm.s32 @p1 $0x1  }
0x15: {  	[smem:$0x3FB7] =	sst s0;
	s0 =	simm.s32 @!p2 $0x0  }
0x16: {  	s3 =	sld [smem:$0x3FDB];
	s0 =	simm.s32 @p2 $0x1  }
0x17: {  	s4 =	simm.s32 $0x1BF5;
	[smem:$0x3FB9] =	sst s0  }
0x18: {  	s0 =	sld [smem:$0x3F9C];
	_ =	swait.ge [sflag:s4], $0x0  }
0x19: {  	s7 =	sld [smem:$0x3F9D]  }
0x1a: {  	s8 =	sadd.s32 $0xFFFFE003, lr  }
0x1b: {  	s9 =	sadd.s32 $0xFFFFFEF7, lr;
	s5 =	simm.s32 $0xFFFFFFFF;
	p2 =	slt.u32 s8, $0xFFFFF086  }
0x1c: {  	p1 =	slt.u32 s9, $0xF7A;
	s5 =	simm.s32 @!p2 $0x0  }
0x1d: {  	s5 =	simm.s32 @p1 $0x1;
	p0 =	seq.s32 s7, s2  }
0x1e: {  	s7 =	smul.u32 @!p0 $0xF7A, s2;
	p2 =	seq.s32 @!p0 s5, $0x0  }
0x1f: {  	s9 =	smul.u32 $0xF7A, s1;
	s8 =	simm.s32 @!p0 $0x1BF5;
	p2 =	por !p2, p0  }
0x20: {  	[sflag:s8] =	ssyncset.s32 @!p0 $0xFFFFF086;
	s6 =	sadd.s32 @!p0 s3, s7;
	s7 =	simm.s32 @!p0 $0x108  }
0x21: {  	s3 =	sadd.s32 s3, s9;
	s6 =	sadd.s32 @!p0 $0x88, s6;
	s7 =	simm.s32 @p2 $0x1082  }
0x22: {  	[simem:s7], [sflag:s8] =	dma.local @!p0 [hbm:s6], $0xF7A  }
0x23: {  	s9 =	sor.u32 $0xD0000000, s2;
	s6 =	simm.s32 $0x108;
	_ =	swait.ge @!p0 [sflag:s8], $0x0  }
0x24: {  	s3 =	sadd.s32 $0x88, s3;
	s6 =	simm.s32 @!p1 $0x1082;
	[sflag:s4] =	ssyncset.s32 $0xFFFFF086  }
0x25: {  	[simem:s6], [sflag:s4] =	dma.local [hbm:s3], $0xF7A  }
0x26: {  	[smem:$0x3F9D] =	sst s1;
	(tag) =	ssettag s2;
	_ =	strace s9  }
0x27: {  	s1 =	sld [smem:$0x3FAD]  }
0x28: {  	s2 =	sld [smem:$0x3FAE]  }
0x29: {  	s4 =	sld [smem:$0x3FB0]  }
0x2a: {  	p0 =	seq.s32 s5, $0x0;
	s5 =	sld [smem:$0x3FB1]  }
0x2b: {  	s6 =	sld [smem:$0x3FB2]  }
0x2c: {  	s7 =	sld [smem:$0x3FB3]  }
0x2d: {  	s3 =	simm.s32 $0x108;
	s8 =	sld [smem:$0x3FB4]  }
0x2e: {  	s3 =	simm.s32 @!p0 $0x1082;
	s9 =	sld [smem:$0x3FB5]  }
0x2f: {  	lr =	sadd.s32 s0, s3;
	s0 =	sld [smem:$0x3FAC]  }
0x30: {  	s3 =	sld [smem:$0x3FAF]  }
0x31: {  	[smem:$0x3FB8] =	sst s10  }
0x32: {  	s10 =	sld [smem:$0x3FB6];
	_ =	sdelay $0x3  }
0x33: {  	p0 =	seq.s32 s10, $0x1;
	s10 =	sld [smem:$0x3FB8];
	_ =	sdelay $0x3  }
0x34: {  	[smem:$0x3FB8] =	sst s10  }
0x35: {  	s10 =	sld [smem:$0x3FB7];
	_ =	sdelay $0x3  }
0x36: {  	p1 =	seq.s32 s10, $0x1;
	s10 =	sld [smem:$0x3FB8];
	_ =	sdelay $0x3  }
0x37: {  	[smem:$0x3FB8] =	sst s10  }
0x38: {  	s10 =	sld [smem:$0x3FB9]  }
0x39: {  	_ = 	snop;
	(pc) =	sbr.ind lr, $3  }
0x3a: {  	_ = 	snop  }
0x3b: {  	_ = 	snop  }
0x3c: {  	p2 =	seq.s32 s10, $0x1;
	s10 =	sld [smem:$0x3FB8]  }
0x3d: {  	_ =	shalt  }
0x3e: {  	_ =	shalt  }
0x3f: {  	_ =	shalt  }
0x40: {  	_ =	shalt  }
0x41: {  	_ =	shalt  }
0x42: {  	_ =	shalt  }
0x43: {  	_ =	shalt  }
0x44: {  	_ =	shalt  }
0x45: {  	_ =	shalt  }
0x46: {  	_ =	shalt  }
0x47: {  	_ =	shalt  }
0x48: {  	_ =	shalt  }
0x49: {  	_ =	shalt  }
0x4a: {  	_ =	shalt  }
0x4b: {  	_ =	shalt  }
0x4c: {  	_ =	shalt  }
0x4d: {  	_ =	shalt  }
0x4e: {  	_ =	shalt  }
0x4f: {  	_ =	shalt  }
0x50: {  	_ =	shalt  }
0x51: {  	_ =	shalt  }
0x52: {  	_ =	shalt  }
0x53: {  	_ =	shalt  }
0x54: {  	_ =	shalt  }
0x55: {  	_ =	shalt  }
0x56: {  	_ =	shalt  }
0x57: {  	_ =	shalt  }
0x58: {  	_ =	shalt  }
0x59: {  	_ =	shalt  }
0x5a: {  	_ =	shalt  }
0x5b: {  	_ =	shalt  }
0x5c: {  	_ =	shalt  }
0x5d: {  	_ =	shalt  }
0x5e: {  	_ =	shalt  }
0x5f: {  	_ =	shalt  }
0x60: {  	_ =	shalt  }
0x61: {  	_ =	shalt  }
0x62: {  	_ =	shalt  }
0x63: {  	_ =	shalt  }
0x64: {  	_ =	shalt  }
0x65: {  	_ =	shalt  }
0x66: {  	_ =	shalt  }
0x67: {  	_ =	shalt  }
0x68: {  	_ =	shalt  }
0x69: {  	_ =	shalt  }
0x6a: {  	_ =	shalt  }
0x6b: {  	_ =	shalt  }
0x6c: {  	_ =	shalt  }
0x6d: {  	_ =	shalt  }
0x6e: {  	_ =	shalt  }
0x6f: {  	_ =	shalt  }
0x70: {  	_ =	shalt  }
0x71: {  	_ =	shalt  }
0x72: {  	_ =	shalt  }
0x73: {  	_ =	shalt  }
0x74: {  	_ =	shalt  }
0x75: {  	_ =	shalt  }
0x76: {  	_ =	shalt  }
0x77: {  	_ =	shalt  }
0x78: {  	_ =	shalt  }
0x79: {  	_ =	shalt  }
0x7a: {  	_ =	shalt  }
0x7b: {  	_ =	shalt  }
0x7c: {  	_ =	shalt  }
0x7d: {  	_ =	shalt  }
0x7e: {  	_ =	shalt  }
0x7f: {  	_ =	shalt  }
0x80: {  	_ =	shalt  }
0x81: {  	_ =	shalt  }
0x82: {  	_ =	shalt  }
0x83: {  	_ =	shalt  }
0x84: {  	_ =	shalt  }
0x85: {  	_ =	shalt  }
0x86: {  	_ =	shalt  }
0x87: {  	_ =	shalt  }
.Lfunc_end0:
.L_simem_size_0:
called_computation_lowered:
.L_overlay_start_0:
0x88: {  	s2 =	sld [smem:$0x3FD9]  }
0x89: {  	s3 =	sld [smem:$0x3FFE];
	_ =	sdelay $0x1  }
0x8a: {  	s1 =	srdreg.scid  }
0x8b: {  	s0 =	sand.u32 $0x1, s1  }
0x8c: {  	s17 =	sshll.u32 s0, $0xA;
	s2 =	sadd.s32 s3, s2  }
0x8d: {  	s2 =	sadd.s32 s2, s17  }
0x8e: {  	[smem:$0x3FC4] =	sst s2  }
0x8f: {  	_ = 	snop  }
0x90: {  	s2 =	sld [smem:$0x3FC9]  }
0x91: {  	s18 =	sld [smem:$0x3FC7]  }
0x92: {  	s4 =	sld [smem:$0x3FD0];
	(tm) =	ssettm $0x1  }
0x93: {  	s5 =	sld [smem:$0x3FFB];
	_ =	sdelay $0x3  }
0x94: {  	_ =	strace s5  }
0x95: {  	s5 =	sld [smem:$0x3FFC];
	_ =	sdelay $0x3  }
0x96: {  	_ =	strace s5  }
0x97: {  	s5 =	sld [smem:$0x3FFD];
	_ =	sdelay $0x3  }
0x98: {  	_ =	strace s5  }
0x99: {  	_ =	strace $0x8FFFFFFF  }
0x9a: {  	s19 =	sld [smem:$0x3FDB];
	_ =	sdelay $0x1  }
0x9b: {  	s6 =	simm.s32 $_scs_section_size  }
0x9c: {  	s7 =	simm.s32 $_size__tile_overlayer_lowered;
	s8 =	simm.s32 $_tile_overlayer_lowered  }
0x9d: {  	s22 =	simm.s32 $0x1BFF;
	s21 =	sshll.u32 s8, $0x1;
	s5 =	sadd.s32 s6, s19  }
0x9e: {  	s9 =	simm.s32 $0x0;
	s20 =	sshll.u32 s7, $0x1;
	s7 =	sadd.s32 s21, s5  }
0x9f: {  	[timem:s9], [sflag:s22] =	dma.local [hbm:s7], s20  }
0xa0: {  	_ =	swait.ge [sflag:s22], s20  }
0xa1: {  	s6 =	ssub.s32 $0x0, s20;
	[sflag:s22] =	ssyncset.done $0x0  }
0xa2: {  	[sflag:s22] =	ssyncadd.s32 s6;
	_ =	sdelay $0x1  }
0xa3: {  	s23 =	simm.s32 $0x1B8B  }
0xa4: {  	_ =	swait.ge [sflag:s23], $0x1  }
0xa5: {  	[sflag:s23] =	ssyncset.done $0x0  }
0xa6: {  	s25 =	simm.s32 $0x1B8E;
	s24 =	sld [smem:$0x3FFE];
	[sflag:s23] =	ssyncadd.s32 $0xFFFFFFFF  }
0xa7: {  	s26 =	simm.s32 $execute0_lowered;
	[smem:$0x3FD2] =	sst s25  }
0xa8: {  	s7 =	sshll.u32 s26, $0x1;
	_ =	strace $0x80000046;
	[dreg:$0x1] =	wrdreg $0xFFFFFFFF  }
0xa9: {  	s28 =	simm.s32 $_size_execute0_lowered;
	s5 =	sadd.s32 s5, s7;
	[dreg:$0x0] =	wrdreg $0x0  }
0xaa: {  	s7 =	sshll.u32 s28, $0x1;
	[dreg:$0x2] =	wrdreg s5  }
0xab: {  	[dreg:$0x3] =	wrdreg s7  }
0xac: {  	[dreg:$0x4] =	wrdreg $0xC0  }
0xad: {  	_ =	task [dreg:s9], $0x5FFFF  }
0xae: {  	[dreg:$0x1] =	wrdreg $0xFFFFFFFF  }
0xaf: {  	[dreg:$0x0] =	wrdreg $0x60  }
0xb0: {  	[dreg:$0x2] =	wrdreg s24  }
0xb1: {  	[dreg:$0x3] =	wrdreg s18  }
0xb2: {  	[dreg:$0x4] =	wrdreg s2  }
0xb3: {  	[dreg:$0x5] =	wrdreg s4  }
0xb4: {  	[dreg:$0x6] =	wrdreg $0x159700  }
0xb5: {  	[dreg:$0x7] =	wrdreg $0x9  }
0xb6: {  	_ =	task.clear_ibuf [dreg:s9], $0x8FFFF;
	_ =	strace $0x90000046  }
0xb7: {  	s29 =	simm.s32 $0x9;
	_ =	strace $0x80000048  }
0xb8: {  	_ =	swait.ge [sflag:s29], $0x1  }
0xb9: {  	[sflag:s29] =	ssyncadd.s32 $0xFFFFFFFF  }
0xba: {  	_ =	strace $0x90000048  }
0xbb: {  	_ =	sfence  }
0xbc: {  	s30 =	sld [smem:$0x0];
	_ =	sdelay $0x2  }
0xbd: {  	s31 =	sshll.u32 s1, $0xD;
	s1 =	sshrl.u32 s1, $0x2  }
0xbe: {  	s3 =	sand.u32 $0x4000, s31;
	s1 =	sadd.s32 s1, s30  }
0xbf: {  	s0 =	sor.u32 s3, s0;
	s1 =	sshll.u32 s1, $0x11  }
0xc0: {  	s0 =	sor.u32 s1, s0  }
0xc1: {  	s0 =	sadd.s32 $0x8F2B, s0  }
0xc2: {  	[sflag:s0] =	ssyncadd.remote.s32 $0x1  }
0xc3: {  	_ =	sfence.sel $0xFFFF  }
0xc4: {  	[dreg:$0x0] =	wrdreg $0xFFFFFFFF;
	(pc) =	sbr.abs _section_cstart, $3  }
0xc5: {  	[dreg:$0x1] =	wrdreg $0xFFFFFFFF  }
0xc6: {  	_ =	task.clear_ibuf [dreg:s9], $0x2FFFF;
	_ =	strace $0x9FFFFFFF  }
0xc7: {  	(tm) =	ssettm $0x7FFFFFFF  }
tec
execute0_lowered:
.L_overlay_start_1:
0x0: {  	(tag) =	ssettag $0x1  }
0x1: {  	s9 =	rddreg [dreg:$0x0]  }
0x2: {  	s0 =	rddreg [dreg:$0x1]  }
0x3: {  	s2 =	rddreg [dreg:$0x2]  }
0x4: {  	s1 =	srdreg.scid;
	s4 =	rddreg [dreg:$0x3]  }
0x5: {  	s8 =	stileid.u32;
	s5 =	rddreg [dreg:$0x4]  }
0x6: {  	s6 =	simm.s32 $0x0;
	s19 =	simm.s32 $0x14170;
	s20 =	simm.s32 $0x1  }
0x7: {  	s21 =	simm.s32 $0x15170;
	s22 =	simm.s32 $0x7;
	s23 =	simm.s32 $0x3  }
0x8: {  	s28 =	simm.s32 $0x6;
	s29 =	simm.s32 $0x80;
	s30 =	simm.s32 $0xB070  }
0x9: {  	s31 =	simm.s32 $0xD070;
	s17 =	simm.s32 $0x13070;
	s18 =	simm.s32 $0x130F0  }
0xa: {  	s1 =	sand.u32 $0x1, s1;
	s3 =	sshll.u32 s8, $0x1;
	s8 =	smul.u32 $0x278, s8  }
0xb: {  	[smem:$0x7FF] =	sst s6;
	s3 =	sor.u32 s1, s3;
	s1 =	ssub.s32 $0x2, s1  }
0xc: {  	s7 =	smul.u32 $0x2710, s3;
	s10 =	sshrl.u32 s1, $0x1;
	s8 =	smin.u32 s8, $0x2498  }
0xd: {  	_ =	strace $0x80000047;
	s1 =	ssub.s32 s1, s10;
	s25 =	sshll.u32 s8, $0x4  }
0xe: {  	v0 =	vlaneseq.u32;
	s13 =	sadd.s32 $0x40, s8;
	s3 =	sshrl.u32 s7, $0x3;
	s26 =	smax.u32 s1, $0x1  }
0xf: {  	v1 =	vmul.u32 $0x40, v0;
	s9 =	sadd.s32 s3, s9;
	s0 =	sadd.s32 s0, s3;
	[dreg:$0xa] =	wrdreg s26  }
0x10: {  	s1 =	simm.s32 $0x0;
	s24 =	sadd.s32 $0xA600, s9;
	[dreg:$0x8] =	wrdreg s0  }
0x11: {  	v2 =	vor.u32 $0x400, v1;
	s3 =	simm.s32 $0xF070;
	s9 =	sadd.s32 $0x800, s9;
	[dreg:$0x6] =	wrdreg s24  }
0x12: {  	v3 =	vor.u32 $0x800, v1;
	v4 =	vor.u32 $0xC00, v1;
	v5 =	vor.u32 $0x1000, v1;
	s0 =	sadd.s32 s2, s25;
	s25 =	simm.s32 $0x4;
	[dreg:$0x7] =	wrdreg s9  }
0x13: {  	v6 =	vor.u32 $0x1400, v1;
	v7 =	vor.u32 $0x1800, v1;
	v8 =	vor.u32 $0x1C00, v1;
	[dreg:$0x9] =	wrdreg s0;
	s24 =	simm.s32 $0x2;
	s0 =	simm.s32 $0x11070  }
.LBB2_1:
0x14: {  	s9 =	rddreg [dreg:$0x0]  }
0x15: {  	[tilespmem:s6], [sflag:$0x2] =	stream.linear.gather [hbm4b:s9+s6], $0x3B40, $0x38;
	[tilespmem:$0x1F5B0] =	vst v63  }
0x16: {  	s26 =	rddreg [dreg:$0x6];
	s10 =	simm.s32 $0x3B40  }
0x17: {  	[tilespmem:s10], [sflag:$0x4] =	stream.linear.gather [hbm4b:s26+s6], $0x2710, $0x38;
	[tilespmem:$0x1F5B0] =	vst v63  }
0x18: {  	s11 =	rddreg [dreg:$0x7];
	s12 =	simm.s32 $0x6250  }
0x19: {  	[tilespmem:s12], [sflag:$0x5] =	stream.linear.gather [hbm4b:s11+s6], $0x2710, $0x38;
	[tilespmem:$0x1F5B0] =	vst v63  }
0x1a: {  	s14 =	rddreg [dreg:$0x8];
	s15 =	simm.s32 $0x8960  }
0x1b: {  	[tilespmem:s15], [sflag:$0x6] =	stream.linear.gather [hbm4b:s14+s6], $0x2710, $0x38;
	[tilespmem:$0x1F5B0] =	vst v63  }
0x1c: {  	s16 =	rddreg [dreg:$0x9];
	s9 =	simm.s32 $0x0;
	s26 =	simm.s32 $0x13170  }
0x1d: {  	[tilespmem:s26], [sflag:$0x1] =	stream.linear.gather [hbm4b:s16+s6], $0x1000, $0x38;
	[tilespmem:$0x1F5B0] =	vst v63  }
.LBB2_2:
0x1e: {  	s10 =	sshll.u32 s9, $0x6  }
0x1f: {  	s11 =	sor.u32 $0x20, s10  }
0x20: {  	s11 =	smin.u32 s11, $0x258  }
0x21: {  	s15 =	sadd.s32 s8, s11  }
0x22: {  	s11 =	sshll.u32 s15, $0x4  }
0x23: {  	s11 =	sadd.s32 s2, s11  }
0x24: {  	[tilespmem:s19], [sflag:$0x3] =	stream.linear.gather [hbm4b:s11+s6], $0x1000, $0x38;
	[tilespmem:$0x1F5B0] =	vst v63  }
0x25: {  	_ =	swait.ge [sflag:s20], $0x1000  }
0x26: {  	[sflag:s20] =	ssyncset.done $0x0  }
0x27: {  	s11 =	simm.s32 $0x13270;
	[sflag:s20] =	ssyncadd.s32 $0xFFFFF000  }
0x28: {  	v9 =	vld [tilespmem:s11+$0xFFFFFF00]  }
0x29: {  	v10 =	vld [tilespmem:s11+$0xFFFFFF10];
	_ =	sdelay $0x4  }
0x2a: {  	s16 =	simm.s32 $0x151F0;
	v9 =	vpack.i.f32.bf16 v10, v9  }
0x2b: {  	[tilespmem:s16+$0xFFFFFF80] =	vst v9  }
0x2c: {  	v9 =	vld [tilespmem:s11+$0xFFFFFF30]  }
0x2d: {  	v10 =	vld [tilespmem:s11+$0xFFFFFF20];
	_ =	sdelay $0x4  }
0x2e: {  	v9 =	vpack.i.f32.bf16 v9, v10  }
0x2f: {  	[tilespmem:s16+$0xFFFFFF90] =	vst v9  }
0x30: {  	v9 =	vld [tilespmem:s11+$0xFFFFFF40]  }
0x31: {  	v10 =	vld [tilespmem:s11+$0xFFFFFF50];
	_ =	sdelay $0x4  }
0x32: {  	v9 =	vpack.i.f32.bf16 v10, v9  }
0x33: {  	[tilespmem:s16+$0xFFFFFFA0] =	vst v9  }
0x34: {  	v9 =	vld [tilespmem:s11+$0xFFFFFF60]  }
0x35: {  	v10 =	vld [tilespmem:s11+$0xFFFFFF70];
	_ =	sdelay $0x4  }
0x36: {  	v9 =	vpack.i.f32.bf16 v10, v9  }
0x37: {  	[tilespmem:s16+$0xFFFFFFB0] =	vst v9  }
0x38: {  	v9 =	vld [tilespmem:s11+$0xFFFFFF80]  }
0x39: {  	v10 =	vld [tilespmem:s11+$0xFFFFFF90];
	_ =	sdelay $0x4  }
0x3a: {  	v9 =	vpack.i.f32.bf16 v10, v9  }
0x3b: {  	[tilespmem:s16+$0xFFFFFFC0] =	vst v9  }
0x3c: {  	v9 =	vld [tilespmem:s11+$0xFFFFFFA0]  }
0x3d: {  	v10 =	vld [tilespmem:s11+$0xFFFFFFB0];
	_ =	sdelay $0x4  }
0x3e: {  	v9 =	vpack.i.f32.bf16 v10, v9  }
0x3f: {  	[tilespmem:s16+$0xFFFFFFD0] =	vst v9  }
0x40: {  	v9 =	vld [tilespmem:s11+$0xFFFFFFC0]  }
0x41: {  	v10 =	vld [tilespmem:s11+$0xFFFFFFD0];
	_ =	sdelay $0x4  }
0x42: {  	v9 =	vpack.i.f32.bf16 v10, v9  }
0x43: {  	[tilespmem:s16+$0xFFFFFFE0] =	vst v9  }
0x44: {  	v9 =	vld [tilespmem:s11+$0xFFFFFFE0]  }
0x45: {  	v10 =	vld [tilespmem:s11+$0xFFFFFFF0];
	_ =	sdelay $0x4  }
0x46: {  	v9 =	vpack.i.f32.bf16 v10, v9  }
0x47: {  	[tilespmem:s16+$0xFFFFFFF0] =	vst v9  }
0x48: {  	v9 =	vld [tilespmem:s11+$0x0]  }
0x49: {  	v10 =	vld [tilespmem:s11+$0x10];
	_ =	sdelay $0x4  }
0x4a: {  	v9 =	vpack.i.f32.bf16 v10, v9  }
0x4b: {  	[tilespmem:s16+$0x0] =	vst v9  }
0x4c: {  	v9 =	vld [tilespmem:s11+$0x20]  }
0x4d: {  	v10 =	vld [tilespmem:s11+$0x30];
	_ =	sdelay $0x4  }
0x4e: {  	v9 =	vpack.i.f32.bf16 v10, v9  }
0x4f: {  	[tilespmem:s16+$0x10] =	vst v9  }
0x50: {  	v9 =	vld [tilespmem:s11+$0x40]  }
0x51: {  	v10 =	vld [tilespmem:s11+$0x50];
	_ =	sdelay $0x4  }
0x52: {  	v9 =	vpack.i.f32.bf16 v10, v9  }
0x53: {  	[tilespmem:s16+$0x20] =	vst v9  }
0x54: {  	v9 =	vld [tilespmem:s11+$0x60]  }
0x55: {  	v10 =	vld [tilespmem:s11+$0x70];
	_ =	sdelay $0x4  }
0x56: {  	v9 =	vpack.i.f32.bf16 v10, v9  }
0x57: {  	[tilespmem:s16+$0x30] =	vst v9  }
0x58: {  	v9 =	vld [tilespmem:s11+$0x80]  }
0x59: {  	v10 =	vld [tilespmem:s11+$0x90];
	_ =	sdelay $0x4  }
0x5a: {  	v9 =	vpack.i.f32.bf16 v10, v9  }
0x5b: {  	[tilespmem:s16+$0x40] =	vst v9  }
0x5c: {  	v9 =	vld [tilespmem:s11+$0xA0]  }
0x5d: {  	v10 =	vld [tilespmem:s11+$0xB0];
	_ =	sdelay $0x4  }
0x5e: {  	v9 =	vpack.i.f32.bf16 v10, v9  }
0x5f: {  	s14 =	simm.s32 $0x0;
	s26 =	simm.s32 $0x13270;
	s12 =	simm.s32 $0x151F0;
	[tilespmem:s16+$0x50] =	vst v9  }
.LBB2_3:
0x60: {  	s14 =	sadd.s32 $0x4, s14;
	v9 =	vld [tilespmem:s11+$0xC0];
	s26 =	sadd.s32 $0x200, s26;
	s16 =	sadd.s32 $0x100, s16  }
0x61: {  	p0 =	slt.u32 s14, $0x1C;
	v10 =	vld [tilespmem:s11+$0xD0];
	_ =	sdelay $0x4  }
0x62: {  	v9 =	vpack.i.f32.bf16 v10, v9  }
0x63: {  	[tilespmem:s12+$0x60] =	vst v9  }
0x64: {  	v9 =	vld [tilespmem:s11+$0xE0]  }
0x65: {  	v10 =	vld [tilespmem:s11+$0xF0];
	s11 =	smov.u32 s26;
	_ =	sdelay $0x4  }
0x66: {  	v9 =	vpack.i.f32.bf16 v10, v9  }
0x67: {  	[tilespmem:s12+$0x70] =	vst v9;
	s12 =	smov.u32 s16  }
0x68: {  	v9 =	vld [tilespmem:s26+$0xFFFFFF00]  }
0x69: {  	v10 =	vld [tilespmem:s26+$0xFFFFFF10];
	_ =	sdelay $0x4  }
0x6a: {  	v9 =	vpack.i.f32.bf16 v10, v9  }
0x6b: {  	[tilespmem:s16+$0xFFFFFF80] =	vst v9  }
0x6c: {  	v9 =	vld [tilespmem:s26+$0xFFFFFF30]  }
0x6d: {  	v10 =	vld [tilespmem:s26+$0xFFFFFF20];
	_ =	sdelay $0x4  }
0x6e: {  	v9 =	vpack.i.f32.bf16 v9, v10  }
0x6f: {  	[tilespmem:s16+$0xFFFFFF90] =	vst v9  }
0x70: {  	v9 =	vld [tilespmem:s26+$0xFFFFFF40]  }
0x71: {  	v10 =	vld [tilespmem:s26+$0xFFFFFF50];
	_ =	sdelay $0x4  }
0x72: {  	v9 =	vpack.i.f32.bf16 v10, v9  }
0x73: {  	[tilespmem:s16+$0xFFFFFFA0] =	vst v9  }
0x74: {  	v9 =	vld [tilespmem:s26+$0xFFFFFF60]  }
0x75: {  	v10 =	vld [tilespmem:s26+$0xFFFFFF70];
	_ =	sdelay $0x4  }
0x76: {  	v9 =	vpack.i.f32.bf16 v10, v9  }
0x77: {  	[tilespmem:s16+$0xFFFFFFB0] =	vst v9  }
0x78: {  	v9 =	vld [tilespmem:s26+$0xFFFFFF80]  }
0x79: {  	v10 =	vld [tilespmem:s26+$0xFFFFFF90];
	_ =	sdelay $0x4  }
0x7a: {  	v9 =	vpack.i.f32.bf16 v10, v9  }
0x7b: {  	[tilespmem:s16+$0xFFFFFFC0] =	vst v9  }
0x7c: {  	v9 =	vld [tilespmem:s26+$0xFFFFFFA0]  }
0x7d: {  	v10 =	vld [tilespmem:s26+$0xFFFFFFB0];
	_ =	sdelay $0x4  }
0x7e: {  	v9 =	vpack.i.f32.bf16 v10, v9  }
0x7f: {  	[tilespmem:s16+$0xFFFFFFD0] =	vst v9  }
0x80: {  	v9 =	vld [tilespmem:s26+$0xFFFFFFC0]  }
0x81: {  	v10 =	vld [tilespmem:s26+$0xFFFFFFD0];
	_ =	sdelay $0x4  }
0x82: {  	v9 =	vpack.i.f32.bf16 v10, v9  }
0x83: {  	[tilespmem:s16+$0xFFFFFFE0] =	vst v9  }
0x84: {  	v9 =	vld [tilespmem:s26+$0xFFFFFFE0]  }
0x85: {  	v10 =	vld [tilespmem:s26+$0xFFFFFFF0];
	_ =	sdelay $0x4  }
0x86: {  	v9 =	vpack.i.f32.bf16 v10, v9  }
0x87: {  	[tilespmem:s16+$0xFFFFFFF0] =	vst v9  }
0x88: {  	v9 =	vld [tilespmem:s26+$0x0]  }
0x89: {  	v10 =	vld [tilespmem:s26+$0x10];
	_ =	sdelay $0x4  }
0x8a: {  	v9 =	vpack.i.f32.bf16 v10, v9  }
0x8b: {  	[tilespmem:s16+$0x0] =	vst v9  }
0x8c: {  	v9 =	vld [tilespmem:s26+$0x20]  }
0x8d: {  	v10 =	vld [tilespmem:s26+$0x30];
	_ =	sdelay $0x4  }
0x8e: {  	v9 =	vpack.i.f32.bf16 v10, v9  }
0x8f: {  	[tilespmem:s16+$0x10] =	vst v9  }
0x90: {  	v9 =	vld [tilespmem:s26+$0x40]  }
0x91: {  	v10 =	vld [tilespmem:s26+$0x50];
	_ =	sdelay $0x4  }
0x92: {  	v9 =	vpack.i.f32.bf16 v10, v9  }
0x93: {  	[tilespmem:s16+$0x20] =	vst v9  }
0x94: {  	v9 =	vld [tilespmem:s26+$0x60]  }
0x95: {  	v10 =	vld [tilespmem:s26+$0x70];
	_ =	sdelay $0x4  }
0x96: {  	v9 =	vpack.i.f32.bf16 v10, v9  }
0x97: {  	[tilespmem:s16+$0x30] =	vst v9  }
0x98: {  	v9 =	vld [tilespmem:s26+$0x80]  }
0x99: {  	v10 =	vld [tilespmem:s26+$0x90];
	_ =	sdelay $0x4  }
0x9a: {  	v9 =	vpack.i.f32.bf16 v10, v9  }
0x9b: {  	[tilespmem:s16+$0x40] =	vst v9  }
0x9c: {  	v9 =	vld [tilespmem:s26+$0xA0]  }
0x9d: {  	v10 =	vld [tilespmem:s26+$0xB0];
	_ =	sdelay $0x1  }
.Ltmp0:
0x9e: {  	(pc) =	sbr.rel @p0 .LBB2_3-.Ltmp0, $3  }
0x9f: {  	_ =	sdelay $0x1  }
0xa0: {  	v9 =	vpack.i.f32.bf16 v10, v9  }
0xa1: {  	[tilespmem:s16+$0x50] =	vst v9  }
0xa2: {  	v9 =	vld [tilespmem:s11+$0xC0]  }
0xa3: {  	v10 =	vld [tilespmem:s11+$0xD0];
	_ =	sdelay $0x4  }
0xa4: {  	v9 =	vpack.i.f32.bf16 v10, v9  }
0xa5: {  	[tilespmem:s12+$0x60] =	vst v9  }
0xa6: {  	v9 =	vld [tilespmem:s11+$0xE0]  }
0xa7: {  	v10 =	vld [tilespmem:s11+$0xF0];
	_ =	sdelay $0x2  }
0xa8: {  	s26 =	sadd.s32 s8, s10  }
0xa9: {  	p0 =	seq.s32 s9, $0x9;
	s11 =	sshll.u32 s26, $0x6  }
0xaa: {  	s10 =	smin.u32 @!p0 s10, $0x218;
	s11 =	sand.u32 $0x3FFFFFC0, s11;
	v9 =	vpack.i.f32.bf16 v10, v9  }
0xab: {  	s10 =	sadd.s32 @!p0 s10, s13;
	s11 =	sadd.s32 s11, s5;
	[tilespmem:s12+$0x70] =	vst v9  }
0xac: {  	[spmem:s11] =	stream.linear.scatter [tilespmem:s21], [sflag:$0x7], $0x800, $0x38;
	[tilespmem:$0x1F5B0] =	vst v63  }
0xad: {  	s10 =	sshll.u32 @!p0 s10, $0x4;
	_ =	swait.ge [sflag:s22], $0x800  }
0xae: {  	s10 =	sadd.s32 @!p0 s2, s10;
	[sflag:s22] =	ssyncset.done $0x0  }
0xaf: {  	s12 =	simm.s32 @!p0 $0x13170;
	s11 =	simm.s32 @!p0 $0x0;
	[sflag:s22] =	ssyncadd.s32 $0xFFFFF800  }
0xb0: {  	[tilespmem:s12], [sflag:$0x1] =	stream.linear.gather @!p0 [hbm4b:s10+s11], $0x1000, $0x38;
	[tilespmem:$0x1F5B0] =	vst v63  }
0xb1: {  	_ =	swait.ge [sflag:s23], $0x1000  }
0xb2: {  	[sflag:s23] =	ssyncset.done $0x0  }
0xb3: {  	s10 =	simm.s32 $0x14270;
	[sflag:s23] =	ssyncadd.s32 $0xFFFFF000  }
0xb4: {  	v9 =	vld [tilespmem:s10+$0xFFFFFF00]  }
0xb5: {  	v10 =	vld [tilespmem:s10+$0xFFFFFF10];
	_ =	sdelay $0x4  }
0xb6: {  	s11 =	simm.s32 $0x151F0;
	v9 =	vpack.i.f32.bf16 v10, v9  }
0xb7: {  	[tilespmem:s11+$0xFFFFFF80] =	vst v9  }
0xb8: {  	v9 =	vld [tilespmem:s10+$0xFFFFFF30]  }
0xb9: {  	v10 =	vld [tilespmem:s10+$0xFFFFFF20];
	_ =	sdelay $0x4  }
0xba: {  	v9 =	vpack.i.f32.bf16 v9, v10  }
0xbb: {  	[tilespmem:s11+$0xFFFFFF90] =	vst v9  }
0xbc: {  	v9 =	vld [tilespmem:s10+$0xFFFFFF40]  }
0xbd: {  	v10 =	vld [tilespmem:s10+$0xFFFFFF50];
	_ =	sdelay $0x4  }
0xbe: {  	v9 =	vpack.i.f32.bf16 v10, v9  }
0xbf: {  	[tilespmem:s11+$0xFFFFFFA0] =	vst v9  }
0xc0: {  	v9 =	vld [tilespmem:s10+$0xFFFFFF60]  }
0xc1: {  	v10 =	vld [tilespmem:s10+$0xFFFFFF70];
	_ =	sdelay $0x4  }
0xc2: {  	v9 =	vpack.i.f32.bf16 v10, v9  }
0xc3: {  	[tilespmem:s11+$0xFFFFFFB0] =	vst v9  }
0xc4: {  	v9 =	vld [tilespmem:s10+$0xFFFFFF80]  }
0xc5: {  	v10 =	vld [tilespmem:s10+$0xFFFFFF90];
	_ =	sdelay $0x4  }
0xc6: {  	v9 =	vpack.i.f32.bf16 v10, v9  }
0xc7: {  	[tilespmem:s11+$0xFFFFFFC0] =	vst v9  }
0xc8: {  	v9 =	vld [tilespmem:s10+$0xFFFFFFA0]  }
0xc9: {  	v10 =	vld [tilespmem:s10+$0xFFFFFFB0];
	_ =	sdelay $0x4  }
0xca: {  	v9 =	vpack.i.f32.bf16 v10, v9  }
0xcb: {  	[tilespmem:s11+$0xFFFFFFD0] =	vst v9  }
0xcc: {  	v9 =	vld [tilespmem:s10+$0xFFFFFFC0]  }
0xcd: {  	v10 =	vld [tilespmem:s10+$0xFFFFFFD0];
	_ =	sdelay $0x4  }
0xce: {  	v9 =	vpack.i.f32.bf16 v10, v9  }
0xcf: {  	[tilespmem:s11+$0xFFFFFFE0] =	vst v9  }
0xd0: {  	v9 =	vld [tilespmem:s10+$0xFFFFFFE0]  }
0xd1: {  	v10 =	vld [tilespmem:s10+$0xFFFFFFF0];
	_ =	sdelay $0x4  }
0xd2: {  	v9 =	vpack.i.f32.bf16 v10, v9  }
0xd3: {  	[tilespmem:s11+$0xFFFFFFF0] =	vst v9  }
0xd4: {  	v9 =	vld [tilespmem:s10+$0x0]  }
0xd5: {  	v10 =	vld [tilespmem:s10+$0x10];
	_ =	sdelay $0x4  }
0xd6: {  	v9 =	vpack.i.f32.bf16 v10, v9  }
0xd7: {  	[tilespmem:s11+$0x0] =	vst v9  }
0xd8: {  	v9 =	vld [tilespmem:s10+$0x20]  }
0xd9: {  	v10 =	vld [tilespmem:s10+$0x30];
	_ =	sdelay $0x4  }
0xda: {  	v9 =	vpack.i.f32.bf16 v10, v9  }
0xdb: {  	[tilespmem:s11+$0x10] =	vst v9  }
0xdc: {  	v9 =	vld [tilespmem:s10+$0x40]  }
0xdd: {  	v10 =	vld [tilespmem:s10+$0x50];
	_ =	sdelay $0x4  }
0xde: {  	v9 =	vpack.i.f32.bf16 v10, v9  }
0xdf: {  	[tilespmem:s11+$0x20] =	vst v9  }
0xe0: {  	v9 =	vld [tilespmem:s10+$0x60]  }
0xe1: {  	v10 =	vld [tilespmem:s10+$0x70];
	_ =	sdelay $0x4  }
0xe2: {  	v9 =	vpack.i.f32.bf16 v10, v9  }
0xe3: {  	[tilespmem:s11+$0x30] =	vst v9  }
0xe4: {  	v9 =	vld [tilespmem:s10+$0x80]  }
0xe5: {  	v10 =	vld [tilespmem:s10+$0x90];
	_ =	sdelay $0x4  }
0xe6: {  	v9 =	vpack.i.f32.bf16 v10, v9  }
0xe7: {  	[tilespmem:s11+$0x40] =	vst v9  }
0xe8: {  	v9 =	vld [tilespmem:s10+$0xA0]  }
0xe9: {  	v10 =	vld [tilespmem:s10+$0xB0];
	_ =	sdelay $0x4  }
0xea: {  	v9 =	vpack.i.f32.bf16 v10, v9  }
0xeb: {  	s14 =	simm.s32 $0x0;
	s16 =	simm.s32 $0x14270;
	s12 =	simm.s32 $0x151F0;
	[tilespmem:s11+$0x50] =	vst v9  }
.LBB2_5:
0xec: {  	s14 =	sadd.s32 $0x4, s14;
	v9 =	vld [tilespmem:s10+$0xC0];
	s16 =	sadd.s32 $0x200, s16;
	s11 =	sadd.s32 $0x100, s11  }
0xed: {  	p0 =	slt.u32 s14, $0x1C;
	v10 =	vld [tilespmem:s10+$0xD0];
	_ =	sdelay $0x4  }
0xee: {  	v9 =	vpack.i.f32.bf16 v10, v9  }
0xef: {  	[tilespmem:s12+$0x60] =	vst v9  }
0xf0: {  	v9 =	vld [tilespmem:s10+$0xE0]  }
0xf1: {  	v10 =	vld [tilespmem:s10+$0xF0];
	s10 =	smov.u32 s16;
	_ =	sdelay $0x4  }
0xf2: {  	v9 =	vpack.i.f32.bf16 v10, v9  }
0xf3: {  	[tilespmem:s12+$0x70] =	vst v9;
	s12 =	smov.u32 s11  }
0xf4: {  	v9 =	vld [tilespmem:s16+$0xFFFFFF00]  }
0xf5: {  	v10 =	vld [tilespmem:s16+$0xFFFFFF10];
	_ =	sdelay $0x4  }
0xf6: {  	v9 =	vpack.i.f32.bf16 v10, v9  }
0xf7: {  	[tilespmem:s11+$0xFFFFFF80] =	vst v9  }
0xf8: {  	v9 =	vld [tilespmem:s16+$0xFFFFFF30]  }
0xf9: {  	v10 =	vld [tilespmem:s16+$0xFFFFFF20];
	_ =	sdelay $0x4  }
0xfa: {  	v9 =	vpack.i.f32.bf16 v9, v10  }
0xfb: {  	[tilespmem:s11+$0xFFFFFF90] =	vst v9  }
0xfc: {  	v9 =	vld [tilespmem:s16+$0xFFFFFF40]  }
0xfd: {  	v10 =	vld [tilespmem:s16+$0xFFFFFF50];
	_ =	sdelay $0x4  }
0xfe: {  	v9 =	vpack.i.f32.bf16 v10, v9  }
0xff: {  	[tilespmem:s11+$0xFFFFFFA0] =	vst v9  }
0x100: {  	v9 =	vld [tilespmem:s16+$0xFFFFFF60]  }
0x101: {  	v10 =	vld [tilespmem:s16+$0xFFFFFF70];
	_ =	sdelay $0x4  }
0x102: {  	v9 =	vpack.i.f32.bf16 v10, v9  }
0x103: {  	[tilespmem:s11+$0xFFFFFFB0] =	vst v9  }
0x104: {  	v9 =	vld [tilespmem:s16+$0xFFFFFF80]  }
0x105: {  	v10 =	vld [tilespmem:s16+$0xFFFFFF90];
	_ =	sdelay $0x4  }
0x106: {  	v9 =	vpack.i.f32.bf16 v10, v9  }
0x107: {  	[tilespmem:s11+$0xFFFFFFC0] =	vst v9  }
0x108: {  	v9 =	vld [tilespmem:s16+$0xFFFFFFA0]  }
0x109: {  	v10 =	vld [tilespmem:s16+$0xFFFFFFB0];
	_ =	sdelay $0x4  }
0x10a: {  	v9 =	vpack.i.f32.bf16 v10, v9  }
0x10b: {  	[tilespmem:s11+$0xFFFFFFD0] =	vst v9  }
0x10c: {  	v9 =	vld [tilespmem:s16+$0xFFFFFFC0]  }
0x10d: {  	v10 =	vld [tilespmem:s16+$0xFFFFFFD0];
	_ =	sdelay $0x4  }
0x10e: {  	v9 =	vpack.i.f32.bf16 v10, v9  }
0x10f: {  	[tilespmem:s11+$0xFFFFFFE0] =	vst v9  }
0x110: {  	v9 =	vld [tilespmem:s16+$0xFFFFFFE0]  }
0x111: {  	v10 =	vld [tilespmem:s16+$0xFFFFFFF0];
	_ =	sdelay $0x4  }
0x112: {  	v9 =	vpack.i.f32.bf16 v10, v9  }
0x113: {  	[tilespmem:s11+$0xFFFFFFF0] =	vst v9  }
0x114: {  	v9 =	vld [tilespmem:s16+$0x0]  }
0x115: {  	v10 =	vld [tilespmem:s16+$0x10];
	_ =	sdelay $0x4  }
0x116: {  	v9 =	vpack.i.f32.bf16 v10, v9  }
0x117: {  	[tilespmem:s11+$0x0] =	vst v9  }
0x118: {  	v9 =	vld [tilespmem:s16+$0x20]  }
0x119: {  	v10 =	vld [tilespmem:s16+$0x30];
	_ =	sdelay $0x4  }
0x11a: {  	v9 =	vpack.i.f32.bf16 v10, v9  }
0x11b: {  	[tilespmem:s11+$0x10] =	vst v9  }
0x11c: {  	v9 =	vld [tilespmem:s16+$0x40]  }
0x11d: {  	v10 =	vld [tilespmem:s16+$0x50];
	_ =	sdelay $0x4  }
0x11e: {  	v9 =	vpack.i.f32.bf16 v10, v9  }
0x11f: {  	[tilespmem:s11+$0x20] =	vst v9  }
0x120: {  	v9 =	vld [tilespmem:s16+$0x60]  }
0x121: {  	v10 =	vld [tilespmem:s16+$0x70];
	_ =	sdelay $0x4  }
0x122: {  	v9 =	vpack.i.f32.bf16 v10, v9  }
0x123: {  	[tilespmem:s11+$0x30] =	vst v9  }
0x124: {  	v9 =	vld [tilespmem:s16+$0x80]  }
0x125: {  	v10 =	vld [tilespmem:s16+$0x90];
	_ =	sdelay $0x4  }
0x126: {  	v9 =	vpack.i.f32.bf16 v10, v9  }
0x127: {  	[tilespmem:s11+$0x40] =	vst v9  }
0x128: {  	v9 =	vld [tilespmem:s16+$0xA0]  }
0x129: {  	v10 =	vld [tilespmem:s16+$0xB0];
	_ =	sdelay $0x1  }
.Ltmp1:
0x12a: {  	(pc) =	sbr.rel @p0 .LBB2_5-.Ltmp1, $3  }
0x12b: {  	_ =	sdelay $0x1  }
0x12c: {  	v9 =	vpack.i.f32.bf16 v10, v9  }
0x12d: {  	[tilespmem:s11+$0x50] =	vst v9  }
0x12e: {  	v9 =	vld [tilespmem:s10+$0xC0]  }
0x12f: {  	v10 =	vld [tilespmem:s10+$0xD0];
	_ =	sdelay $0x4  }
0x130: {  	v9 =	vpack.i.f32.bf16 v10, v9  }
0x131: {  	[tilespmem:s12+$0x60] =	vst v9  }
0x132: {  	v9 =	vld [tilespmem:s10+$0xE0]  }
0x133: {  	v10 =	vld [tilespmem:s10+$0xF0];
	_ =	sdelay $0x3  }
0x134: {  	s9 =	sadd.s32 $0x1, s9  }
0x135: {  	s26 =	sshll.u32 s15, $0x6;
	p0 =	sne.s32 s9, $0xA;
	v9 =	vpack.i.f32.bf16 v10, v9  }
.Ltmp2:
0x136: {  	s10 =	sadd.s32 s26, s5;
	[tilespmem:s12+$0x70] =	vst v9;
	(pc) =	sbr.rel @p0 .LBB2_2-.Ltmp2, $4  }
0x137: {  	[spmem:s10] =	stream.linear.scatter [tilespmem:s21], [sflag:$0x7], $0x800, $0x38;
	[tilespmem:$0x1F5B0] =	vst v63  }
0x138: {  	_ =	swait.ge [sflag:s22], $0x800  }
0x139: {  	[sflag:s22] =	ssyncset.done $0x0  }
0x13a: {  	[sflag:s22] =	ssyncadd.s32 $0xFFFFF800  }
0x13b: {  	_ =	swait.ge [sflag:s24], $0x3B40  }
0x13c: {  	[sflag:s24] =	ssyncset.done $0x0  }
0x13d: {  	[sflag:s24] =	ssyncadd.s32 $0xFFFFC4C0  }
0x13e: {  	_ =	swait.ge [sflag:s25], $0x2710  }
0x13f: {  	[sflag:s25] =	ssyncset.done $0x0  }
0x140: {  	s9 =	simm.s32 $0x5;
	[sflag:s25] =	ssyncadd.s32 $0xFFFFD8F0  }
0x141: {  	_ =	swait.ge [sflag:s9], $0x2710  }
0x142: {  	[sflag:s9] =	ssyncset.done $0x0  }
0x143: {  	[sflag:s9] =	ssyncadd.s32 $0xFFFFD8F0  }
0x144: {  	_ =	swait.ge [sflag:s28], $0x2710  }
0x145: {  	[sflag:s28] =	ssyncset.done $0x0  }
0x146: {  	[sflag:s28] =	ssyncadd.s32 $0xFFFFD8F0  }
0x147: {  	s16 =	simm.s32 $0x3B40;
	[bflag:$0x0] =	sbarrier.arrive $0xFFFF  }
0x148: {  	[tilespmem:s30], [sflag:$0x1] =	stream.indirect.gather [spmem:s5], $0x40, s16, s29, $0xb8;
	[tilespmem:$0x1F5B0] =	vst v63  }
0x149: {  	s26 =	simm.s32 $0x6250;
	s15 =	simm.s32 $0x0;
	s16 =	simm.s32 $0x0  }
0x14a: {  	[tilespmem:s31], [sflag:$0x2] =	stream.indirect.gather [spmem:s5], $0x40, s26, s29, $0xb8;
	[tilespmem:$0x1F5B0] =	vst v63  }
.LBB2_8:
0x14b: {  	s10 =	sshll.u32 s16, $0x8  }
0x14c: {  	s9 =	sor.u32 $0x80, s10  }
0x14d: {  	s9 =	smin.u32 s9, $0x2690  }
0x14e: {  	s11 =	sadd.s32 $0x3B40, s9  }
0x14f: {  	[tilespmem:s3], [sflag:$0x3] =	stream.indirect.gather [spmem:s5], $0x40, s11, s29, $0xb8;
	[tilespmem:$0x1F5B0] =	vst v63  }
0x150: {  	s14 =	sadd.s32 $0x6250, s9  }
0x151: {  	[tilespmem:s0], [sflag:$0x4] =	stream.indirect.gather [spmem:s5], $0x40, s14, s29, $0xb8;
	[tilespmem:$0x1F5B0] =	vst v63  }
0x152: {  	_ =	swait.ge [sflag:s20], $0x2000  }
0x153: {  	[sflag:s20] =	ssyncset.done $0x0  }
0x154: {  	[sflag:s20] =	ssyncadd.s32 $0xFFFFE000  }
0x155: {  	_ =	swait.ge [sflag:s24], $0x2000  }
0x156: {  	p0 =	seq.s32 s16, $0x0;
	[sflag:s24] =	ssyncset.done $0x0  }
0x157: {  	s26 =	simm.s32 $0x1;
	s12 =	simm.s32 @!p0 $0x5;
	[sflag:s24] =	ssyncadd.s32 $0xFFFFE000  }
0x158: {  	v11 =	vadd.s32 s26, v0;
	_ =	swait.ge @!p0 [sflag:s12], $0x80  }
0x159: {  	v11 =	vand.u32 $0x3F, v11;
	[sflag:s12] =	ssyncset.done @!p0 $0x0  }
0x15a: {  	v13 =	vadd.s32 s15, v0;
	v12 =	vor.u32 v3, v11;
	s11 =	smin.u32 s10, $0x2690;
	[sflag:s12] =	ssyncadd.s32 @!p0 $0xFFFFFF80  }
0x15b: {  	v13 =	vand.u32 $0x3F, v13;
	v9 =	vld [tilespmem:s11+$0x8980]  }
0x15c: {  	v17 =	vor.u32 v1, v13;
	v10 =	vld [tilespmem:s11+$0x8960]  }
0x15d: {  	v25 =	vor.u32 v1, v11;
	v16 =	vld [tilespmem:s11+$0x8970]  }
0x15e: {  	v21 =	vor.u32 v4, v13;
	v18 =	vld [tilespmem:s11+$0x8990]  }
0x15f: {  	v19 =	vld.idx.msk [tilespmem:v12+s30+$0x0], $0xffff  }
0x160: {  	v22 =	vor.u32 v3, v13;
	v12 =	vld.idx.msk [tilespmem:v12+s31+$0x0], $0xffff  }
0x161: {  	v30 =	vor.u32 v2, v13;
	v23 =	vld.idx.msk [tilespmem:v17+s30+$0x0], $0xffff;
	v9 =	vshll.u32 v9, $0x6  }
0x162: {  	v20 =	vld.idx.msk [tilespmem:v25+s31+$0x0], $0xffff;
	v14 =	vor.u32 v9, v11  }
0x163: {  	v28 =	vld.idx.msk [tilespmem:v21+s31+$0x0], $0xffff  }
0x164: {  	v17 =	vld.idx.msk [tilespmem:v17+s31+$0x0], $0xffff  }
0x165: {  	v29 =	vld.idx.msk [tilespmem:v22+s31+$0x0], $0xffff;
	v10 =	vshll.u32 v10, $0x6  }
0x166: {  	v31 =	vld.idx.msk [tilespmem:v30+s30+$0x0], $0xffff;
	v15 =	vor.u32 v10, v13  }
0x167: {  	v35 =	vor.u32 v9, v13;
	v26 =	vld.idx.msk [tilespmem:v14+s6+$0x0], $0xffff;
	v14 =	vshll.u32 v18, $0x6  }
0x168: {  	v33 =	vld.idx.msk [tilespmem:v21+s30+$0x0], $0xffff;
	v18 =	vshll.u32 v16, $0x6;
	v24 =	vor.u32 v14, v13  }
0x169: {  	v38 =	vld.idx.msk [tilespmem:v30+s31+$0x0], $0xffff;
	v41 =	vor.u32 v18, v13  }
0x16a: {  	v27 =	vor.u32 v2, v11;
	v37 =	vor.u32 v4, v11;
	v40 =	vld.idx.msk [tilespmem:v22+s30+$0x0], $0xffff;
	v22 =	vimm.f32 $0.0e+00  }
0x16b: {  	v32 =	vmul.bf16 v12, v19;
	v30 =	vmul.bf16 v17, v23;
	v19 =	vimm.f32 $0.0e+00;
	v15 =	vld.idx.msk [tilespmem:v15+s6+$0x0], $0xffff  }
0x16c: {  	v23 =	vimm.f32 $0.0e+00;
	v17 =	vimm.f32 $0.0e+00;
	v21 =	vor.u32 v10, v11;
	v39 =	vld.idx.msk [tilespmem:v35+s6+$0x0], $0xffff  }
0x16d: {  	v12 =	vimm.f32 $0.0e+00;
	v16 =	vimm.f32 $0.0e+00;
	v34 =	vor.u32 v18, v11;
	v24 =	vld.idx.msk [tilespmem:v24+s6+$0x0], $0xffff  }
0x16e: {  	s12 =	simm.s32 $0x2;
	v36 =	vor.u32 v14, v11;
	v13 =	vimm.f32 $0.0e+00;
	v11 =	vimm.f32 $0.0e+00;
	v35 =	vld.idx.msk [tilespmem:v41+s6+$0x0], $0xffff  }
.LBB2_9:
0x16f: {  	s14 =	sadd.s32 $0x1, s12  }
0x170: {  	p1 =	slt.u32 s12, $0x3E;
	v25 =	vld.idx.msk [tilespmem:v25+s30+$0x0], $0xffff;
	s26 =	smov.u32 s12;
	s12 =	sadd.s32 $0x2, s12  }
0x171: {  	v28 =	vmul.bf16 v28, v33;
	v41 =	vadd.s32 s14, v0;
	v33 =	vld.idx.msk [tilespmem:v21+s6+$0x0], $0xffff  }
0x172: {  	v26 =	vmul.bf16 v26, v32;
	v31 =	vmul.bf16 v38, v31;
	v41 =	vand.u32 $0x3F, v41;
	v32 =	vld.idx.msk [tilespmem:v37+s31+$0x0], $0xffff  }
0x173: {  	v29 =	vmul.bf16 v29, v40;
	v21 =	vor.u32 v10, v41;
	v38 =	vor.u32 v3, v41;
	v40 =	vld.idx.msk [tilespmem:v27+s30+$0x0], $0xffff  }
0x174: {  	v42 =	vadd.s32 s26, v0;
	v44 =	vshll.u32 v26, $0x10;
	v43 =	vor.u32 v9, v41;
	v37 =	vld.idx.msk [tilespmem:v37+s30+$0x0], $0xffff  }
0x175: {  	v42 =	vand.u32 $0x3F, v42;
	v29 =	vmul.bf16 v39, v29;
	v39 =	vand.u32 $0xFFFF0000, v26;
	v34 =	vld.idx.msk [tilespmem:v34+s6+$0x0], $0xffff  }
0x176: {  	v45 =	vor.u32 v1, v42;
	v46 =	vor.u32 v2, v42;
	v31 =	vmul.bf16 v35, v31;
	v35 =	vld.idx.msk [tilespmem:v36+s6+$0x0], $0xffff  }
0x177: {  	v47 =	vor.u32 v4, v42;
	v20 =	vmul.bf16 v20, v25;
	v36 =	vor.u32 v10, v42;
	v27 =	vld.idx.msk [tilespmem:v27+s31+$0x0], $0xffff  }
0x178: {  	v15 =	vmul.bf16 v15, v30;
	v25 =	vor.u32 v1, v41;
	v26 =	vand.u32 $0xFFFF0000, v29;
	v48 =	vld.idx.msk [tilespmem:v38+s30+$0x0], $0xffff  }
0x179: {  	v30 =	vor.u32 v3, v42;
	v16 =	vadd.f32 v26, v16;
	v49 =	vmul.bf16 v33, v20;
	v38 =	vld.idx.msk [tilespmem:v38+s31+$0x0], $0xffff  }
0x17a: {  	v33 =	vshll.u32 v15, $0x10;
	v20 =	vmul.bf16 v32, v37;
	v26 =	vld.idx.msk [tilespmem:v43+s6+$0x0], $0xffff;
	v43 =	vand.u32 $0xFFFF0000, v15  }
0x17b: {  	v51 =	vmul.bf16 v24, v28;
	v37 =	vor.u32 v14, v42;
	v16 =	vadd.f32 v39, v16;
	v50 =	vld.idx.msk [tilespmem:v45+s30+$0x0], $0xffff  }
0x17c: {  	v24 =	vshll.u32 v31, $0x10;
	v32 =	vshll.u32 v49, $0x10;
	v35 =	vmul.bf16 v35, v20;
	v15 =	vld.idx.msk [tilespmem:v36+s6+$0x0], $0xffff  }
0x17d: {  	v19 =	vadd.f32 v33, v19;
	v36 =	vshll.u32 v51, $0x10;
	v27 =	vmul.bf16 v27, v40;
	v20 =	vld.idx.msk [tilespmem:v25+s31+$0x0], $0xffff  }
0x17e: {  	v31 =	vand.u32 $0xFFFF0000, v31;
	v33 =	vshll.u32 v29, $0x10;
	v22 =	vadd.f32 v43, v22;
	v28 =	vld.idx.msk [tilespmem:v47+s31+$0x0], $0xffff  }
0x17f: {  	v23 =	vadd.f32 v31, v23;
	v43 =	vor.u32 v18, v42;
	v52 =	vshll.u32 v35, $0x10;
	v29 =	vld.idx.msk [tilespmem:v30+s31+$0x0], $0xffff  }
0x180: {  	v13 =	vadd.f32 v33, v13;
	v19 =	vadd.f32 v32, v19;
	v42 =	vor.u32 v9, v42;
	v39 =	vld.idx.msk [tilespmem:v45+s31+$0x0], $0xffff  }
0x181: {  	v35 =	vand.u32 $0xFFFF0000, v35;
	v32 =	vmul.bf16 v38, v48;
	v34 =	vmul.bf16 v34, v27;
	v31 =	vld.idx.msk [tilespmem:v46+s30+$0x0], $0xffff  }
0x182: {  	v17 =	vadd.f32 v24, v17;
	v13 =	vadd.f32 v44, v13;
	v40 =	vand.u32 $0xFFFF0000, v49;
	v33 =	vld.idx.msk [tilespmem:v47+s30+$0x0], $0xffff  }
.Ltmp3:
0x183: {  	v27 =	vor.u32 v2, v41;
	v44 =	vshll.u32 v34, $0x10;
	v24 =	vld.idx.msk [tilespmem:v37+s6+$0x0], $0xffff;
	v37 =	vand.u32 $0xFFFF0000, v51;
	(pc) =	sbr.rel @p1 .LBB2_9-.Ltmp3, $4  }
0x184: {  	v22 =	vadd.f32 v40, v22;
	v34 =	vand.u32 $0xFFFF0000, v34;
	v38 =	vld.idx.msk [tilespmem:v46+s31+$0x0], $0xffff;
	v12 =	vadd.f32 v37, v12  }
0x185: {  	v11 =	vadd.f32 v36, v11;
	v17 =	vadd.f32 v44, v17;
	v37 =	vor.u32 v4, v41;
	v40 =	vld.idx.msk [tilespmem:v30+s30+$0x0], $0xffff  }
0x186: {  	v23 =	vadd.f32 v34, v23;
	v30 =	vmul.bf16 v39, v50;
	v39 =	vld.idx.msk [tilespmem:v42+s6+$0x0], $0xffff;
	v12 =	vadd.f32 v35, v12  }
0x187: {  	v36 =	vor.u32 v14, v41;
	v11 =	vadd.f32 v52, v11;
	v34 =	vor.u32 v18, v41;
	v35 =	vld.idx.msk [tilespmem:v43+s6+$0x0], $0xffff  }
0x188: {  	_ =	sdelay $0x3  }
0x189: {  	v9 =	vld.idx.msk [tilespmem:v25+s30+$0x0], $0xffff  }
0x18a: {  	v10 =	vld.idx.msk [tilespmem:v21+s6+$0x0], $0xffff  }
0x18b: {  	v14 =	vld.idx.msk [tilespmem:v37+s31+$0x0], $0xffff  }
0x18c: {  	v21 =	vmul.bf16 v26, v32;
	v25 =	vld.idx.msk [tilespmem:v37+s30+$0x0], $0xffff;
	v26 =	vmul.bf16 v28, v33  }
0x18d: {  	v18 =	vmul.bf16 v29, v40  }
0x18e: {  	v29 =	vmul.bf16 v38, v31;
	v24 =	vmul.bf16 v24, v26  }
0x18f: {  	v62 =	vld.idx.msk [tilespmem:v36+s6+$0x0], $0xffff;
	v15 =	vmul.bf16 v15, v30;
	v31 =	vshll.u32 v21, $0x10;
	v18 =	vmul.bf16 v39, v18  }
0x190: {  	v28 =	vld.idx.msk [tilespmem:v27+s30+$0x0], $0xffff;
	v29 =	vmul.bf16 v35, v29;
	v26 =	vshll.u32 v24, $0x10;
	v9 =	vmul.bf16 v20, v9  }
0x191: {  	v20 =	vand.u32 $0xFFFF0000, v21;
	v21 =	vld.idx.msk [tilespmem:v27+s31+$0x0], $0xffff;
	v14 =	vmul.bf16 v14, v25;
	v27 =	vand.u32 $0xFFFF0000, v18  }
0x192: {  	v11 =	vadd.f32 v26, v11;
	v18 =	vshll.u32 v18, $0x10;
	v16 =	vadd.f32 v27, v16  }
0x193: {  	v9 =	vmul.bf16 v10, v9;
	v10 =	vld.idx.msk [tilespmem:v34+s6+$0x0], $0xffff;
	v27 =	vshll.u32 v15, $0x10;
	v15 =	vand.u32 $0xFFFF0000, v15  }
0x194: {  	v14 =	vmul.bf16 v62, v14;
	v13 =	vadd.f32 v18, v13;
	v19 =	vadd.f32 v27, v19  }
0x195: {  	v27 =	vand.u32 $0xFFFF0000, v29;
	v15 =	vadd.f32 v15, v22;
	v16 =	vadd.f32 v20, v16  }
0x196: {  	v20 =	vshll.u32 v29, $0x10;
	v25 =	vshll.u32 v9, $0x10;
	v21 =	vmul.bf16 v21, v28  }
0x197: {  	v22 =	vadd.f32 v27, v23;
	v9 =	vand.u32 $0xFFFF0000, v9;
	v13 =	vadd.f32 v31, v13  }
0x198: {  	v18 =	vadd.f32 v25, v19;
	v17 =	vadd.f32 v20, v17;
	v10 =	vmul.bf16 v10, v21  }
0x199: {  	v19 =	vand.u32 $0xFFFF0000, v24;
	v9 =	vadd.f32 v9, v15;
	v15 =	vand.u32 $0xFFFF0000, v14  }
0x19a: {  	v12 =	vadd.f32 v19, v12;
	v20 =	vshll.u32 v10, $0x10;
	v10 =	vand.u32 $0xFFFF0000, v10  }
0x19b: {  	v14 =	vshll.u32 v14, $0x10;
	v17 =	vadd.f32 v20, v17;
	v10 =	vadd.f32 v10, v22  }
0x19c: {  	v11 =	vadd.f32 v14, v11;
	v9 =	vadd.f32 v9, v18  }
0x19d: {  	v12 =	vadd.f32 v15, v12;
	v10 =	vadd.f32 v10, v17  }
0x19e: {  	s26 =	simm.s32 $0x0;
	[tilespmem:$0x13070] =	vst v9;
	v9 =	vadd.f32 v16, v13  }
0x19f: {  	v13 =	vadd.s32 s26, v0;
	[tilespmem:$0x13080] =	vst v10;
	v10 =	vadd.f32 v12, v11  }
0x1a0: {  	v13 =	vand.u32 $0x3F, v13;
	[tilespmem:$0x13090] =	vst v9  }
0x1a1: {  	v17 =	vor.u32 v5, v13;
	[tilespmem:$0x130A0] =	vst v10  }
0x1a2: {  	v21 =	vor.u32 v8, v13;
	v9 =	vld [tilespmem:s11+$0x89C0]  }
0x1a3: {  	v10 =	vld [tilespmem:s11+$0x89A0]  }
0x1a4: {  	s12 =	simm.s32 $0x1;
	v22 =	vor.u32 v7, v13;
	v16 =	vld [tilespmem:s11+$0x89B0]  }
0x1a5: {  	v30 =	vor.u32 v6, v13;
	v11 =	vadd.s32 s12, v0;
	v18 =	vld [tilespmem:s11+$0x89D0]  }
0x1a6: {  	v11 =	vand.u32 $0x3F, v11;
	v23 =	vld.idx.msk [tilespmem:v17+s30+$0x0], $0xffff  }
0x1a7: {  	v12 =	vor.u32 v7, v11;
	v28 =	vld.idx.msk [tilespmem:v21+s31+$0x0], $0xffff  }
0x1a8: {  	v17 =	vld.idx.msk [tilespmem:v17+s31+$0x0], $0xffff;
	v9 =	vshll.u32 v9, $0x6  }
0x1a9: {  	v29 =	vld.idx.msk [tilespmem:v22+s31+$0x0], $0xffff;
	v14 =	vor.u32 v9, v11  }
0x1aa: {  	v31 =	vld.idx.msk [tilespmem:v30+s30+$0x0], $0xffff  }
0x1ab: {  	v33 =	vld.idx.msk [tilespmem:v21+s30+$0x0], $0xffff  }
0x1ac: {  	v25 =	vor.u32 v5, v11;
	v19 =	vld.idx.msk [tilespmem:v12+s30+$0x0], $0xffff;
	v10 =	vshll.u32 v10, $0x6  }
0x1ad: {  	v12 =	vld.idx.msk [tilespmem:v12+s31+$0x0], $0xffff;
	v15 =	vor.u32 v10, v13  }
0x1ae: {  	v63 =	vor.u32 v9, v13;
	v26 =	vld.idx.msk [tilespmem:v14+s6+$0x0], $0xffff;
	v14 =	vshll.u32 v18, $0x6  }
0x1af: {  	v38 =	vld.idx.msk [tilespmem:v30+s31+$0x0], $0xffff;
	v18 =	vshll.u32 v16, $0x6;
	v24 =	vor.u32 v14, v13  }
0x1b0: {  	v40 =	vld.idx.msk [tilespmem:v22+s30+$0x0], $0xffff;
	v41 =	vor.u32 v18, v13  }
0x1b1: {  	v27 =	vor.u32 v6, v11;
	v37 =	vor.u32 v8, v11;
	v22 =	vimm.f32 $0.0e+00;
	v20 =	vld.idx.msk [tilespmem:v25+s31+$0x0], $0xffff  }
0x1b2: {  	v30 =	vmul.bf16 v17, v23;
	v23 =	vimm.f32 $0.0e+00;
	v17 =	vimm.f32 $0.0e+00;
	v15 =	vld.idx.msk [tilespmem:v15+s6+$0x0], $0xffff  }
0x1b3: {  	v21 =	vor.u32 v10, v11;
	v32 =	vmul.bf16 v12, v19;
	v19 =	vimm.f32 $0.0e+00;
	v39 =	vld.idx.msk [tilespmem:v63+s6+$0x0], $0xffff  }
0x1b4: {  	v12 =	vimm.f32 $0.0e+00;
	v16 =	vimm.f32 $0.0e+00;
	v34 =	vor.u32 v18, v11;
	v24 =	vld.idx.msk [tilespmem:v24+s6+$0x0], $0xffff  }
0x1b5: {  	s12 =	simm.s32 $0x2;
	v36 =	vor.u32 v14, v11;
	v13 =	vimm.f32 $0.0e+00;
	v11 =	vimm.f32 $0.0e+00;
	v35 =	vld.idx.msk [tilespmem:v41+s6+$0x0], $0xffff  }
.LBB2_11:
0x1b6: {  	s14 =	sadd.s32 $0x1, s12  }
0x1b7: {  	p1 =	slt.u32 s12, $0x3E;
	v25 =	vld.idx.msk [tilespmem:v25+s30+$0x0], $0xffff;
	s26 =	smov.u32 s12;
	s12 =	sadd.s32 $0x2, s12  }
0x1b8: {  	v28 =	vmul.bf16 v28, v33;
	v41 =	vadd.s32 s14, v0;
	v33 =	vld.idx.msk [tilespmem:v21+s6+$0x0], $0xffff  }
0x1b9: {  	v26 =	vmul.bf16 v26, v32;
	v31 =	vmul.bf16 v38, v31;
	v41 =	vand.u32 $0x3F, v41;
	v32 =	vld.idx.msk [tilespmem:v37+s31+$0x0], $0xffff  }
0x1ba: {  	v29 =	vmul.bf16 v29, v40;
	v21 =	vor.u32 v10, v41;
	v38 =	vor.u32 v7, v41;
	v40 =	vld.idx.msk [tilespmem:v27+s30+$0x0], $0xffff  }
0x1bb: {  	v42 =	vadd.s32 s26, v0;
	v44 =	vshll.u32 v26, $0x10;
	v43 =	vor.u32 v9, v41;
	v37 =	vld.idx.msk [tilespmem:v37+s30+$0x0], $0xffff  }
0x1bc: {  	v42 =	vand.u32 $0x3F, v42;
	v29 =	vmul.bf16 v39, v29;
	v39 =	vand.u32 $0xFFFF0000, v26;
	v34 =	vld.idx.msk [tilespmem:v34+s6+$0x0], $0xffff  }
0x1bd: {  	v45 =	vor.u32 v5, v42;
	v46 =	vor.u32 v6, v42;
	v31 =	vmul.bf16 v35, v31;
	v35 =	vld.idx.msk [tilespmem:v36+s6+$0x0], $0xffff  }
0x1be: {  	v47 =	vor.u32 v8, v42;
	v20 =	vmul.bf16 v20, v25;
	v36 =	vor.u32 v10, v42;
	v27 =	vld.idx.msk [tilespmem:v27+s31+$0x0], $0xffff  }
0x1bf: {  	v15 =	vmul.bf16 v15, v30;
	v25 =	vor.u32 v5, v41;
	v26 =	vand.u32 $0xFFFF0000, v29;
	v48 =	vld.idx.msk [tilespmem:v38+s30+$0x0], $0xffff  }
0x1c0: {  	v30 =	vor.u32 v7, v42;
	v16 =	vadd.f32 v26, v16;
	v49 =	vmul.bf16 v33, v20;
	v38 =	vld.idx.msk [tilespmem:v38+s31+$0x0], $0xffff  }
0x1c1: {  	v33 =	vshll.u32 v15, $0x10;
	v20 =	vmul.bf16 v32, v37;
	v26 =	vld.idx.msk [tilespmem:v43+s6+$0x0], $0xffff;
	v43 =	vand.u32 $0xFFFF0000, v15  }
0x1c2: {  	v51 =	vmul.bf16 v24, v28;
	v37 =	vor.u32 v14, v42;
	v16 =	vadd.f32 v39, v16;
	v50 =	vld.idx.msk [tilespmem:v45+s30+$0x0], $0xffff  }
0x1c3: {  	v24 =	vshll.u32 v31, $0x10;
	v32 =	vshll.u32 v49, $0x10;
	v35 =	vmul.bf16 v35, v20;
	v15 =	vld.idx.msk [tilespmem:v36+s6+$0x0], $0xffff  }
0x1c4: {  	v19 =	vadd.f32 v33, v19;
	v36 =	vshll.u32 v51, $0x10;
	v27 =	vmul.bf16 v27, v40;
	v20 =	vld.idx.msk [tilespmem:v25+s31+$0x0], $0xffff  }
0x1c5: {  	v31 =	vand.u32 $0xFFFF0000, v31;
	v33 =	vshll.u32 v29, $0x10;
	v22 =	vadd.f32 v43, v22;
	v28 =	vld.idx.msk [tilespmem:v47+s31+$0x0], $0xffff  }
0x1c6: {  	v23 =	vadd.f32 v31, v23;
	v43 =	vor.u32 v18, v42;
	v52 =	vshll.u32 v35, $0x10;
	v29 =	vld.idx.msk [tilespmem:v30+s31+$0x0], $0xffff  }
0x1c7: {  	v13 =	vadd.f32 v33, v13;
	v19 =	vadd.f32 v32, v19;
	v42 =	vor.u32 v9, v42;
	v39 =	vld.idx.msk [tilespmem:v45+s31+$0x0], $0xffff  }
0x1c8: {  	v35 =	vand.u32 $0xFFFF0000, v35;
	v32 =	vmul.bf16 v38, v48;
	v34 =	vmul.bf16 v34, v27;
	v31 =	vld.idx.msk [tilespmem:v46+s30+$0x0], $0xffff  }
0x1c9: {  	v17 =	vadd.f32 v24, v17;
	v13 =	vadd.f32 v44, v13;
	v40 =	vand.u32 $0xFFFF0000, v49;
	v33 =	vld.idx.msk [tilespmem:v47+s30+$0x0], $0xffff  }
.Ltmp4:
0x1ca: {  	v27 =	vor.u32 v6, v41;
	v44 =	vshll.u32 v34, $0x10;
	v24 =	vld.idx.msk [tilespmem:v37+s6+$0x0], $0xffff;
	v37 =	vand.u32 $0xFFFF0000, v51;
	(pc) =	sbr.rel @p1 .LBB2_11-.Ltmp4, $4  }
0x1cb: {  	v22 =	vadd.f32 v40, v22;
	v34 =	vand.u32 $0xFFFF0000, v34;
	v38 =	vld.idx.msk [tilespmem:v46+s31+$0x0], $0xffff;
	v12 =	vadd.f32 v37, v12  }
0x1cc: {  	v11 =	vadd.f32 v36, v11;
	v17 =	vadd.f32 v44, v17;
	v37 =	vor.u32 v8, v41;
	v40 =	vld.idx.msk [tilespmem:v30+s30+$0x0], $0xffff  }
0x1cd: {  	v23 =	vadd.f32 v34, v23;
	v30 =	vmul.bf16 v39, v50;
	v39 =	vld.idx.msk [tilespmem:v42+s6+$0x0], $0xffff;
	v12 =	vadd.f32 v35, v12  }
0x1ce: {  	v36 =	vor.u32 v14, v41;
	v11 =	vadd.f32 v52, v11;
	v34 =	vor.u32 v18, v41;
	v35 =	vld.idx.msk [tilespmem:v43+s6+$0x0], $0xffff  }
0x1cf: {  	_ =	sdelay $0x3  }
0x1d0: {  	v9 =	vld.idx.msk [tilespmem:v25+s30+$0x0], $0xffff  }
0x1d1: {  	v10 =	vld.idx.msk [tilespmem:v21+s6+$0x0], $0xffff  }
0x1d2: {  	v14 =	vld.idx.msk [tilespmem:v37+s31+$0x0], $0xffff  }
0x1d3: {  	v21 =	vmul.bf16 v26, v32;
	v25 =	vld.idx.msk [tilespmem:v37+s30+$0x0], $0xffff;
	v26 =	vmul.bf16 v28, v33  }
0x1d4: {  	v18 =	vmul.bf16 v29, v40  }
0x1d5: {  	v29 =	vmul.bf16 v38, v31;
	v24 =	vmul.bf16 v24, v26  }
0x1d6: {  	v62 =	vld.idx.msk [tilespmem:v36+s6+$0x0], $0xffff;
	v15 =	vmul.bf16 v15, v30;
	v31 =	vshll.u32 v21, $0x10;
	v18 =	vmul.bf16 v39, v18  }
0x1d7: {  	v28 =	vld.idx.msk [tilespmem:v27+s30+$0x0], $0xffff;
	v29 =	vmul.bf16 v35, v29;
	v26 =	vshll.u32 v24, $0x10;
	v9 =	vmul.bf16 v20, v9  }
0x1d8: {  	v20 =	vand.u32 $0xFFFF0000, v21;
	v21 =	vld.idx.msk [tilespmem:v27+s31+$0x0], $0xffff;
	v14 =	vmul.bf16 v14, v25;
	v27 =	vand.u32 $0xFFFF0000, v18  }
0x1d9: {  	v11 =	vadd.f32 v26, v11;
	v18 =	vshll.u32 v18, $0x10;
	v16 =	vadd.f32 v27, v16  }
0x1da: {  	v9 =	vmul.bf16 v10, v9;
	v10 =	vld.idx.msk [tilespmem:v34+s6+$0x0], $0xffff;
	v27 =	vshll.u32 v15, $0x10;
	v15 =	vand.u32 $0xFFFF0000, v15  }
0x1db: {  	v14 =	vmul.bf16 v62, v14;
	v13 =	vadd.f32 v18, v13;
	v19 =	vadd.f32 v27, v19  }
0x1dc: {  	v27 =	vand.u32 $0xFFFF0000, v29;
	v15 =	vadd.f32 v15, v22;
	v16 =	vadd.f32 v20, v16  }
0x1dd: {  	v20 =	vshll.u32 v29, $0x10;
	v25 =	vshll.u32 v9, $0x10;
	v21 =	vmul.bf16 v21, v28  }
0x1de: {  	v22 =	vadd.f32 v27, v23;
	v9 =	vand.u32 $0xFFFF0000, v9;
	v13 =	vadd.f32 v31, v13  }
0x1df: {  	v18 =	vadd.f32 v25, v19;
	v17 =	vadd.f32 v20, v17;
	v10 =	vmul.bf16 v10, v21  }
0x1e0: {  	v19 =	vand.u32 $0xFFFF0000, v24;
	v9 =	vadd.f32 v9, v15;
	v15 =	vand.u32 $0xFFFF0000, v14  }
0x1e1: {  	v12 =	vadd.f32 v19, v12;
	v20 =	vshll.u32 v10, $0x10;
	v10 =	vand.u32 $0xFFFF0000, v10  }
0x1e2: {  	v14 =	vshll.u32 v14, $0x10;
	v17 =	vadd.f32 v20, v17;
	v10 =	vadd.f32 v10, v22  }
0x1e3: {  	v11 =	vadd.f32 v14, v11;
	v9 =	vadd.f32 v9, v18  }
0x1e4: {  	v12 =	vadd.f32 v15, v12;
	v10 =	vadd.f32 v10, v17  }
0x1e5: {  	[tilespmem:$0x130B0] =	vst v9;
	v9 =	vadd.f32 v16, v13  }
0x1e6: {  	s11 =	sadd.s32 s7, s11;
	[tilespmem:$0x130C0] =	vst v10;
	v10 =	vadd.f32 v12, v11  }
0x1e7: {  	p1 =	seq.s32 s16, $0x27;
	s11 =	sshrl.u32 s11, $0x3;
	[tilespmem:$0x130D0] =	vst v9  }
0x1e8: {  	s10 =	smin.u32 @!p1 s10, $0x2590;
	s11 =	sadd.s32 s4, s11;
	[tilespmem:$0x130E0] =	vst v10  }
0x1e9: {  	[hbm4b:s11+s6] =	stream.linear.scatter [tilespmem:s17], [sflag:$0x5], $0x80, $0x38;
	[tilespmem:$0x1F5B0] =	vst v63  }
0x1ea: {  	s12 =	simm.s32 @!p1 $0x80;
	s14 =	simm.s32 @!p1 $0xB070;
	s11 =	sadd.s32 @!p1 $0x3C40, s10  }
0x1eb: {  	[tilespmem:s14], [sflag:$0x1] =	stream.indirect.gather @!p1 [spmem:s5], $0x40, s11, s12, $0xb8;
	[tilespmem:$0x1F5B0] =	vst v63  }
0x1ec: {  	s10 =	sadd.s32 @!p1 $0x6350, s10;
	s11 =	simm.s32 @!p1 $0xD070  }
0x1ed: {  	[tilespmem:s11], [sflag:$0x2] =	stream.indirect.gather @!p1 [spmem:s5], $0x40, s10, s12, $0xb8;
	[tilespmem:$0x1F5B0] =	vst v63  }
0x1ee: {  	_ =	swait.ge [sflag:s23], $0x2000  }
0x1ef: {  	[sflag:s23] =	ssyncset.done $0x0  }
0x1f0: {  	[sflag:s23] =	ssyncadd.s32 $0xFFFFE000  }
0x1f1: {  	_ =	swait.ge [sflag:s25], $0x2000  }
0x1f2: {  	[sflag:s25] =	ssyncset.done $0x0  }
0x1f3: {  	s14 =	simm.s32 $0x1;
	s10 =	simm.s32 @!p0 $0x6;
	[sflag:s25] =	ssyncadd.s32 $0xFFFFE000  }
0x1f4: {  	v11 =	vadd.s32 s14, v0;
	_ =	swait.ge @!p0 [sflag:s10], $0x80  }
0x1f5: {  	s26 =	simm.s32 $0x0;
	v11 =	vand.u32 $0x3F, v11;
	[sflag:s10] =	ssyncset.done @!p0 $0x0  }
0x1f6: {  	v13 =	vadd.s32 s26, v0;
	v12 =	vor.u32 v3, v11;
	[sflag:s10] =	ssyncadd.s32 @!p0 $0xFFFFFF80  }
0x1f7: {  	v13 =	vand.u32 $0x3F, v13;
	v9 =	vld [tilespmem:s9+$0x8980]  }
0x1f8: {  	v17 =	vor.u32 v1, v13;
	v10 =	vld [tilespmem:s9+$0x8960]  }
0x1f9: {  	v25 =	vor.u32 v1, v11;
	v16 =	vld [tilespmem:s9+$0x8970]  }
0x1fa: {  	v21 =	vor.u32 v4, v13;
	v18 =	vld [tilespmem:s9+$0x8990]  }
0x1fb: {  	v19 =	vld.idx.msk [tilespmem:v12+s3+$0x0], $0xffff  }
0x1fc: {  	v22 =	vor.u32 v3, v13;
	v12 =	vld.idx.msk [tilespmem:v12+s0+$0x0], $0xffff  }
0x1fd: {  	v30 =	vor.u32 v2, v13;
	v23 =	vld.idx.msk [tilespmem:v17+s3+$0x0], $0xffff;
	v9 =	vshll.u32 v9, $0x6  }
0x1fe: {  	v20 =	vld.idx.msk [tilespmem:v25+s0+$0x0], $0xffff;
	v14 =	vor.u32 v9, v11  }
0x1ff: {  	v28 =	vld.idx.msk [tilespmem:v21+s0+$0x0], $0xffff  }
0x200: {  	v17 =	vld.idx.msk [tilespmem:v17+s0+$0x0], $0xffff  }
0x201: {  	v29 =	vld.idx.msk [tilespmem:v22+s0+$0x0], $0xffff;
	v10 =	vshll.u32 v10, $0x6  }
0x202: {  	v31 =	vld.idx.msk [tilespmem:v30+s3+$0x0], $0xffff;
	v15 =	vor.u32 v10, v13  }
0x203: {  	v63 =	vor.u32 v9, v13;
	v26 =	vld.idx.msk [tilespmem:v14+s6+$0x0], $0xffff;
	v14 =	vshll.u32 v18, $0x6  }
0x204: {  	v33 =	vld.idx.msk [tilespmem:v21+s3+$0x0], $0xffff;
	v18 =	vshll.u32 v16, $0x6;
	v24 =	vor.u32 v14, v13  }
0x205: {  	v38 =	vld.idx.msk [tilespmem:v30+s0+$0x0], $0xffff;
	v41 =	vor.u32 v18, v13  }
0x206: {  	v27 =	vor.u32 v2, v11;
	v37 =	vor.u32 v4, v11;
	v40 =	vld.idx.msk [tilespmem:v22+s3+$0x0], $0xffff;
	v22 =	vimm.f32 $0.0e+00  }
0x207: {  	v32 =	vmul.bf16 v12, v19;
	v30 =	vmul.bf16 v17, v23;
	v19 =	vimm.f32 $0.0e+00;
	v15 =	vld.idx.msk [tilespmem:v15+s6+$0x0], $0xffff  }
0x208: {  	v23 =	vimm.f32 $0.0e+00;
	v17 =	vimm.f32 $0.0e+00;
	v21 =	vor.u32 v10, v11;
	v39 =	vld.idx.msk [tilespmem:v63+s6+$0x0], $0xffff  }
0x209: {  	v12 =	vimm.f32 $0.0e+00;
	v16 =	vimm.f32 $0.0e+00;
	v34 =	vor.u32 v18, v11;
	v24 =	vld.idx.msk [tilespmem:v24+s6+$0x0], $0xffff  }
0x20a: {  	s10 =	simm.s32 $0x2;
	v36 =	vor.u32 v14, v11;
	v13 =	vimm.f32 $0.0e+00;
	v11 =	vimm.f32 $0.0e+00;
	v35 =	vld.idx.msk [tilespmem:v41+s6+$0x0], $0xffff  }
.LBB2_13:
0x20b: {  	s11 =	sadd.s32 $0x1, s10  }
0x20c: {  	p0 =	slt.u32 s10, $0x3E;
	v25 =	vld.idx.msk [tilespmem:v25+s3+$0x0], $0xffff;
	s12 =	smov.u32 s10;
	s10 =	sadd.s32 $0x2, s10  }
0x20d: {  	v28 =	vmul.bf16 v28, v33;
	v41 =	vadd.s32 s11, v0;
	v33 =	vld.idx.msk [tilespmem:v21+s6+$0x0], $0xffff  }
0x20e: {  	v26 =	vmul.bf16 v26, v32;
	v31 =	vmul.bf16 v38, v31;
	v41 =	vand.u32 $0x3F, v41;
	v32 =	vld.idx.msk [tilespmem:v37+s0+$0x0], $0xffff  }
0x20f: {  	v29 =	vmul.bf16 v29, v40;
	v21 =	vor.u32 v10, v41;
	v38 =	vor.u32 v3, v41;
	v40 =	vld.idx.msk [tilespmem:v27+s3+$0x0], $0xffff  }
0x210: {  	v42 =	vadd.s32 s12, v0;
	v44 =	vshll.u32 v26, $0x10;
	v43 =	vor.u32 v9, v41;
	v37 =	vld.idx.msk [tilespmem:v37+s3+$0x0], $0xffff  }
0x211: {  	v42 =	vand.u32 $0x3F, v42;
	v29 =	vmul.bf16 v39, v29;
	v39 =	vand.u32 $0xFFFF0000, v26;
	v34 =	vld.idx.msk [tilespmem:v34+s6+$0x0], $0xffff  }
0x212: {  	v45 =	vor.u32 v1, v42;
	v46 =	vor.u32 v2, v42;
	v31 =	vmul.bf16 v35, v31;
	v35 =	vld.idx.msk [tilespmem:v36+s6+$0x0], $0xffff  }
0x213: {  	v47 =	vor.u32 v4, v42;
	v20 =	vmul.bf16 v20, v25;
	v36 =	vor.u32 v10, v42;
	v27 =	vld.idx.msk [tilespmem:v27+s0+$0x0], $0xffff  }
0x214: {  	v15 =	vmul.bf16 v15, v30;
	v25 =	vor.u32 v1, v41;
	v26 =	vand.u32 $0xFFFF0000, v29;
	v48 =	vld.idx.msk [tilespmem:v38+s3+$0x0], $0xffff  }
0x215: {  	v30 =	vor.u32 v3, v42;
	v16 =	vadd.f32 v26, v16;
	v49 =	vmul.bf16 v33, v20;
	v38 =	vld.idx.msk [tilespmem:v38+s0+$0x0], $0xffff  }
0x216: {  	v33 =	vshll.u32 v15, $0x10;
	v20 =	vmul.bf16 v32, v37;
	v26 =	vld.idx.msk [tilespmem:v43+s6+$0x0], $0xffff;
	v43 =	vand.u32 $0xFFFF0000, v15  }
0x217: {  	v51 =	vmul.bf16 v24, v28;
	v37 =	vor.u32 v14, v42;
	v16 =	vadd.f32 v39, v16;
	v50 =	vld.idx.msk [tilespmem:v45+s3+$0x0], $0xffff  }
0x218: {  	v24 =	vshll.u32 v31, $0x10;
	v32 =	vshll.u32 v49, $0x10;
	v35 =	vmul.bf16 v35, v20;
	v15 =	vld.idx.msk [tilespmem:v36+s6+$0x0], $0xffff  }
0x219: {  	v19 =	vadd.f32 v33, v19;
	v36 =	vshll.u32 v51, $0x10;
	v27 =	vmul.bf16 v27, v40;
	v20 =	vld.idx.msk [tilespmem:v25+s0+$0x0], $0xffff  }
0x21a: {  	v31 =	vand.u32 $0xFFFF0000, v31;
	v33 =	vshll.u32 v29, $0x10;
	v22 =	vadd.f32 v43, v22;
	v28 =	vld.idx.msk [tilespmem:v47+s0+$0x0], $0xffff  }
0x21b: {  	v23 =	vadd.f32 v31, v23;
	v43 =	vor.u32 v18, v42;
	v52 =	vshll.u32 v35, $0x10;
	v29 =	vld.idx.msk [tilespmem:v30+s0+$0x0], $0xffff  }
0x21c: {  	v13 =	vadd.f32 v33, v13;
	v19 =	vadd.f32 v32, v19;
	v42 =	vor.u32 v9, v42;
	v39 =	vld.idx.msk [tilespmem:v45+s0+$0x0], $0xffff  }
0x21d: {  	v35 =	vand.u32 $0xFFFF0000, v35;
	v32 =	vmul.bf16 v38, v48;
	v34 =	vmul.bf16 v34, v27;
	v31 =	vld.idx.msk [tilespmem:v46+s3+$0x0], $0xffff  }
0x21e: {  	v17 =	vadd.f32 v24, v17;
	v13 =	vadd.f32 v44, v13;
	v40 =	vand.u32 $0xFFFF0000, v49;
	v33 =	vld.idx.msk [tilespmem:v47+s3+$0x0], $0xffff  }
.Ltmp5:
0x21f: {  	v27 =	vor.u32 v2, v41;
	v44 =	vshll.u32 v34, $0x10;
	v24 =	vld.idx.msk [tilespmem:v37+s6+$0x0], $0xffff;
	v37 =	vand.u32 $0xFFFF0000, v51;
	(pc) =	sbr.rel @p0 .LBB2_13-.Ltmp5, $4  }
0x220: {  	v22 =	vadd.f32 v40, v22;
	v34 =	vand.u32 $0xFFFF0000, v34;
	v38 =	vld.idx.msk [tilespmem:v46+s0+$0x0], $0xffff;
	v12 =	vadd.f32 v37, v12  }
0x221: {  	v11 =	vadd.f32 v36, v11;
	v17 =	vadd.f32 v44, v17;
	v37 =	vor.u32 v4, v41;
	v40 =	vld.idx.msk [tilespmem:v30+s3+$0x0], $0xffff  }
0x222: {  	v23 =	vadd.f32 v34, v23;
	v30 =	vmul.bf16 v39, v50;
	v39 =	vld.idx.msk [tilespmem:v42+s6+$0x0], $0xffff;
	v12 =	vadd.f32 v35, v12  }
0x223: {  	v36 =	vor.u32 v14, v41;
	v11 =	vadd.f32 v52, v11;
	v34 =	vor.u32 v18, v41;
	v35 =	vld.idx.msk [tilespmem:v43+s6+$0x0], $0xffff  }
0x224: {  	_ =	sdelay $0x3  }
0x225: {  	v9 =	vld.idx.msk [tilespmem:v25+s3+$0x0], $0xffff  }
0x226: {  	v10 =	vld.idx.msk [tilespmem:v21+s6+$0x0], $0xffff  }
0x227: {  	v14 =	vld.idx.msk [tilespmem:v37+s0+$0x0], $0xffff  }
0x228: {  	v21 =	vmul.bf16 v26, v32;
	v25 =	vld.idx.msk [tilespmem:v37+s3+$0x0], $0xffff;
	v26 =	vmul.bf16 v28, v33  }
0x229: {  	v18 =	vmul.bf16 v29, v40  }
0x22a: {  	v29 =	vmul.bf16 v38, v31;
	v24 =	vmul.bf16 v24, v26  }
0x22b: {  	v62 =	vld.idx.msk [tilespmem:v36+s6+$0x0], $0xffff;
	v15 =	vmul.bf16 v15, v30;
	v31 =	vshll.u32 v21, $0x10;
	v18 =	vmul.bf16 v39, v18  }
0x22c: {  	v28 =	vld.idx.msk [tilespmem:v27+s3+$0x0], $0xffff;
	v29 =	vmul.bf16 v35, v29;
	v26 =	vshll.u32 v24, $0x10;
	v9 =	vmul.bf16 v20, v9  }
0x22d: {  	v20 =	vand.u32 $0xFFFF0000, v21;
	v21 =	vld.idx.msk [tilespmem:v27+s0+$0x0], $0xffff;
	v14 =	vmul.bf16 v14, v25;
	v27 =	vand.u32 $0xFFFF0000, v18  }
0x22e: {  	v11 =	vadd.f32 v26, v11;
	v18 =	vshll.u32 v18, $0x10;
	v16 =	vadd.f32 v27, v16  }
0x22f: {  	v9 =	vmul.bf16 v10, v9;
	v10 =	vld.idx.msk [tilespmem:v34+s6+$0x0], $0xffff;
	v27 =	vshll.u32 v15, $0x10;
	v15 =	vand.u32 $0xFFFF0000, v15  }
0x230: {  	v14 =	vmul.bf16 v62, v14;
	v13 =	vadd.f32 v18, v13;
	v19 =	vadd.f32 v27, v19  }
0x231: {  	v27 =	vand.u32 $0xFFFF0000, v29;
	v15 =	vadd.f32 v15, v22;
	v16 =	vadd.f32 v20, v16  }
0x232: {  	v20 =	vshll.u32 v29, $0x10;
	v25 =	vshll.u32 v9, $0x10;
	v21 =	vmul.bf16 v21, v28  }
0x233: {  	v22 =	vadd.f32 v27, v23;
	v9 =	vand.u32 $0xFFFF0000, v9;
	v13 =	vadd.f32 v31, v13  }
0x234: {  	v18 =	vadd.f32 v25, v19;
	v17 =	vadd.f32 v20, v17;
	v10 =	vmul.bf16 v10, v21  }
0x235: {  	v19 =	vand.u32 $0xFFFF0000, v24;
	v9 =	vadd.f32 v9, v15;
	v15 =	vand.u32 $0xFFFF0000, v14  }
0x236: {  	v12 =	vadd.f32 v19, v12;
	v20 =	vshll.u32 v10, $0x10;
	v10 =	vand.u32 $0xFFFF0000, v10  }
0x237: {  	v14 =	vshll.u32 v14, $0x10;
	v17 =	vadd.f32 v20, v17;
	v10 =	vadd.f32 v10, v22  }
0x238: {  	v11 =	vadd.f32 v14, v11;
	v9 =	vadd.f32 v9, v18  }
0x239: {  	v12 =	vadd.f32 v15, v12;
	v10 =	vadd.f32 v10, v17  }
0x23a: {  	s26 =	simm.s32 $0x0;
	[tilespmem:$0x130F0] =	vst v9;
	v9 =	vadd.f32 v16, v13  }
0x23b: {  	v13 =	vadd.s32 s26, v0;
	[tilespmem:$0x13100] =	vst v10;
	v10 =	vadd.f32 v12, v11  }
0x23c: {  	v13 =	vand.u32 $0x3F, v13;
	[tilespmem:$0x13110] =	vst v9  }
0x23d: {  	v17 =	vor.u32 v5, v13;
	[tilespmem:$0x13120] =	vst v10  }
0x23e: {  	v21 =	vor.u32 v8, v13;
	v9 =	vld [tilespmem:s9+$0x89C0]  }
0x23f: {  	v10 =	vld [tilespmem:s9+$0x89A0]  }
0x240: {  	s10 =	simm.s32 $0x1;
	v22 =	vor.u32 v7, v13;
	v16 =	vld [tilespmem:s9+$0x89B0]  }
0x241: {  	v30 =	vor.u32 v6, v13;
	v11 =	vadd.s32 s10, v0;
	v18 =	vld [tilespmem:s9+$0x89D0]  }
0x242: {  	v11 =	vand.u32 $0x3F, v11;
	v23 =	vld.idx.msk [tilespmem:v17+s3+$0x0], $0xffff  }
0x243: {  	v12 =	vor.u32 v7, v11;
	v28 =	vld.idx.msk [tilespmem:v21+s0+$0x0], $0xffff  }
0x244: {  	v17 =	vld.idx.msk [tilespmem:v17+s0+$0x0], $0xffff;
	v9 =	vshll.u32 v9, $0x6  }
0x245: {  	v29 =	vld.idx.msk [tilespmem:v22+s0+$0x0], $0xffff;
	v14 =	vor.u32 v9, v11  }
0x246: {  	v31 =	vld.idx.msk [tilespmem:v30+s3+$0x0], $0xffff  }
0x247: {  	v33 =	vld.idx.msk [tilespmem:v21+s3+$0x0], $0xffff  }
0x248: {  	v25 =	vor.u32 v5, v11;
	v19 =	vld.idx.msk [tilespmem:v12+s3+$0x0], $0xffff;
	v10 =	vshll.u32 v10, $0x6  }
0x249: {  	v12 =	vld.idx.msk [tilespmem:v12+s0+$0x0], $0xffff;
	v15 =	vor.u32 v10, v13  }
0x24a: {  	v63 =	vor.u32 v9, v13;
	v26 =	vld.idx.msk [tilespmem:v14+s6+$0x0], $0xffff;
	v14 =	vshll.u32 v18, $0x6  }
0x24b: {  	v38 =	vld.idx.msk [tilespmem:v30+s0+$0x0], $0xffff;
	v18 =	vshll.u32 v16, $0x6;
	v24 =	vor.u32 v14, v13  }
0x24c: {  	v40 =	vld.idx.msk [tilespmem:v22+s3+$0x0], $0xffff;
	v41 =	vor.u32 v18, v13  }
0x24d: {  	v27 =	vor.u32 v6, v11;
	v37 =	vor.u32 v8, v11;
	v22 =	vimm.f32 $0.0e+00;
	v20 =	vld.idx.msk [tilespmem:v25+s0+$0x0], $0xffff  }
0x24e: {  	v30 =	vmul.bf16 v17, v23;
	v23 =	vimm.f32 $0.0e+00;
	v17 =	vimm.f32 $0.0e+00;
	v15 =	vld.idx.msk [tilespmem:v15+s6+$0x0], $0xffff  }
0x24f: {  	v21 =	vor.u32 v10, v11;
	v32 =	vmul.bf16 v12, v19;
	v19 =	vimm.f32 $0.0e+00;
	v39 =	vld.idx.msk [tilespmem:v63+s6+$0x0], $0xffff  }
0x250: {  	v12 =	vimm.f32 $0.0e+00;
	v16 =	vimm.f32 $0.0e+00;
	v34 =	vor.u32 v18, v11;
	v24 =	vld.idx.msk [tilespmem:v24+s6+$0x0], $0xffff  }
0x251: {  	s10 =	simm.s32 $0x2;
	v36 =	vor.u32 v14, v11;
	v13 =	vimm.f32 $0.0e+00;
	v11 =	vimm.f32 $0.0e+00;
	v35 =	vld.idx.msk [tilespmem:v41+s6+$0x0], $0xffff  }
.LBB2_15:
0x252: {  	s11 =	sadd.s32 $0x1, s10  }
0x253: {  	p0 =	slt.u32 s10, $0x3E;
	v25 =	vld.idx.msk [tilespmem:v25+s3+$0x0], $0xffff;
	s12 =	smov.u32 s10;
	s10 =	sadd.s32 $0x2, s10  }
0x254: {  	v28 =	vmul.bf16 v28, v33;
	v41 =	vadd.s32 s11, v0;
	v33 =	vld.idx.msk [tilespmem:v21+s6+$0x0], $0xffff  }
0x255: {  	v26 =	vmul.bf16 v26, v32;
	v31 =	vmul.bf16 v38, v31;
	v41 =	vand.u32 $0x3F, v41;
	v32 =	vld.idx.msk [tilespmem:v37+s0+$0x0], $0xffff  }
0x256: {  	v29 =	vmul.bf16 v29, v40;
	v21 =	vor.u32 v10, v41;
	v38 =	vor.u32 v7, v41;
	v40 =	vld.idx.msk [tilespmem:v27+s3+$0x0], $0xffff  }
0x257: {  	v42 =	vadd.s32 s12, v0;
	v44 =	vshll.u32 v26, $0x10;
	v43 =	vor.u32 v9, v41;
	v37 =	vld.idx.msk [tilespmem:v37+s3+$0x0], $0xffff  }
0x258: {  	v42 =	vand.u32 $0x3F, v42;
	v29 =	vmul.bf16 v39, v29;
	v39 =	vand.u32 $0xFFFF0000, v26;
	v34 =	vld.idx.msk [tilespmem:v34+s6+$0x0], $0xffff  }
0x259: {  	v45 =	vor.u32 v5, v42;
	v46 =	vor.u32 v6, v42;
	v31 =	vmul.bf16 v35, v31;
	v35 =	vld.idx.msk [tilespmem:v36+s6+$0x0], $0xffff  }
0x25a: {  	v47 =	vor.u32 v8, v42;
	v20 =	vmul.bf16 v20, v25;
	v36 =	vor.u32 v10, v42;
	v27 =	vld.idx.msk [tilespmem:v27+s0+$0x0], $0xffff  }
0x25b: {  	v15 =	vmul.bf16 v15, v30;
	v25 =	vor.u32 v5, v41;
	v26 =	vand.u32 $0xFFFF0000, v29;
	v48 =	vld.idx.msk [tilespmem:v38+s3+$0x0], $0xffff  }
0x25c: {  	v30 =	vor.u32 v7, v42;
	v16 =	vadd.f32 v26, v16;
	v49 =	vmul.bf16 v33, v20;
	v38 =	vld.idx.msk [tilespmem:v38+s0+$0x0], $0xffff  }
0x25d: {  	v33 =	vshll.u32 v15, $0x10;
	v20 =	vmul.bf16 v32, v37;
	v26 =	vld.idx.msk [tilespmem:v43+s6+$0x0], $0xffff;
	v43 =	vand.u32 $0xFFFF0000, v15  }
0x25e: {  	v51 =	vmul.bf16 v24, v28;
	v37 =	vor.u32 v14, v42;
	v16 =	vadd.f32 v39, v16;
	v50 =	vld.idx.msk [tilespmem:v45+s3+$0x0], $0xffff  }
0x25f: {  	v24 =	vshll.u32 v31, $0x10;
	v32 =	vshll.u32 v49, $0x10;
	v35 =	vmul.bf16 v35, v20;
	v15 =	vld.idx.msk [tilespmem:v36+s6+$0x0], $0xffff  }
0x260: {  	v19 =	vadd.f32 v33, v19;
	v36 =	vshll.u32 v51, $0x10;
	v27 =	vmul.bf16 v27, v40;
	v20 =	vld.idx.msk [tilespmem:v25+s0+$0x0], $0xffff  }
0x261: {  	v31 =	vand.u32 $0xFFFF0000, v31;
	v33 =	vshll.u32 v29, $0x10;
	v22 =	vadd.f32 v43, v22;
	v28 =	vld.idx.msk [tilespmem:v47+s0+$0x0], $0xffff  }
0x262: {  	v23 =	vadd.f32 v31, v23;
	v43 =	vor.u32 v18, v42;
	v52 =	vshll.u32 v35, $0x10;
	v29 =	vld.idx.msk [tilespmem:v30+s0+$0x0], $0xffff  }
0x263: {  	v13 =	vadd.f32 v33, v13;
	v19 =	vadd.f32 v32, v19;
	v42 =	vor.u32 v9, v42;
	v39 =	vld.idx.msk [tilespmem:v45+s0+$0x0], $0xffff  }
0x264: {  	v35 =	vand.u32 $0xFFFF0000, v35;
	v32 =	vmul.bf16 v38, v48;
	v34 =	vmul.bf16 v34, v27;
	v31 =	vld.idx.msk [tilespmem:v46+s3+$0x0], $0xffff  }
0x265: {  	v17 =	vadd.f32 v24, v17;
	v13 =	vadd.f32 v44, v13;
	v40 =	vand.u32 $0xFFFF0000, v49;
	v33 =	vld.idx.msk [tilespmem:v47+s3+$0x0], $0xffff  }
.Ltmp6:
0x266: {  	v27 =	vor.u32 v6, v41;
	v44 =	vshll.u32 v34, $0x10;
	v24 =	vld.idx.msk [tilespmem:v37+s6+$0x0], $0xffff;
	v37 =	vand.u32 $0xFFFF0000, v51;
	(pc) =	sbr.rel @p0 .LBB2_15-.Ltmp6, $4  }
0x267: {  	v22 =	vadd.f32 v40, v22;
	v34 =	vand.u32 $0xFFFF0000, v34;
	v38 =	vld.idx.msk [tilespmem:v46+s0+$0x0], $0xffff;
	v12 =	vadd.f32 v37, v12  }
0x268: {  	v11 =	vadd.f32 v36, v11;
	v17 =	vadd.f32 v44, v17;
	v37 =	vor.u32 v8, v41;
	v40 =	vld.idx.msk [tilespmem:v30+s3+$0x0], $0xffff  }
0x269: {  	v23 =	vadd.f32 v34, v23;
	v30 =	vmul.bf16 v39, v50;
	v39 =	vld.idx.msk [tilespmem:v42+s6+$0x0], $0xffff;
	v12 =	vadd.f32 v35, v12  }
0x26a: {  	v36 =	vor.u32 v14, v41;
	v11 =	vadd.f32 v52, v11;
	v34 =	vor.u32 v18, v41;
	v35 =	vld.idx.msk [tilespmem:v43+s6+$0x0], $0xffff  }
0x26b: {  	_ =	sdelay $0x3  }
0x26c: {  	v9 =	vld.idx.msk [tilespmem:v25+s3+$0x0], $0xffff  }
0x26d: {  	v10 =	vld.idx.msk [tilespmem:v21+s6+$0x0], $0xffff  }
0x26e: {  	v18 =	vld.idx.msk [tilespmem:v37+s0+$0x0], $0xffff  }
0x26f: {  	v45 =	vmul.bf16 v26, v32;
	v46 =	vld.idx.msk [tilespmem:v37+s3+$0x0], $0xffff;
	v47 =	vmul.bf16 v28, v33  }
0x270: {  	v48 =	vld.idx.msk [tilespmem:v27+s3+$0x0], $0xffff;
	v15 =	vmul.bf16 v15, v30;
	v49 =	vmul.bf16 v38, v31  }
0x271: {  	v53 =	vld.idx.msk [tilespmem:v27+s0+$0x0], $0xffff;
	v14 =	vmul.bf16 v29, v40;
	v50 =	vshll.u32 v45, $0x10;
	v52 =	vand.u32 $0xFFFF0000, v45  }
0x272: {  	v55 =	vshll.u32 v15, $0x10;
	v15 =	vand.u32 $0xFFFF0000, v15;
	v24 =	vmul.bf16 v24, v47  }
0x273: {  	v19 =	vadd.f32 v55, v19;
	v15 =	vadd.f32 v15, v22;
	v9 =	vmul.bf16 v20, v9  }
0x274: {  	v51 =	vld.idx.msk [tilespmem:v36+s6+$0x0], $0xffff;
	v14 =	vmul.bf16 v39, v14;
	v29 =	vmul.bf16 v35, v49;
	v26 =	vshll.u32 v24, $0x10  }
0x275: {  	v61 =	vand.u32 $0xFFFF0000, v24;
	v18 =	vmul.bf16 v18, v46;
	v9 =	vmul.bf16 v10, v9;
	v10 =	vld.idx.msk [tilespmem:v34+s6+$0x0], $0xffff  }
0x276: {  	v21 =	vmul.bf16 v53, v48;
	v12 =	vadd.f32 v61, v12;
	v11 =	vadd.f32 v26, v11  }
0x277: {  	v54 =	vand.u32 $0xFFFF0000, v14;
	v56 =	vshll.u32 v29, $0x10;
	v58 =	vand.u32 $0xFFFF0000, v29  }
0x278: {  	v14 =	vshll.u32 v14, $0x10;
	v16 =	vadd.f32 v54, v16;
	v59 =	vadd.f32 v58, v23  }
0x279: {  	v18 =	vmul.bf16 v51, v18;
	v13 =	vadd.f32 v14, v13;
	v17 =	vadd.f32 v56, v17  }
0x27a: {  	v16 =	vadd.f32 v52, v16;
	v57 =	vshll.u32 v9, $0x10;
	v10 =	vmul.bf16 v10, v21  }
0x27b: {  	v9 =	vand.u32 $0xFFFF0000, v9;
	v13 =	vadd.f32 v50, v13;
	v60 =	vadd.f32 v57, v19  }
0x27c: {  	v9 =	vadd.f32 v9, v15;
	v62 =	vshll.u32 v10, $0x10;
	v10 =	vand.u32 $0xFFFF0000, v10  }
0x27d: {  	v63 =	vand.u32 $0xFFFF0000, v18;
	v17 =	vadd.f32 v62, v17;
	v10 =	vadd.f32 v10, v59  }
0x27e: {  	s16 =	sadd.s32 $0x1, s16;
	v18 =	vshll.u32 v18, $0x10;
	v12 =	vadd.f32 v63, v12;
	v9 =	vadd.f32 v9, v60  }
0x27f: {  	p0 =	sne.s32 s16, $0x28;
	v11 =	vadd.f32 v18, v11;
	v10 =	vadd.f32 v10, v17  }
.Ltmp7:
0x280: {  	[tilespmem:$0x13130] =	vst v9;
	v9 =	vadd.f32 v16, v13;
	(pc) =	sbr.rel @p0 .LBB2_8-.Ltmp7, $4  }
0x281: {  	s9 =	sadd.s32 s7, s9;
	[tilespmem:$0x13140] =	vst v10;
	v10 =	vadd.f32 v12, v11  }
0x282: {  	s9 =	sshrl.u32 s9, $0x3;
	[tilespmem:$0x13150] =	vst v9  }
0x283: {  	s9 =	sadd.s32 s4, s9;
	[tilespmem:$0x13160] =	vst v10  }
0x284: {  	[hbm4b:s9+s6] =	stream.linear.scatter [tilespmem:s18], [sflag:$0x6], $0x80, $0x38;
	[tilespmem:$0x1F5B0] =	vst v63  }
0x285: {  	s9 =	simm.s32 $0x5  }
0x286: {  	_ =	swait.ge [sflag:s9], $0x80  }
0x287: {  	[sflag:s9] =	ssyncset.done $0x0  }
0x288: {  	[sflag:s9] =	ssyncadd.s32 $0xFFFFFF80  }
0x289: {  	_ =	swait.ge [sflag:s28], $0x80  }
0x28a: {  	s1 =	sadd.s32 $0x1, s1;
	s26 =	rddreg [dreg:$0xa]  }
0x28b: {  	p0 =	sne.s32 s1, s26  }
.Ltmp8:
0x28c: {  	_ = 	snop;
	(pc) =	sbr.rel @p0 .LBB2_1-.Ltmp8, $3  }
0x28d: {  	_ =	sdelay $0x1  }
0x28e: {  	[sflag:s28] =	ssyncset.done $0x0  }
0x28f: {  	[sflag:s28] =	ssyncadd.s32 $0xFFFFFF80  }
0x290: {  	_ =	sfence.sel $0x180000  }
0x291: {  	[bflag:$0x0] =	sbarrier.arrive $0xFFFF  }
0x292: {  	_ =	strace $0x90000047  }
0x293: {  	s0 =	stileid.u32;
	[bflag:$0x2] =	sbarrier.arrive $0xFFFF  }
0x294: {  	p0 =	sne.s32 s0, $0x0;
	s0 =	rddreg [dreg:$0x5]  }
0x295: {  	s0 =	sadd.s32 @!p0 $0x100000, s0  }
0x296: {  	[sflag:s0] =	ssyncadd.tile.s32 @!p0 $0x1;
	_ =	shalt  }
.Lfunc_end2:
_tile_overlayer_lowered:
.L_overlay_start_2:
0x297: {  	(tag) =	ssettag $0x2  }
0x298: {  	s0 =	rddreg [dreg:$0x0];
	s2 =	stileid.u32  }
0x299: {  	s1 =	rddreg [dreg:$0x1];
	p0 =	sne.s32 s2, $0x0  }
0x29a: {  	s3 =	rddreg [dreg:$0x2];
	[bflag:$0x3] =	sbarrier.arrive $0xFFFF;
	s2 =	simm.s32 @!p0 $0x1C07  }
0x29b: {  	[timem:s3], [sflag:s2] =	dma.local @!p0 [hbm:s0], s1  }
0x29c: {  	s0 =	simm.s32 @!p0 $0x7  }
0x29d: {  	_ =	swait.ge @!p0 [sflag:s0], s1  }
0x29e: {  	s1 =	ssub.s32 @!p0 $0x0, s1;
	[sflag:s0] =	ssyncset.done @!p0 $0x0  }
0x29f: {  	[sflag:s0] =	ssyncadd.s32 @!p0 s1  }
0x2a0: {  	[bflag:$0x3] =	sbarrier.arrive $0xFFFF  }
0x2a1: {  	_ =	shalt  }

</sc_bundles>
